<compile_context>
chip_gen: v7x
topology: tpu7x:2x2x1
jax: 0.10.2.dev20260603
libtpu: 0.0.44.dev20260713+nightly
codegen_flags: <defaults>
</compile_context>

<pallas_src>
import functools

import jax
import jax.numpy as jnp
from jax import lax
from jax.experimental import pallas as pl
from jax.experimental.pallas import tpu as pltpu
from jax.experimental.pallas import tpu_sc as plsc

N_CLUSTERS = 1024
EMBED_DIM = 256
DECAY = 0.99
EPS = 1e-05
BATCH = 16384

_BB = 2048



def _assign_body(x_ref, c_ref, c2_ref, idx_ref):
    x = x_ref[...]
    c = c_ref[...]
    norm = jnp.sqrt(jnp.sum(x * x, axis=1, keepdims=True))
    xn = x / jnp.maximum(norm, 1e-12)
    xn2 = jnp.sum(xn * xn, axis=1, keepdims=True)
    mm = lax.dot_general(xn, c, (((1,), (1,)), ((), ())))
    d = (xn2 + c2_ref[...]) - 2.0 * mm
    m = jnp.min(d, axis=1, keepdims=True)
    ii = lax.broadcasted_iota(jnp.int32, d.shape, 1)
    idx_ref[...] = jnp.min(jnp.where(d == m, ii, N_CLUSTERS), axis=1,
                           keepdims=True)


def _assign(x, c2, centroids):
    return pl.pallas_call(
        _assign_body,
        grid=(BATCH // _BB,),
        in_specs=[
            pl.BlockSpec((_BB, EMBED_DIM), lambda i: (i, 0)),
            pl.BlockSpec((N_CLUSTERS, EMBED_DIM), lambda i: (0, 0)),
            pl.BlockSpec((1, N_CLUSTERS), lambda i: (0, 0)),
        ],
        out_specs=pl.BlockSpec((_BB, 1), lambda i: (i, 0)),
        out_shape=jax.ShapeDtypeStruct((BATCH, 1), jnp.int32),
    )(x, centroids, c2)


_NC, _NS, _L = 2, 16, 16
_NSL = 4
_NG = 8
_CS = EMBED_DIM // _NSL
_RG = BATCH // _NG
_CHR = 256
_PAD = _CS + 1

_sc_mesh = plsc.VectorSubcoreMesh(core_axis_name="c", subcore_axis_name="s")


@functools.partial(
    pl.kernel,
    mesh=_sc_mesh,
    out_type=jax.ShapeDtypeStruct((BATCH, EMBED_DIM), jnp.float32),
    scratch_types=[
        pltpu.VMEM((_RG,), jnp.int32),
        pltpu.VMEM((N_CLUSTERS, _PAD), jnp.float32),
        pltpu.VMEM((_CHR, _PAD), jnp.float32),
        pltpu.VMEM((_CHR, _PAD), jnp.float32),
        pltpu.SemaphoreType.DMA,
        pltpu.SemaphoreType.DMA,
    ],
    compiler_params=pltpu.CompilerParams(use_tc_tiling_on_sc=False,
                                        needs_layout_passes=False),
)
def _sc_gather(idx8_hbm, cent_hbm, quant_hbm, idxbuf, tbl, ob0, ob1,
               s0, s1):
    cid = lax.axis_index("c")
    sid = lax.axis_index("s")
    sl = sid % _NSL
    rg = cid * (_NG // _NC) + sid // _NSL
    base = rg * _RG
    col0 = sl * _CS
    pltpu.sync_copy(idx8_hbm.at[rg], idxbuf)
    pltpu.sync_copy(cent_hbm.at[:, pl.ds(col0, _CS)], tbl.at[:, pl.ds(0, _CS)])
    lane = lax.iota(jnp.int32, _L)
    obufs = (ob0, ob1)
    sems = (s0, s1)
    nchunk = _RG // _CHR

    def _chunk(ci, carry):
        for p in range(2):
            @pl.when(lax.rem(ci, 2) == p)
            def _():
                ob = obufs[p]
                sem = sems[p]

                @pl.when(ci >= 2)
                def _():
                    pltpu.make_async_copy(
                        ob.at[:, pl.ds(0, _CS)],
                        quant_hbm.at[pl.ds(base, _CHR), pl.ds(col0, _CS)],
                        sem).wait()

                colvecs = [lane + (cb * _L) for cb in range(_CS // _L)]

                def _group(gi, c2):
                    idx16 = idxbuf[pl.ds(ci * _CHR + gi * _L, _L)]
                    for k in range(_L):
                        kk = jnp.full((_L,), k, jnp.int32)
                        rbc = idx16[kk]
                        vs = [plsc.load_gather(tbl, [rbc, cv])
                              for cv in colvecs]
                        for cb, v in enumerate(vs):
                            ob[gi * _L + k, pl.ds(cb * _L, _L)] = v
                    return c2

                lax.fori_loop(0, _CHR // _L, _group, 0)
                pltpu.async_copy(
                    ob.at[:, pl.ds(0, _CS)],
                    quant_hbm.at[pl.ds(base + ci * _CHR, _CHR),
                                 pl.ds(col0, _CS)], sem)
        return carry

    lax.fori_loop(0, nchunk, _chunk, 0)
    for p in range(2):
        pltpu.make_async_copy(
            obufs[p].at[:, pl.ds(0, _CS)],
            quant_hbm.at[pl.ds(base, _CHR), pl.ds(col0, _CS)],
            sems[p]).wait()




def _update_body(idx_ref, x_ref, ema_sz_ref, ema_w_ref, out_ref,
                 dw_acc, cnt_acc):
    i = pl.program_id(0)
    ii = lax.broadcasted_iota(jnp.int32, (_BB, N_CLUSTERS), 1)
    oh = (ii == idx_ref[...]).astype(jnp.float32)
    ones_col = jnp.ones((_BB, 1), jnp.float32)
    dw_p = lax.dot_general(oh, x_ref[...], (((0,), (0,)), ((), ())))
    cnt_p = lax.dot_general(oh, ones_col, (((0,), (0,)), ((), ())))

    @pl.when(i == 0)
    def _():
        dw_acc[...] = dw_p
        cnt_acc[...] = cnt_p

    @pl.when(i > 0)
    def _():
        dw_acc[...] += dw_p
        cnt_acc[...] += cnt_p

    @pl.when(i == pl.num_programs(0) - 1)
    def _():
        ns = ema_sz_ref[...] * DECAY + (1.0 - DECAY) * cnt_acc[...]
        n = jnp.sum(ns)
        ns2 = (ns + EPS) / (n + N_CLUSTERS * EPS) * n
        new_ema_w = ema_w_ref[...] * DECAY + (1.0 - DECAY) * dw_acc[...]
        out_ref[...] = new_ema_w / ns2


def _update(idx2, x, ema_sz, ema_w):
    return pl.pallas_call(
        _update_body,
        grid=(BATCH // _BB,),
        in_specs=[
            pl.BlockSpec((_BB, 1), lambda i: (i, 0)),
            pl.BlockSpec((_BB, EMBED_DIM), lambda i: (i, 0)),
            pl.BlockSpec((N_CLUSTERS, 1), lambda i: (0, 0)),
            pl.BlockSpec((N_CLUSTERS, EMBED_DIM), lambda i: (0, 0)),
        ],
        out_specs=pl.BlockSpec((N_CLUSTERS, EMBED_DIM), lambda i: (0, 0)),
        out_shape=jax.ShapeDtypeStruct((N_CLUSTERS, EMBED_DIM), jnp.float32),
        scratch_shapes=[
            pltpu.VMEM((N_CLUSTERS, EMBED_DIM), jnp.float32),
            pltpu.VMEM((N_CLUSTERS, 1), jnp.float32),
        ],
    )(idx2, x, ema_sz, ema_w)


def kernel(X, centroids, ema_cluster_size, ema_w):
    c2 = jnp.sum(centroids ** 2, axis=1)[None, :]

    idx2 = _assign(X, c2, centroids)
    idx8 = idx2.reshape(_NG, _RG)

    new_centroids = _update(idx2, X, ema_cluster_size.reshape(N_CLUSTERS, 1),
                            ema_w)
    quant = _sc_gather(idx8, centroids)
    return quant, idx2, new_centroids

# --- scband reference (transcript-rebuilt; emitter-appended) ---
"""Pipeline reference for scband-hdqn-kmeans-10668698763654 (READ-ONLY COPY).

The authoritative reference and input builder live on the scoring server;
editing this copy changes nothing except your own understanding.
"""

import jax, jax.numpy as jnp
import numpy as np

N_CLUSTERS = 1024
EMBED_DIM = 256
DECAY = 0.99
EPS = 1e-05
BATCH = 16384


def setup_inputs(seed: int = 0) -> dict:
    key = jax.random.key(seed)
    k1, k2, k3 = jax.random.split(key, 3)
    X = jax.random.normal(k1, (BATCH, EMBED_DIM), dtype=jnp.float32)
    # learned / buffer state of Batch_KMeans, initialized as in __init__
    centroids = jax.random.normal(k2, (N_CLUSTERS, EMBED_DIM), dtype=jnp.float32)
    ema_cluster_size = jnp.zeros((N_CLUSTERS,), dtype=jnp.float32)
    ema_w = jax.random.normal(k3, (N_CLUSTERS, EMBED_DIM), dtype=jnp.float32)
    return {"X": X, "centroids": centroids, "ema_cluster_size": ema_cluster_size, "ema_w": ema_w}


def _l2_normalize(x, eps=1e-12):
    # matches torch.nn.functional.normalize(p=2, dim=1)
    norm = jnp.linalg.norm(x, ord=2, axis=1, keepdims=True)
    return x / jnp.clip(norm, eps, None)


def reference(X, centroids, ema_cluster_size, ema_w):
    # _compute_distances: normalize a local copy of X, then squared-euclidean expansion
    Xn = _l2_normalize(X)
    distances = (jnp.sum(Xn ** 2, axis=1, keepdims=True)
                 + jnp.sum(centroids ** 2, axis=1)
                 - 2.0 * jnp.matmul(Xn, centroids.T))
    # assign_update_centroid
    cluster_indices = jnp.argmin(distances, axis=1)
    cluster_onehots = jax.nn.one_hot(cluster_indices, N_CLUSTERS, dtype=X.dtype)
    quantized = jnp.matmul(cluster_onehots, centroids)
    # EMA centroid update (update_centroid=True path); note dw uses the ORIGINAL X
    new_size = ema_cluster_size * DECAY + (1.0 - DECAY) * jnp.sum(cluster_onehots, axis=0)
    n = jnp.sum(new_size)
    new_size = (new_size + EPS) / (n + N_CLUSTERS * EPS) * n
    dw = jnp.matmul(cluster_onehots.T, X)
    new_ema_w = ema_w * DECAY + (1.0 - DECAY) * dw
    new_centroids = new_ema_w / new_size[:, None]
    return quantized, cluster_indices[:, None], new_centroids

if __name__ == "__main__":
    import jax
    _d = setup_inputs()
    print(jax.jit(kernel)(*tuple(_d.values())))

</pallas_src>

<mosaic_0001>
#map = affine_map<(d0, d1) -> (0, 0)>
module attributes {stable_mosaic.version = 14 : i64} {
  func.func @_sc_gather(%arg0: i32, %arg1: i32, %arg2: memref<8x2048xi32, #tpu.memory_space<hbm>>, %arg3: memref<1024x256xf32, #tpu.memory_space<hbm>>, %arg4: memref<16384x256xf32, #tpu.memory_space<hbm>>, %arg5: memref<2048xi32, #tpu.memory_space<vmem>>, %arg6: memref<1024x65xf32, #tpu.memory_space<vmem>>, %arg7: memref<256x65xf32, #tpu.memory_space<vmem>>, %arg8: memref<256x65xf32, #tpu.memory_space<vmem>>, %arg9: memref<!tpu.dma_semaphore, #tpu.memory_space<semaphore_mem>>, %arg10: memref<!tpu.dma_semaphore, #tpu.memory_space<semaphore_mem>>) attributes {dimension_semantics = [#tpu.dimension_semantics<core_parallel>, #tpu.dimension_semantics<subcore_parallel>], iteration_bounds = array<i64: 2, 16>, scalar_prefetch = 0 : i64, scratch_operands = 6 : i64, tpu.core_type = #tpu.core_type<sc_vector_subcore>, window_params = [{transform_indices = #map}, {transform_indices = #map}, {transform_indices = #map}]} {
    %jit3A = arith.constant 4 : i32
    %eq3A = arith.constant 0 : i32
    %eq3A_0 = arith.cmpi eq, %jit3A, %eq3A : i32
    %jit3A_1 = arith.constant 1 : i32
    %select_n3A = arith.select %eq3A_0, %jit3A_1, %jit3A : i32
    %rem3A = arith.remsi %arg1, %select_n3A : i32
    %ne3A = arith.constant 0 : i32
    %ne3A_2 = arith.cmpi ne, %rem3A, %ne3A : i32
    %lt3A = arith.constant 0 : i32
    %lt3A_3 = arith.cmpi slt, %rem3A, %lt3A : i32
    %lt3A_4 = arith.constant 0 : i32
    %lt3A_5 = arith.cmpi slt, %select_n3A, %lt3A_4 : i32
    %ne3A_6 = arith.xori %lt3A_3, %lt3A_5 : i1
    %and3A = arith.andi %ne3A_6, %ne3A_2 : i1
    %add3A = arith.addi %rem3A, %select_n3A : i32
    %select_n3A_7 = arith.select %and3A, %add3A, %rem3A : i32
    %mul3A = arith.constant 4 : i32
    %mul3A_8 = arith.muli %arg0, %mul3A : i32
    %jit3A_9 = arith.constant 4 : i32
    %div3A = arith.divsi %arg1, %jit3A_9 : i32
    %sign3A = arith.constant 0 : i32
    %sign3A_10 = arith.cmpi sgt, %arg1, %sign3A : i32
    %sign3A_11 = arith.extui %sign3A_10 : i1 to i32
    %sign3A_12 = arith.constant 0 : i32
    %sign3A_13 = arith.cmpi slt, %arg1, %sign3A_12 : i32
    %sign3A_14 = arith.extui %sign3A_13 : i1 to i32
    %sign3A_15 = arith.subi %sign3A_11, %sign3A_14 : i32
    %sign3A_16 = arith.constant 0 : i32
    %sign3A_17 = arith.cmpi sgt, %jit3A_9, %sign3A_16 : i32
    %sign3A_18 = arith.extui %sign3A_17 : i1 to i32
    %sign3A_19 = arith.constant 0 : i32
    %sign3A_20 = arith.cmpi slt, %jit3A_9, %sign3A_19 : i32
    %sign3A_21 = arith.extui %sign3A_20 : i1 to i32
    %sign3A_22 = arith.subi %sign3A_18, %sign3A_21 : i32
    %ne3A_23 = arith.cmpi ne, %sign3A_15, %sign3A_22 : i32
    %rem3A_24 = arith.remsi %arg1, %jit3A_9 : i32
    %ne3A_25 = arith.constant 0 : i32
    %ne3A_26 = arith.cmpi ne, %rem3A_24, %ne3A_25 : i32
    %and3A_27 = arith.andi %ne3A_23, %ne3A_26 : i1
    %sub3A = arith.constant 1 : i32
    %sub3A_28 = arith.subi %div3A, %sub3A : i32
    %select_n3A_29 = arith.select %and3A_27, %sub3A_28, %div3A : i32
    %add3A_30 = arith.addi %mul3A_8, %select_n3A_29 : i32
    %mul3A_31 = arith.constant 2048 : i32
    %mul3A_32 = arith.muli %add3A_30, %mul3A_31 : i32
    %mul3A_33 = arith.constant 64 : i32
    %mul3A_34 = arith.muli %select_n3A_7, %mul3A_33 : i32
    "tpu.region"() ({
      %run_scoped3A = tpu.sem_alloc : memref<!tpu.dma_semaphore, #tpu.memory_space<semaphore_mem>>
      %dma_start3A = arith.constant 0 : i32
      %dma_start3A_55 = tpu.memref_slice %arg2[%add3A_30, %dma_start3A] : memref<8x2048xi32, #tpu.memory_space<hbm>> -> memref<1x2048xi32, #tpu.memory_space<hbm>>
      %dma_start3A_56 = tpu.memref_squeeze %dma_start3A_55 : memref<1x2048xi32, #tpu.memory_space<hbm>> -> memref<2048xi32, #tpu.memory_space<hbm>>
      %dma_start3A_57 = arith.constant 0 : i32
      %dma_start3A_58 = tpu.memref_slice %arg2[%add3A_30, %dma_start3A_57] : memref<8x2048xi32, #tpu.memory_space<hbm>> -> memref<1x2048xi32, #tpu.memory_space<hbm>>
      %dma_start3A_59 = tpu.memref_squeeze %dma_start3A_58 : memref<1x2048xi32, #tpu.memory_space<hbm>> -> memref<2048xi32, #tpu.memory_space<hbm>>
      tpu.enqueue_dma source(%dma_start3A_59 : memref<2048xi32, #tpu.memory_space<hbm>>) target(%arg5 : memref<2048xi32, #tpu.memory_space<vmem>>) target_semaphore(%run_scoped3A : memref<!tpu.dma_semaphore, #tpu.memory_space<semaphore_mem>>)
      %dma_wait3A_60 = arith.constant 0 : i32
      %dma_wait3A_61 = tpu.memref_slice %arg2[%add3A_30, %dma_wait3A_60] : memref<8x2048xi32, #tpu.memory_space<hbm>> -> memref<1x2048xi32, #tpu.memory_space<hbm>>
      %dma_wait3A_62 = tpu.memref_squeeze %dma_wait3A_61 : memref<1x2048xi32, #tpu.memory_space<hbm>> -> memref<2048xi32, #tpu.memory_space<hbm>>
      %dma_wait3A_63 = arith.constant 0 : i32
      %dma_wait3A_64 = tpu.memref_slice %arg2[%add3A_30, %dma_wait3A_63] : memref<8x2048xi32, #tpu.memory_space<hbm>> -> memref<1x2048xi32, #tpu.memory_space<hbm>>
      %dma_wait3A_65 = tpu.memref_squeeze %dma_wait3A_64 : memref<1x2048xi32, #tpu.memory_space<hbm>> -> memref<2048xi32, #tpu.memory_space<hbm>>
      tpu.wait_dma2 semaphore(%run_scoped3A : memref<!tpu.dma_semaphore, #tpu.memory_space<semaphore_mem>>) src(%dma_wait3A_65 : memref<2048xi32, #tpu.memory_space<hbm>>) dst(%arg5 : memref<2048xi32, #tpu.memory_space<vmem>>)
      tpu.yield
    }) : () -> ()
    "tpu.region"() ({
      %run_scoped3A = tpu.sem_alloc : memref<!tpu.dma_semaphore, #tpu.memory_space<semaphore_mem>>
      %dma_start3A = arith.constant 0 : i32
      %dma_start3A_55 = arith.constant 0 : i32
      %dma_start3A_56 = tpu.memref_slice %arg6[%dma_start3A, %dma_start3A_55] : memref<1024x65xf32, #tpu.memory_space<vmem>> -> memref<1024x64xf32, #tpu.memory_space<vmem>>
      %dma_start3A_57 = arith.constant 0 : i32
      %dma_start3A_58 = tpu.memref_slice %arg3[%dma_start3A_57, %mul3A_34] : memref<1024x256xf32, #tpu.memory_space<hbm>> -> memref<1024x64xf32, #tpu.memory_space<hbm>>
      %dma_start3A_59 = arith.constant 0 : i32
      %dma_start3A_60 = arith.constant 0 : i32
      %dma_start3A_61 = tpu.memref_slice %arg6[%dma_start3A_59, %dma_start3A_60] : memref<1024x65xf32, #tpu.memory_space<vmem>> -> memref<1024x64xf32, #tpu.memory_space<vmem>>
      %dma_start3A_62 = arith.constant 0 : i32
      %dma_start3A_63 = tpu.memref_slice %arg3[%dma_start3A_62, %mul3A_34] : memref<1024x256xf32, #tpu.memory_space<hbm>> -> memref<1024x64xf32, #tpu.memory_space<hbm>>
      tpu.enqueue_dma source(%dma_start3A_63 : memref<1024x64xf32, #tpu.memory_space<hbm>>) target(%dma_start3A_61 : memref<1024x64xf32, #tpu.memory_space<vmem>>) target_semaphore(%run_scoped3A : memref<!tpu.dma_semaphore, #tpu.memory_space<semaphore_mem>>)
      %dma_wait3A_64 = arith.constant 0 : i32
      %dma_wait3A_65 = arith.constant 0 : i32
      %dma_wait3A_66 = tpu.memref_slice %arg6[%dma_wait3A_64, %dma_wait3A_65] : memref<1024x65xf32, #tpu.memory_space<vmem>> -> memref<1024x64xf32, #tpu.memory_space<vmem>>
      %dma_wait3A_67 = arith.constant 0 : i32
      %dma_wait3A_68 = tpu.memref_slice %arg3[%dma_wait3A_67, %mul3A_34] : memref<1024x256xf32, #tpu.memory_space<hbm>> -> memref<1024x64xf32, #tpu.memory_space<hbm>>
      %dma_wait3A_69 = arith.constant 0 : i32
      %dma_wait3A_70 = arith.constant 0 : i32
      %dma_wait3A_71 = tpu.memref_slice %arg6[%dma_wait3A_69, %dma_wait3A_70] : memref<1024x65xf32, #tpu.memory_space<vmem>> -> memref<1024x64xf32, #tpu.memory_space<vmem>>
      %dma_wait3A_72 = arith.constant 0 : i32
      %dma_wait3A_73 = tpu.memref_slice %arg3[%dma_wait3A_72, %mul3A_34] : memref<1024x256xf32, #tpu.memory_space<hbm>> -> memref<1024x64xf32, #tpu.memory_space<hbm>>
      tpu.wait_dma2 semaphore(%run_scoped3A : memref<!tpu.dma_semaphore, #tpu.memory_space<semaphore_mem>>) src(%dma_wait3A_73 : memref<1024x64xf32, #tpu.memory_space<hbm>>) dst(%dma_wait3A_71 : memref<1024x64xf32, #tpu.memory_space<vmem>>)
      tpu.yield
    }) : () -> ()
    %iota3A = tpu.iota {dimensions = array<i32: 0>} : vector<16xi32>
    %scan3A = arith.constant 0 : i32
    %scan3A_35 = arith.constant 0 : i32
    %scan3A_36 = arith.constant 8 : i32
    %scan3A_37 = arith.addi %scan3A_35, %scan3A_36 : i32
    %scan3A_38 = arith.constant 1 : i32
    scf.for %scan3A_55 = %scan3A_35 to %scan3A_37 step %scan3A_38  : i32 {
      %rem3A_56 = arith.constant 2 : i32
      %rem3A_57 = arith.remsi %scan3A_55, %rem3A_56 : i32
      %eq3A_58 = arith.constant 0 : i32
      %eq3A_59 = arith.cmpi eq, %rem3A_57, %eq3A_58 : i32
      %convert_element_type3A = arith.extui %eq3A_59 : i1 to i32
      %cond3A = arith.constant 0 : i32
      %cond3A_60 = arith.cmpi ne, %convert_element_type3A, %cond3A : i32
      scf.if %cond3A_60 {
        %ge3A = arith.constant 2 : i32
        %ge3A_68 = arith.cmpi sge, %scan3A_55, %ge3A : i32
        %convert_element_type3A_69 = arith.extui %ge3A_68 : i1 to i32
        %cond3A_70 = arith.constant 0 : i32
        %cond3A_71 = arith.cmpi ne, %convert_element_type3A_69, %cond3A_70 : i32
        scf.if %cond3A_71 {
          %dma_wait3A_100 = arith.constant 0 : i32
          %dma_wait3A_101 = arith.constant 0 : i32
          %dma_wait3A_102 = tpu.memref_slice %arg7[%dma_wait3A_100, %dma_wait3A_101] : memref<256x65xf32, #tpu.memory_space<vmem>> -> memref<256x64xf32, #tpu.memory_space<vmem>>
          %dma_wait3A_103 = tpu.memref_slice %arg4[%mul3A_32, %mul3A_34] : memref<16384x256xf32, #tpu.memory_space<hbm>> -> memref<256x64xf32, #tpu.memory_space<hbm>>
          %dma_wait3A_104 = tpu.memref_slice %arg4[%mul3A_32, %mul3A_34] : memref<16384x256xf32, #tpu.memory_space<hbm>> -> memref<256x64xf32, #tpu.memory_space<hbm>>
          %dma_wait3A_105 = arith.constant 0 : i32
          %dma_wait3A_106 = arith.constant 0 : i32
          %dma_wait3A_107 = tpu.memref_slice %arg7[%dma_wait3A_105, %dma_wait3A_106] : memref<256x65xf32, #tpu.memory_space<vmem>> -> memref<256x64xf32, #tpu.memory_space<vmem>>
          tpu.wait_dma2 semaphore(%arg9 : memref<!tpu.dma_semaphore, #tpu.memory_space<semaphore_mem>>) src(%dma_wait3A_107 : memref<256x64xf32, #tpu.memory_space<vmem>>) dst(%dma_wait3A_104 : memref<256x64xf32, #tpu.memory_space<hbm>>)
        } else {
        }
        %add3A_72 = arith.constant 0 : i32
        %add3A_73 = vector.broadcast %add3A_72 : i32 to vector<16xi32>
        %add3A_74 = arith.addi %iota3A, %add3A_73 : vector<16xi32>
        %add3A_75 = arith.constant 16 : i32
        %add3A_76 = vector.broadcast %add3A_75 : i32 to vector<16xi32>
        %add3A_77 = arith.addi %iota3A, %add3A_76 : vector<16xi32>
        %add3A_78 = arith.constant 32 : i32
        %add3A_79 = vector.broadcast %add3A_78 : i32 to vector<16xi32>
        %add3A_80 = arith.addi %iota3A, %add3A_79 : vector<16xi32>
        %add3A_81 = arith.constant 48 : i32
        %add3A_82 = vector.broadcast %add3A_81 : i32 to vector<16xi32>
        %add3A_83 = arith.addi %iota3A, %add3A_82 : vector<16xi32>
        %scan3A_84 = arith.constant 0 : i32
        %scan3A_85 = arith.constant 0 : i32
        %scan3A_86 = arith.constant 16 : i32
        %scan3A_87 = arith.addi %scan3A_85, %scan3A_86 : i32
        %scan3A_88 = arith.constant 1 : i32
        scf.for %scan3A_100 = %scan3A_85 to %scan3A_87 step %scan3A_88  : i32 {
          %mul3A_101 = arith.constant 256 : i32
          %mul3A_102 = arith.muli %scan3A_55, %mul3A_101 : i32
          %mul3A_103 = arith.constant 16 : i32
          %mul3A_104 = arith.muli %scan3A_100, %mul3A_103 : i32
          %add3A_105 = arith.addi %mul3A_102, %mul3A_104 : i32
          %get3A = arith.index_cast %add3A_105 : i32 to index
          %get3A_106 = tpu.vector_load %arg5[%get3A] {strides = array<i32>} : memref<2048xi32, #tpu.memory_space<vmem>>, vector<16xi32>,
          %broadcast_in_dim3A = arith.constant 0 : i32
          %broadcast_in_dim3A_107 = vector.broadcast %broadcast_in_dim3A : i32 to vector<16xi32>
          %lt3A_108 = arith.constant 0 : i32
          %lt3A_109 = vector.broadcast %lt3A_108 : i32 to vector<16xi32>
          %lt3A_110 = arith.cmpi slt, %broadcast_in_dim3A_107, %lt3A_109 : vector<16xi32>
          %add3A_111 = arith.constant 16 : i32
          %add3A_112 = vector.broadcast %add3A_111 : i32 to vector<16xi32>
          %add3A_113 = arith.addi %broadcast_in_dim3A_107, %add3A_112 : vector<16xi32>
          %select_n3A_114 = arith.select %lt3A_110, %add3A_113, %broadcast_in_dim3A_107 : vector<16xi1>, vector<16xi32>
          %broadcast_in_dim3A_115 = vector.shape_cast %select_n3A_114 : vector<16xi32> to vector<16x1xi32>
          %gather3A = vector.shape_cast %broadcast_in_dim3A_115 : vector<16x1xi32> to vector<16xi32>
          %gather3A_116 = tpu.dynamic_gather %get3A_106[%gather3A] in [0] : vector<16xi32>, vector<16xi32> -> vector<16xi32>
          %gather3A_117 = tpu.vector_load_idx %arg6[%gather3A_116, %add3A_74] : memref<1024x65xf32, #tpu.memory_space<vmem>>[vector<16xi32>, vector<16xi32>], vector<16xf32>,
          %gather3A_118 = tpu.vector_load_idx %arg6[%gather3A_116, %add3A_77] : memref<1024x65xf32, #tpu.memory_space<vmem>>[vector<16xi32>, vector<16xi32>], vector<16xf32>,
          %gather3A_119 = tpu.vector_load_idx %arg6[%gather3A_116, %add3A_80] : memref<1024x65xf32, #tpu.memory_space<vmem>>[vector<16xi32>, vector<16xi32>], vector<16xf32>,
          %gather3A_120 = tpu.vector_load_idx %arg6[%gather3A_116, %add3A_83] : memref<1024x65xf32, #tpu.memory_space<vmem>>[vector<16xi32>, vector<16xi32>], vector<16xf32>,
          %mul3A_121 = arith.constant 16 : i32
          %mul3A_122 = arith.muli %scan3A_100, %mul3A_121 : i32
          %add3A_123 = arith.constant 0 : i32
          %add3A_124 = arith.addi %mul3A_122, %add3A_123 : i32
          %swap3A = arith.index_cast %add3A_124 : i32 to index
          %swap3A_125 = arith.constant 0 : index
          %swap3A_126 = tpu.vector_load %arg7[%swap3A, %swap3A_125] {strides = array<i32>} : memref<256x65xf32, #tpu.memory_space<vmem>>, vector<16xf32>,
          tpu.vector_store %arg7[%swap3A, %swap3A_125], %gather3A_117 {strides = array<i32>} : memref<256x65xf32, #tpu.memory_space<vmem>>, vector<16xf32>,
          %mul3A_127 = arith.constant 16 : i32
          %mul3A_128 = arith.muli %scan3A_100, %mul3A_127 : i32
          %add3A_129 = arith.constant 0 : i32
          %add3A_130 = arith.addi %mul3A_128, %add3A_129 : i32
          %swap3A_131 = arith.index_cast %add3A_130 : i32 to index
          %swap3A_132 = arith.constant 16 : index
          %swap3A_133 = tpu.vector_load %arg7[%swap3A_131, %swap3A_132] {strides = array<i32>} : memref<256x65xf32, #tpu.memory_space<vmem>>, vector<16xf32>,
          tpu.vector_store %arg7[%swap3A_131, %swap3A_132], %gather3A_118 {strides = array<i32>} : memref<256x65xf32, #tpu.memory_space<vmem>>, vector<16xf32>,
          %mul3A_134 = arith.constant 16 : i32
          %mul3A_135 = arith.muli %scan3A_100, %mul3A_134 : i32
          %add3A_136 = arith.constant 0 : i32
          %add3A_137 = arith.addi %mul3A_135, %add3A_136 : i32
          %swap3A_138 = arith.index_cast %add3A_137 : i32 to index
          %swap3A_139 = arith.constant 32 : index
          %swap3A_140 = tpu.vector_load %arg7[%swap3A_138, %swap3A_139] {strides = array<i32>} : memref<256x65xf32, #tpu.memory_space<vmem>>, vector<16xf32>,
          tpu.vector_store %arg7[%swap3A_138, %swap3A_139], %gather3A_119 {strides = array<i32>} : memref<256x65xf32, #tpu.memory_space<vmem>>, vector<16xf32>,
          %mul3A_141 = arith.constant 16 : i32
          %mul3A_142 = arith.muli %scan3A_100, %mul3A_141 : i32
          %add3A_143 = arith.constant 0 : i32
          %add3A_144 = arith.addi %mul3A_142, %add3A_143 : i32
          %swap3A_145 = arith.index_cast %add3A_144 : i32 to index
          %swap3A_146 = arith.constant 48 : index
          %swap3A_147 = tpu.vector_load %arg7[%swap3A_145, %swap3A_146] {strides = array<i32>} : memref<256x65xf32, #tpu.memory_space<vmem>>, vector<16xf32>,
          tpu.vector_store %arg7[%swap3A_145, %swap3A_146], %gather3A_120 {strides = array<i32>} : memref<256x65xf32, #tpu.memory_space<vmem>>, vector<16xf32>,
          %broadcast_in_dim3A_148 = arith.constant 1 : i32
          %broadcast_in_dim3A_149 = vector.broadcast %broadcast_in_dim3A_148 : i32 to vector<16xi32>
          %lt3A_150 = arith.constant 0 : i32
          %lt3A_151 = vector.broadcast %lt3A_150 : i32 to vector<16xi32>
          %lt3A_152 = arith.cmpi slt, %broadcast_in_dim3A_149, %lt3A_151 : vector<16xi32>
          %add3A_153 = arith.constant 16 : i32
          %add3A_154 = vector.broadcast %add3A_153 : i32 to vector<16xi32>
          %add3A_155 = arith.addi %broadcast_in_dim3A_149, %add3A_154 : vector<16xi32>
          %select_n3A_156 = arith.select %lt3A_152, %add3A_155, %broadcast_in_dim3A_149 : vector<16xi1>, vector<16xi32>
          %broadcast_in_dim3A_157 = vector.shape_cast %select_n3A_156 : vector<16xi32> to vector<16x1xi32>
          %gather3A_158 = vector.shape_cast %broadcast_in_dim3A_157 : vector<16x1xi32> to vector<16xi32>
          %gather3A_159 = tpu.dynamic_gather %get3A_106[%gather3A_158] in [0] : vector<16xi32>, vector<16xi32> -> vector<16xi32>
          %gather3A_160 = tpu.vector_load_idx %arg6[%gather3A_159, %add3A_74] : memref<1024x65xf32, #tpu.memory_space<vmem>>[vector<16xi32>, vector<16xi32>], vector<16xf32>,
          %gather3A_161 = tpu.vector_load_idx %arg6[%gather3A_159, %add3A_77] : memref<1024x65xf32, #tpu.memory_space<vmem>>[vector<16xi32>, vector<16xi32>], vector<16xf32>,
          %gather3A_162 = tpu.vector_load_idx %arg6[%gather3A_159, %add3A_80] : memref<1024x65xf32, #tpu.memory_space<vmem>>[vector<16xi32>, vector<16xi32>], vector<16xf32>,
          %gather3A_163 = tpu.vector_load_idx %arg6[%gather3A_159, %add3A_83] : memref<1024x65xf32, #tpu.memory_space<vmem>>[vector<16xi32>, vector<16xi32>], vector<16xf32>,
          %mul3A_164 = arith.constant 16 : i32
          %mul3A_165 = arith.muli %scan3A_100, %mul3A_164 : i32
          %add3A_166 = arith.constant 1 : i32
          %add3A_167 = arith.addi %mul3A_165, %add3A_166 : i32
          %swap3A_168 = arith.index_cast %add3A_167 : i32 to index
          %swap3A_169 = arith.constant 0 : index
          %swap3A_170 = tpu.vector_load %arg7[%swap3A_168, %swap3A_169] {strides = array<i32>} : memref<256x65xf32, #tpu.memory_space<vmem>>, vector<16xf32>,
          tpu.vector_store %arg7[%swap3A_168, %swap3A_169], %gather3A_160 {strides = array<i32>} : memref<256x65xf32, #tpu.memory_space<vmem>>, vector<16xf32>,
          %mul3A_171 = arith.constant 16 : i32
          %mul3A_172 = arith.muli %scan3A_100, %mul3A_171 : i32
          %add3A_173 = arith.constant 1 : i32
          %add3A_174 = arith.addi %mul3A_172, %add3A_173 : i32
          %swap3A_175 = arith.index_cast %add3A_174 : i32 to index
          %swap3A_176 = arith.constant 16 : index
          %swap3A_177 = tpu.vector_load %arg7[%swap3A_175, %swap3A_176] {strides = array<i32>} : memref<256x65xf32, #tpu.memory_space<vmem>>, vector<16xf32>,
          tpu.vector_store %arg7[%swap3A_175, %swap3A_176], %gather3A_161 {strides = array<i32>} : memref<256x65xf32, #tpu.memory_space<vmem>>, vector<16xf32>,
          %mul3A_178 = arith.constant 16 : i32
          %mul3A_179 = arith.muli %scan3A_100, %mul3A_178 : i32
          %add3A_180 = arith.constant 1 : i32
          %add3A_181 = arith.addi %mul3A_179, %add3A_180 : i32
          %swap3A_182 = arith.index_cast %add3A_181 : i32 to index
          %swap3A_183 = arith.constant 32 : index
          %swap3A_184 = tpu.vector_load %arg7[%swap3A_182, %swap3A_183] {strides = array<i32>} : memref<256x65xf32, #tpu.memory_space<vmem>>, vector<16xf32>,
          tpu.vector_store %arg7[%swap3A_182, %swap3A_183], %gather3A_162 {strides = array<i32>} : memref<256x65xf32, #tpu.memory_space<vmem>>, vector<16xf32>,
          %mul3A_185 = arith.constant 16 : i32
          %mul3A_186 = arith.muli %scan3A_100, %mul3A_185 : i32
          %add3A_187 = arith.constant 1 : i32
          %add3A_188 = arith.addi %mul3A_186, %add3A_187 : i32
          %swap3A_189 = arith.index_cast %add3A_188 : i32 to index
          %swap3A_190 = arith.constant 48 : index
          %swap3A_191 = tpu.vector_load %arg7[%swap3A_189, %swap3A_190] {strides = array<i32>} : memref<256x65xf32, #tpu.memory_space<vmem>>, vector<16xf32>,
          tpu.vector_store %arg7[%swap3A_189, %swap3A_190], %gather3A_163 {strides = array<i32>} : memref<256x65xf32, #tpu.memory_space<vmem>>, vector<16xf32>,
          %broadcast_in_dim3A_192 = arith.constant 2 : i32
          %broadcast_in_dim3A_193 = vector.broadcast %broadcast_in_dim3A_192 : i32 to vector<16xi32>
          %lt3A_194 = arith.constant 0 : i32
          %lt3A_195 = vector.broadcast %lt3A_194 : i32 to vector<16xi32>
          %lt3A_196 = arith.cmpi slt, %broadcast_in_dim3A_193, %lt3A_195 : vector<16xi32>
          %add3A_197 = arith.constant 16 : i32
          %add3A_198 = vector.broadcast %add3A_197 : i32 to vector<16xi32>
          %add3A_199 = arith.addi %broadcast_in_dim3A_193, %add3A_198 : vector<16xi32>
          %select_n3A_200 = arith.select %lt3A_196, %add3A_199, %broadcast_in_dim3A_193 : vector<16xi1>, vector<16xi32>
          %broadcast_in_dim3A_201 = vector.shape_cast %select_n3A_200 : vector<16xi32> to vector<16x1xi32>
          %gather3A_202 = vector.shape_cast %broadcast_in_dim3A_201 : vector<16x1xi32> to vector<16xi32>
          %gather3A_203 = tpu.dynamic_gather %get3A_106[%gather3A_202] in [0] : vector<16xi32>, vector<16xi32> -> vector<16xi32>
          %gather3A_204 = tpu.vector_load_idx %arg6[%gather3A_203, %add3A_74] : memref<1024x65xf32, #tpu.memory_space<vmem>>[vector<16xi32>, vector<16xi32>], vector<16xf32>,
          %gather3A_205 = tpu.vector_load_idx %arg6[%gather3A_203, %add3A_77] : memref<1024x65xf32, #tpu.memory_space<vmem>>[vector<16xi32>, vector<16xi32>], vector<16xf32>,
          %gather3A_206 = tpu.vector_load_idx %arg6[%gather3A_203, %add3A_80] : memref<1024x65xf32, #tpu.memory_space<vmem>>[vector<16xi32>, vector<16xi32>], vector<16xf32>,
          %gather3A_207 = tpu.vector_load_idx %arg6[%gather3A_203, %add3A_83] : memref<1024x65xf32, #tpu.memory_space<vmem>>[vector<16xi32>, vector<16xi32>], vector<16xf32>,
          %mul3A_208 = arith.constant 16 : i32
          %mul3A_209 = arith.muli %scan3A_100, %mul3A_208 : i32
          %add3A_210 = arith.constant 2 : i32
          %add3A_211 = arith.addi %mul3A_209, %add3A_210 : i32
          %swap3A_212 = arith.index_cast %add3A_211 : i32 to index
          %swap3A_213 = arith.constant 0 : index
          %swap3A_214 = tpu.vector_load %arg7[%swap3A_212, %swap3A_213] {strides = array<i32>} : memref<256x65xf32, #tpu.memory_space<vmem>>, vector<16xf32>,
          tpu.vector_store %arg7[%swap3A_212, %swap3A_213], %gather3A_204 {strides = array<i32>} : memref<256x65xf32, #tpu.memory_space<vmem>>, vector<16xf32>,
          %mul3A_215 = arith.constant 16 : i32
          %mul3A_216 = arith.muli %scan3A_100, %mul3A_215 : i32
          %add3A_217 = arith.constant 2 : i32
          %add3A_218 = arith.addi %mul3A_216, %add3A_217 : i32
          %swap3A_219 = arith.index_cast %add3A_218 : i32 to index
          %swap3A_220 = arith.constant 16 : index
          %swap3A_221 = tpu.vector_load %arg7[%swap3A_219, %swap3A_220] {strides = array<i32>} : memref<256x65xf32, #tpu.memory_space<vmem>>, vector<16xf32>,
          tpu.vector_store %arg7[%swap3A_219, %swap3A_220], %gather3A_205 {strides = array<i32>} : memref<256x65xf32, #tpu.memory_space<vmem>>, vector<16xf32>,
          %mul3A_222 = arith.constant 16 : i32
          %mul3A_223 = arith.muli %scan3A_100, %mul3A_222 : i32
          %add3A_224 = arith.constant 2 : i32
          %add3A_225 = arith.addi %mul3A_223, %add3A_224 : i32
          %swap3A_226 = arith.index_cast %add3A_225 : i32 to index
          %swap3A_227 = arith.constant 32 : index
          %swap3A_228 = tpu.vector_load %arg7[%swap3A_226, %swap3A_227] {strides = array<i32>} : memref<256x65xf32, #tpu.memory_space<vmem>>, vector<16xf32>,
          tpu.vector_store %arg7[%swap3A_226, %swap3A_227], %gather3A_206 {strides = array<i32>} : memref<256x65xf32, #tpu.memory_space<vmem>>, vector<16xf32>,
          %mul3A_229 = arith.constant 16 : i32
          %mul3A_230 = arith.muli %scan3A_100, %mul3A_229 : i32
          %add3A_231 = arith.constant 2 : i32
          %add3A_232 = arith.addi %mul3A_230, %add3A_231 : i32
          %swap3A_233 = arith.index_cast %add3A_232 : i32 to index
          %swap3A_234 = arith.constant 48 : index
          %swap3A_235 = tpu.vector_load %arg7[%swap3A_233, %swap3A_234] {strides = array<i32>} : memref<256x65xf32, #tpu.memory_space<vmem>>, vector<16xf32>,
          tpu.vector_store %arg7[%swap3A_233, %swap3A_234], %gather3A_207 {strides = array<i32>} : memref<256x65xf32, #tpu.memory_space<vmem>>, vector<16xf32>,
          %broadcast_in_dim3A_236 = arith.constant 3 : i32
          %broadcast_in_dim3A_237 = vector.broadcast %broadcast_in_dim3A_236 : i32 to vector<16xi32>
          %lt3A_238 = arith.constant 0 : i32
          %lt3A_239 = vector.broadcast %lt3A_238 : i32 to vector<16xi32>
          %lt3A_240 = arith.cmpi slt, %broadcast_in_dim3A_237, %lt3A_239 : vector<16xi32>
          %add3A_241 = arith.constant 16 : i32
          %add3A_242 = vector.broadcast %add3A_241 : i32 to vector<16xi32>
          %add3A_243 = arith.addi %broadcast_in_dim3A_237, %add3A_242 : vector<16xi32>
          %select_n3A_244 = arith.select %lt3A_240, %add3A_243, %broadcast_in_dim3A_237 : vector<16xi1>, vector<16xi32>
          %broadcast_in_dim3A_245 = vector.shape_cast %select_n3A_244 : vector<16xi32> to vector<16x1xi32>
          %gather3A_246 = vector.shape_cast %broadcast_in_dim3A_245 : vector<16x1xi32> to vector<16xi32>
          %gather3A_247 = tpu.dynamic_gather %get3A_106[%gather3A_246] in [0] : vector<16xi32>, vector<16xi32> -> vector<16xi32>
          %gather3A_248 = tpu.vector_load_idx %arg6[%gather3A_247, %add3A_74] : memref<1024x65xf32, #tpu.memory_space<vmem>>[vector<16xi32>, vector<16xi32>], vector<16xf32>,
          %gather3A_249 = tpu.vector_load_idx %arg6[%gather3A_247, %add3A_77] : memref<1024x65xf32, #tpu.memory_space<vmem>>[vector<16xi32>, vector<16xi32>], vector<16xf32>,
          %gather3A_250 = tpu.vector_load_idx %arg6[%gather3A_247, %add3A_80] : memref<1024x65xf32, #tpu.memory_space<vmem>>[vector<16xi32>, vector<16xi32>], vector<16xf32>,
          %gather3A_251 = tpu.vector_load_idx %arg6[%gather3A_247, %add3A_83] : memref<1024x65xf32, #tpu.memory_space<vmem>>[vector<16xi32>, vector<16xi32>], vector<16xf32>,
          %mul3A_252 = arith.constant 16 : i32
          %mul3A_253 = arith.muli %scan3A_100, %mul3A_252 : i32
          %add3A_254 = arith.constant 3 : i32
          %add3A_255 = arith.addi %mul3A_253, %add3A_254 : i32
          %swap3A_256 = arith.index_cast %add3A_255 : i32 to index
          %swap3A_257 = arith.constant 0 : index
          %swap3A_258 = tpu.vector_load %arg7[%swap3A_256, %swap3A_257] {strides = array<i32>} : memref<256x65xf32, #tpu.memory_space<vmem>>, vector<16xf32>,
          tpu.vector_store %arg7[%swap3A_256, %swap3A_257], %gather3A_248 {strides = array<i32>} : memref<256x65xf32, #tpu.memory_space<vmem>>, vector<16xf32>,
          %mul3A_259 = arith.constant 16 : i32
          %mul3A_260 = arith.muli %scan3A_100, %mul3A_259 : i32
          %add3A_261 = arith.constant 3 : i32
          %add3A_262 = arith.addi %mul3A_260, %add3A_261 : i32
          %swap3A_263 = arith.index_cast %add3A_262 : i32 to index
          %swap3A_264 = arith.constant 16 : index
          %swap3A_265 = tpu.vector_load %arg7[%swap3A_263, %swap3A_264] {strides = array<i32>} : memref<256x65xf32, #tpu.memory_space<vmem>>, vector<16xf32>,
          tpu.vector_store %arg7[%swap3A_263, %swap3A_264], %gather3A_249 {strides = array<i32>} : memref<256x65xf32, #tpu.memory_space<vmem>>, vector<16xf32>,
          %mul3A_266 = arith.constant 16 : i32
          %mul3A_267 = arith.muli %scan3A_100, %mul3A_266 : i32
          %add3A_268 = arith.constant 3 : i32
          %add3A_269 = arith.addi %mul3A_267, %add3A_268 : i32
          %swap3A_270 = arith.index_cast %add3A_269 : i32 to index
          %swap3A_271 = arith.constant 32 : index
          %swap3A_272 = tpu.vector_load %arg7[%swap3A_270, %swap3A_271] {strides = array<i32>} : memref<256x65xf32, #tpu.memory_space<vmem>>, vector<16xf32>,
          tpu.vector_store %arg7[%swap3A_270, %swap3A_271], %gather3A_250 {strides = array<i32>} : memref<256x65xf32, #tpu.memory_space<vmem>>, vector<16xf32>,
          %mul3A_273 = arith.constant 16 : i32
          %mul3A_274 = arith.muli %scan3A_100, %mul3A_273 : i32
          %add3A_275 = arith.constant 3 : i32
          %add3A_276 = arith.addi %mul3A_274, %add3A_275 : i32
          %swap3A_277 = arith.index_cast %add3A_276 : i32 to index
          %swap3A_278 = arith.constant 48 : index
          %swap3A_279 = tpu.vector_load %arg7[%swap3A_277, %swap3A_278] {strides = array<i32>} : memref<256x65xf32, #tpu.memory_space<vmem>>, vector<16xf32>,
          tpu.vector_store %arg7[%swap3A_277, %swap3A_278], %gather3A_251 {strides = array<i32>} : memref<256x65xf32, #tpu.memory_space<vmem>>, vector<16xf32>,
          %broadcast_in_dim3A_280 = arith.constant 4 : i32
          %broadcast_in_dim3A_281 = vector.broadcast %broadcast_in_dim3A_280 : i32 to vector<16xi32>
          %lt3A_282 = arith.constant 0 : i32
          %lt3A_283 = vector.broadcast %lt3A_282 : i32 to vector<16xi32>
          %lt3A_284 = arith.cmpi slt, %broadcast_in_dim3A_281, %lt3A_283 : vector<16xi32>
          %add3A_285 = arith.constant 16 : i32
          %add3A_286 = vector.broadcast %add3A_285 : i32 to vector<16xi32>
          %add3A_287 = arith.addi %broadcast_in_dim3A_281, %add3A_286 : vector<16xi32>
          %select_n3A_288 = arith.select %lt3A_284, %add3A_287, %broadcast_in_dim3A_281 : vector<16xi1>, vector<16xi32>
          %broadcast_in_dim3A_289 = vector.shape_cast %select_n3A_288 : vector<16xi32> to vector<16x1xi32>
          %gather3A_290 = vector.shape_cast %broadcast_in_dim3A_289 : vector<16x1xi32> to vector<16xi32>
          %gather3A_291 = tpu.dynamic_gather %get3A_106[%gather3A_290] in [0] : vector<16xi32>, vector<16xi32> -> vector<16xi32>
          %gather3A_292 = tpu.vector_load_idx %arg6[%gather3A_291, %add3A_74] : memref<1024x65xf32, #tpu.memory_space<vmem>>[vector<16xi32>, vector<16xi32>], vector<16xf32>,
          %gather3A_293 = tpu.vector_load_idx %arg6[%gather3A_291, %add3A_77] : memref<1024x65xf32, #tpu.memory_space<vmem>>[vector<16xi32>, vector<16xi32>], vector<16xf32>,
          %gather3A_294 = tpu.vector_load_idx %arg6[%gather3A_291, %add3A_80] : memref<1024x65xf32, #tpu.memory_space<vmem>>[vector<16xi32>, vector<16xi32>], vector<16xf32>,
          %gather3A_295 = tpu.vector_load_idx %arg6[%gather3A_291, %add3A_83] : memref<1024x65xf32, #tpu.memory_space<vmem>>[vector<16xi32>, vector<16xi32>], vector<16xf32>,
          %mul3A_296 = arith.constant 16 : i32
          %mul3A_297 = arith.muli %scan3A_100, %mul3A_296 : i32
          %add3A_298 = arith.constant 4 : i32
          %add3A_299 = arith.addi %mul3A_297, %add3A_298 : i32
          %swap3A_300 = arith.index_cast %add3A_299 : i32 to index
          %swap3A_301 = arith.constant 0 : index
          %swap3A_302 = tpu.vector_load %arg7[%swap3A_300, %swap3A_301] {strides = array<i32>} : memref<256x65xf32, #tpu.memory_space<vmem>>, vector<16xf32>,
          tpu.vector_store %arg7[%swap3A_300, %swap3A_301], %gather3A_292 {strides = array<i32>} : memref<256x65xf32, #tpu.memory_space<vmem>>, vector<16xf32>,
          %mul3A_303 = arith.constant 16 : i32
          %mul3A_304 = arith.muli %scan3A_100, %mul3A_303 : i32
          %add3A_305 = arith.constant 4 : i32
          %add3A_306 = arith.addi %mul3A_304, %add3A_305 : i32
          %swap3A_307 = arith.index_cast %add3A_306 : i32 to index
          %swap3A_308 = arith.constant 16 : index
          %swap3A_309 = tpu.vector_load %arg7[%swap3A_307, %swap3A_308] {strides = array<i32>} : memref<256x65xf32, #tpu.memory_space<vmem>>, vector<16xf32>,
          tpu.vector_store %arg7[%swap3A_307, %swap3A_308], %gather3A_293 {strides = array<i32>} : memref<256x65xf32, #tpu.memory_space<vmem>>, vector<16xf32>,
          %mul3A_310 = arith.constant 16 : i32
          %mul3A_311 = arith.muli %scan3A_100, %mul3A_310 : i32
          %add3A_312 = arith.constant 4 : i32
          %add3A_313 = arith.addi %mul3A_311, %add3A_312 : i32
          %swap3A_314 = arith.index_cast %add3A_313 : i32 to index
          %swap3A_315 = arith.constant 32 : index
          %swap3A_316 = tpu.vector_load %arg7[%swap3A_314, %swap3A_315] {strides = array<i32>} : memref<256x65xf32, #tpu.memory_space<vmem>>, vector<16xf32>,
          tpu.vector_store %arg7[%swap3A_314, %swap3A_315], %gather3A_294 {strides = array<i32>} : memref<256x65xf32, #tpu.memory_space<vmem>>, vector<16xf32>,
          %mul3A_317 = arith.constant 16 : i32
          %mul3A_318 = arith.muli %scan3A_100, %mul3A_317 : i32
          %add3A_319 = arith.constant 4 : i32
          %add3A_320 = arith.addi %mul3A_318, %add3A_319 : i32
          %swap3A_321 = arith.index_cast %add3A_320 : i32 to index
          %swap3A_322 = arith.constant 48 : index
          %swap3A_323 = tpu.vector_load %arg7[%swap3A_321, %swap3A_322] {strides = array<i32>} : memref<256x65xf32, #tpu.memory_space<vmem>>, vector<16xf32>,
          tpu.vector_store %arg7[%swap3A_321, %swap3A_322], %gather3A_295 {strides = array<i32>} : memref<256x65xf32, #tpu.memory_space<vmem>>, vector<16xf32>,
          %broadcast_in_dim3A_324 = arith.constant 5 : i32
          %broadcast_in_dim3A_325 = vector.broadcast %broadcast_in_dim3A_324 : i32 to vector<16xi32>
          %lt3A_326 = arith.constant 0 : i32
          %lt3A_327 = vector.broadcast %lt3A_326 : i32 to vector<16xi32>
          %lt3A_328 = arith.cmpi slt, %broadcast_in_dim3A_325, %lt3A_327 : vector<16xi32>
          %add3A_329 = arith.constant 16 : i32
          %add3A_330 = vector.broadcast %add3A_329 : i32 to vector<16xi32>
          %add3A_331 = arith.addi %broadcast_in_dim3A_325, %add3A_330 : vector<16xi32>
          %select_n3A_332 = arith.select %lt3A_328, %add3A_331, %broadcast_in_dim3A_325 : vector<16xi1>, vector<16xi32>
          %broadcast_in_dim3A_333 = vector.shape_cast %select_n3A_332 : vector<16xi32> to vector<16x1xi32>
          %gather3A_334 = vector.shape_cast %broadcast_in_dim3A_333 : vector<16x1xi32> to vector<16xi32>
          %gather3A_335 = tpu.dynamic_gather %get3A_106[%gather3A_334] in [0] : vector<16xi32>, vector<16xi32> -> vector<16xi32>
          %gather3A_336 = tpu.vector_load_idx %arg6[%gather3A_335, %add3A_74] : memref<1024x65xf32, #tpu.memory_space<vmem>>[vector<16xi32>, vector<16xi32>], vector<16xf32>,
          %gather3A_337 = tpu.vector_load_idx %arg6[%gather3A_335, %add3A_77] : memref<1024x65xf32, #tpu.memory_space<vmem>>[vector<16xi32>, vector<16xi32>], vector<16xf32>,
          %gather3A_338 = tpu.vector_load_idx %arg6[%gather3A_335, %add3A_80] : memref<1024x65xf32, #tpu.memory_space<vmem>>[vector<16xi32>, vector<16xi32>], vector<16xf32>,
          %gather3A_339 = tpu.vector_load_idx %arg6[%gather3A_335, %add3A_83] : memref<1024x65xf32, #tpu.memory_space<vmem>>[vector<16xi32>, vector<16xi32>], vector<16xf32>,
          %mul3A_340 = arith.constant 16 : i32
          %mul3A_341 = arith.muli %scan3A_100, %mul3A_340 : i32
          %add3A_342 = arith.constant 5 : i32
          %add3A_343 = arith.addi %mul3A_341, %add3A_342 : i32
          %swap3A_344 = arith.index_cast %add3A_343 : i32 to index
          %swap3A_345 = arith.constant 0 : index
          %swap3A_346 = tpu.vector_load %arg7[%swap3A_344, %swap3A_345] {strides = array<i32>} : memref<256x65xf32, #tpu.memory_space<vmem>>, vector<16xf32>,
          tpu.vector_store %arg7[%swap3A_344, %swap3A_345], %gather3A_336 {strides = array<i32>} : memref<256x65xf32, #tpu.memory_space<vmem>>, vector<16xf32>,
          %mul3A_347 = arith.constant 16 : i32
          %mul3A_348 = arith.muli %scan3A_100, %mul3A_347 : i32
          %add3A_349 = arith.constant 5 : i32
          %add3A_350 = arith.addi %mul3A_348, %add3A_349 : i32
          %swap3A_351 = arith.index_cast %add3A_350 : i32 to index
          %swap3A_352 = arith.constant 16 : index
          %swap3A_353 = tpu.vector_load %arg7[%swap3A_351, %swap3A_352] {strides = array<i32>} : memref<256x65xf32, #tpu.memory_space<vmem>>, vector<16xf32>,
          tpu.vector_store %arg7[%swap3A_351, %swap3A_352], %gather3A_337 {strides = array<i32>} : memref<256x65xf32, #tpu.memory_space<vmem>>, vector<16xf32>,
          %mul3A_354 = arith.constant 16 : i32
          %mul3A_355 = arith.muli %scan3A_100, %mul3A_354 : i32
          %add3A_356 = arith.constant 5 : i32
          %add3A_357 = arith.addi %mul3A_355, %add3A_356 : i32
          %swap3A_358 = arith.index_cast %add3A_357 : i32 to index
          %swap3A_359 = arith.constant 32 : index
          %swap3A_360 = tpu.vector_load %arg7[%swap3A_358, %swap3A_359] {strides = array<i32>} : memref<256x65xf32, #tpu.memory_space<vmem>>, vector<16xf32>,
          tpu.vector_store %arg7[%swap3A_358, %swap3A_359], %gather3A_338 {strides = array<i32>} : memref<256x65xf32, #tpu.memory_space<vmem>>, vector<16xf32>,
          %mul3A_361 = arith.constant 16 : i32
          %mul3A_362 = arith.muli %scan3A_100, %mul3A_361 : i32
          %add3A_363 = arith.constant 5 : i32
          %add3A_364 = arith.addi %mul3A_362, %add3A_363 : i32
          %swap3A_365 = arith.index_cast %add3A_364 : i32 to index
          %swap3A_366 = arith.constant 48 : index
          %swap3A_367 = tpu.vector_load %arg7[%swap3A_365, %swap3A_366] {strides = array<i32>} : memref<256x65xf32, #tpu.memory_space<vmem>>, vector<16xf32>,
          tpu.vector_store %arg7[%swap3A_365, %swap3A_366], %gather3A_339 {strides = array<i32>} : memref<256x65xf32, #tpu.memory_space<vmem>>, vector<16xf32>,
          %broadcast_in_dim3A_368 = arith.constant 6 : i32
          %broadcast_in_dim3A_369 = vector.broadcast %broadcast_in_dim3A_368 : i32 to vector<16xi32>
          %lt3A_370 = arith.constant 0 : i32
          %lt3A_371 = vector.broadcast %lt3A_370 : i32 to vector<16xi32>
          %lt3A_372 = arith.cmpi slt, %broadcast_in_dim3A_369, %lt3A_371 : vector<16xi32>
          %add3A_373 = arith.constant 16 : i32
          %add3A_374 = vector.broadcast %add3A_373 : i32 to vector<16xi32>
          %add3A_375 = arith.addi %broadcast_in_dim3A_369, %add3A_374 : vector<16xi32>
          %select_n3A_376 = arith.select %lt3A_372, %add3A_375, %broadcast_in_dim3A_369 : vector<16xi1>, vector<16xi32>
          %broadcast_in_dim3A_377 = vector.shape_cast %select_n3A_376 : vector<16xi32> to vector<16x1xi32>
          %gather3A_378 = vector.shape_cast %broadcast_in_dim3A_377 : vector<16x1xi32> to vector<16xi32>
          %gather3A_379 = tpu.dynamic_gather %get3A_106[%gather3A_378] in [0] : vector<16xi32>, vector<16xi32> -> vector<16xi32>
          %gather3A_380 = tpu.vector_load_idx %arg6[%gather3A_379, %add3A_74] : memref<1024x65xf32, #tpu.memory_space<vmem>>[vector<16xi32>, vector<16xi32>], vector<16xf32>,
          %gather3A_381 = tpu.vector_load_idx %arg6[%gather3A_379, %add3A_77] : memref<1024x65xf32, #tpu.memory_space<vmem>>[vector<16xi32>, vector<16xi32>], vector<16xf32>,
          %gather3A_382 = tpu.vector_load_idx %arg6[%gather3A_379, %add3A_80] : memref<1024x65xf32, #tpu.memory_space<vmem>>[vector<16xi32>, vector<16xi32>], vector<16xf32>,
          %gather3A_383 = tpu.vector_load_idx %arg6[%gather3A_379, %add3A_83] : memref<1024x65xf32, #tpu.memory_space<vmem>>[vector<16xi32>, vector<16xi32>], vector<16xf32>,
          %mul3A_384 = arith.constant 16 : i32
          %mul3A_385 = arith.muli %scan3A_100, %mul3A_384 : i32
          %add3A_386 = arith.constant 6 : i32
          %add3A_387 = arith.addi %mul3A_385, %add3A_386 : i32
          %swap3A_388 = arith.index_cast %add3A_387 : i32 to index
          %swap3A_389 = arith.constant 0 : index
          %swap3A_390 = tpu.vector_load %arg7[%swap3A_388, %swap3A_389] {strides = array<i32>} : memref<256x65xf32, #tpu.memory_space<vmem>>, vector<16xf32>,
          tpu.vector_store %arg7[%swap3A_388, %swap3A_389], %gather3A_380 {strides = array<i32>} : memref<256x65xf32, #tpu.memory_space<vmem>>, vector<16xf32>,
          %mul3A_391 = arith.constant 16 : i32
          %mul3A_392 = arith.muli %scan3A_100, %mul3A_391 : i32
          %add3A_393 = arith.constant 6 : i32
          %add3A_394 = arith.addi %mul3A_392, %add3A_393 : i32
          %swap3A_395 = arith.index_cast %add3A_394 : i32 to index
          %swap3A_396 = arith.constant 16 : index
          %swap3A_397 = tpu.vector_load %arg7[%swap3A_395, %swap3A_396] {strides = array<i32>} : memref<256x65xf32, #tpu.memory_space<vmem>>, vector<16xf32>,
          tpu.vector_store %arg7[%swap3A_395, %swap3A_396], %gather3A_381 {strides = array<i32>} : memref<256x65xf32, #tpu.memory_space<vmem>>, vector<16xf32>,
          %mul3A_398 = arith.constant 16 : i32
          %mul3A_399 = arith.muli %scan3A_100, %mul3A_398 : i32
          %add3A_400 = arith.constant 6 : i32
          %add3A_401 = arith.addi %mul3A_399, %add3A_400 : i32
          %swap3A_402 = arith.index_cast %add3A_401 : i32 to index
          %swap3A_403 = arith.constant 32 : index
          %swap3A_404 = tpu.vector_load %arg7[%swap3A_402, %swap3A_403] {strides = array<i32>} : memref<256x65xf32, #tpu.memory_space<vmem>>, vector<16xf32>,
          tpu.vector_store %arg7[%swap3A_402, %swap3A_403], %gather3A_382 {strides = array<i32>} : memref<256x65xf32, #tpu.memory_space<vmem>>, vector<16xf32>,
          %mul3A_405 = arith.constant 16 : i32
          %mul3A_406 = arith.muli %scan3A_100, %mul3A_405 : i32
          %add3A_407 = arith.constant 6 : i32
          %add3A_408 = arith.addi %mul3A_406, %add3A_407 : i32
          %swap3A_409 = arith.index_cast %add3A_408 : i32 to index
          %swap3A_410 = arith.constant 48 : index
          %swap3A_411 = tpu.vector_load %arg7[%swap3A_409, %swap3A_410] {strides = array<i32>} : memref<256x65xf32, #tpu.memory_space<vmem>>, vector<16xf32>,
          tpu.vector_store %arg7[%swap3A_409, %swap3A_410], %gather3A_383 {strides = array<i32>} : memref<256x65xf32, #tpu.memory_space<vmem>>, vector<16xf32>,
          %broadcast_in_dim3A_412 = arith.constant 7 : i32
          %broadcast_in_dim3A_413 = vector.broadcast %broadcast_in_dim3A_412 : i32 to vector<16xi32>
          %lt3A_414 = arith.constant 0 : i32
          %lt3A_415 = vector.broadcast %lt3A_414 : i32 to vector<16xi32>
          %lt3A_416 = arith.cmpi slt, %broadcast_in_dim3A_413, %lt3A_415 : vector<16xi32>
          %add3A_417 = arith.constant 16 : i32
          %add3A_418 = vector.broadcast %add3A_417 : i32 to vector<16xi32>
          %add3A_419 = arith.addi %broadcast_in_dim3A_413, %add3A_418 : vector<16xi32>
          %select_n3A_420 = arith.select %lt3A_416, %add3A_419, %broadcast_in_dim3A_413 : vector<16xi1>, vector<16xi32>
          %broadcast_in_dim3A_421 = vector.shape_cast %select_n3A_420 : vector<16xi32> to vector<16x1xi32>
          %gather3A_422 = vector.shape_cast %broadcast_in_dim3A_421 : vector<16x1xi32> to vector<16xi32>
          %gather3A_423 = tpu.dynamic_gather %get3A_106[%gather3A_422] in [0] : vector<16xi32>, vector<16xi32> -> vector<16xi32>
          %gather3A_424 = tpu.vector_load_idx %arg6[%gather3A_423, %add3A_74] : memref<1024x65xf32, #tpu.memory_space<vmem>>[vector<16xi32>, vector<16xi32>], vector<16xf32>,
          %gather3A_425 = tpu.vector_load_idx %arg6[%gather3A_423, %add3A_77] : memref<1024x65xf32, #tpu.memory_space<vmem>>[vector<16xi32>, vector<16xi32>], vector<16xf32>,
          %gather3A_426 = tpu.vector_load_idx %arg6[%gather3A_423, %add3A_80] : memref<1024x65xf32, #tpu.memory_space<vmem>>[vector<16xi32>, vector<16xi32>], vector<16xf32>,
          %gather3A_427 = tpu.vector_load_idx %arg6[%gather3A_423, %add3A_83] : memref<1024x65xf32, #tpu.memory_space<vmem>>[vector<16xi32>, vector<16xi32>], vector<16xf32>,
          %mul3A_428 = arith.constant 16 : i32
          %mul3A_429 = arith.muli %scan3A_100, %mul3A_428 : i32
          %add3A_430 = arith.constant 7 : i32
          %add3A_431 = arith.addi %mul3A_429, %add3A_430 : i32
          %swap3A_432 = arith.index_cast %add3A_431 : i32 to index
          %swap3A_433 = arith.constant 0 : index
          %swap3A_434 = tpu.vector_load %arg7[%swap3A_432, %swap3A_433] {strides = array<i32>} : memref<256x65xf32, #tpu.memory_space<vmem>>, vector<16xf32>,
          tpu.vector_store %arg7[%swap3A_432, %swap3A_433], %gather3A_424 {strides = array<i32>} : memref<256x65xf32, #tpu.memory_space<vmem>>, vector<16xf32>,
          %mul3A_435 = arith.constant 16 : i32
          %mul3A_436 = arith.muli %scan3A_100, %mul3A_435 : i32
          %add3A_437 = arith.constant 7 : i32
          %add3A_438 = arith.addi %mul3A_436, %add3A_437 : i32
          %swap3A_439 = arith.index_cast %add3A_438 : i32 to index
          %swap3A_440 = arith.constant 16 : index
          %swap3A_441 = tpu.vector_load %arg7[%swap3A_439, %swap3A_440] {strides = array<i32>} : memref<256x65xf32, #tpu.memory_space<vmem>>, vector<16xf32>,
          tpu.vector_store %arg7[%swap3A_439, %swap3A_440], %gather3A_425 {strides = array<i32>} : memref<256x65xf32, #tpu.memory_space<vmem>>, vector<16xf32>,
          %mul3A_442 = arith.constant 16 : i32
          %mul3A_443 = arith.muli %scan3A_100, %mul3A_442 : i32
          %add3A_444 = arith.constant 7 : i32
          %add3A_445 = arith.addi %mul3A_443, %add3A_444 : i32
          %swap3A_446 = arith.index_cast %add3A_445 : i32 to index
          %swap3A_447 = arith.constant 32 : index
          %swap3A_448 = tpu.vector_load %arg7[%swap3A_446, %swap3A_447] {strides = array<i32>} : memref<256x65xf32, #tpu.memory_space<vmem>>, vector<16xf32>,
          tpu.vector_store %arg7[%swap3A_446, %swap3A_447], %gather3A_426 {strides = array<i32>} : memref<256x65xf32, #tpu.memory_space<vmem>>, vector<16xf32>,
          %mul3A_449 = arith.constant 16 : i32
          %mul3A_450 = arith.muli %scan3A_100, %mul3A_449 : i32
          %add3A_451 = arith.constant 7 : i32
          %add3A_452 = arith.addi %mul3A_450, %add3A_451 : i32
          %swap3A_453 = arith.index_cast %add3A_452 : i32 to index
          %swap3A_454 = arith.constant 48 : index
          %swap3A_455 = tpu.vector_load %arg7[%swap3A_453, %swap3A_454] {strides = array<i32>} : memref<256x65xf32, #tpu.memory_space<vmem>>, vector<16xf32>,
          tpu.vector_store %arg7[%swap3A_453, %swap3A_454], %gather3A_427 {strides = array<i32>} : memref<256x65xf32, #tpu.memory_space<vmem>>, vector<16xf32>,
          %broadcast_in_dim3A_456 = arith.constant 8 : i32
          %broadcast_in_dim3A_457 = vector.broadcast %broadcast_in_dim3A_456 : i32 to vector<16xi32>
          %lt3A_458 = arith.constant 0 : i32
          %lt3A_459 = vector.broadcast %lt3A_458 : i32 to vector<16xi32>
          %lt3A_460 = arith.cmpi slt, %broadcast_in_dim3A_457, %lt3A_459 : vector<16xi32>
          %add3A_461 = arith.constant 16 : i32
          %add3A_462 = vector.broadcast %add3A_461 : i32 to vector<16xi32>
          %add3A_463 = arith.addi %broadcast_in_dim3A_457, %add3A_462 : vector<16xi32>
          %select_n3A_464 = arith.select %lt3A_460, %add3A_463, %broadcast_in_dim3A_457 : vector<16xi1>, vector<16xi32>
          %broadcast_in_dim3A_465 = vector.shape_cast %select_n3A_464 : vector<16xi32> to vector<16x1xi32>
          %gather3A_466 = vector.shape_cast %broadcast_in_dim3A_465 : vector<16x1xi32> to vector<16xi32>
          %gather3A_467 = tpu.dynamic_gather %get3A_106[%gather3A_466] in [0] : vector<16xi32>, vector<16xi32> -> vector<16xi32>
          %gather3A_468 = tpu.vector_load_idx %arg6[%gather3A_467, %add3A_74] : memref<1024x65xf32, #tpu.memory_space<vmem>>[vector<16xi32>, vector<16xi32>], vector<16xf32>,
          %gather3A_469 = tpu.vector_load_idx %arg6[%gather3A_467, %add3A_77] : memref<1024x65xf32, #tpu.memory_space<vmem>>[vector<16xi32>, vector<16xi32>], vector<16xf32>,
          %gather3A_470 = tpu.vector_load_idx %arg6[%gather3A_467, %add3A_80] : memref<1024x65xf32, #tpu.memory_space<vmem>>[vector<16xi32>, vector<16xi32>], vector<16xf32>,
          %gather3A_471 = tpu.vector_load_idx %arg6[%gather3A_467, %add3A_83] : memref<1024x65xf32, #tpu.memory_space<vmem>>[vector<16xi32>, vector<16xi32>], vector<16xf32>,
          %mul3A_472 = arith.constant 16 : i32
          %mul3A_473 = arith.muli %scan3A_100, %mul3A_472 : i32
          %add3A_474 = arith.constant 8 : i32
          %add3A_475 = arith.addi %mul3A_473, %add3A_474 : i32
          %swap3A_476 = arith.index_cast %add3A_475 : i32 to index
          %swap3A_477 = arith.constant 0 : index
          %swap3A_478 = tpu.vector_load %arg7[%swap3A_476, %swap3A_477] {strides = array<i32>} : memref<256x65xf32, #tpu.memory_space<vmem>>, vector<16xf32>,
          tpu.vector_store %arg7[%swap3A_476, %swap3A_477], %gather3A_468 {strides = array<i32>} : memref<256x65xf32, #tpu.memory_space<vmem>>, vector<16xf32>,
          %mul3A_479 = arith.constant 16 : i32
          %mul3A_480 = arith.muli %scan3A_100, %mul3A_479 : i32
          %add3A_481 = arith.constant 8 : i32
          %add3A_482 = arith.addi %mul3A_480, %add3A_481 : i32
          %swap3A_483 = arith.index_cast %add3A_482 : i32 to index
          %swap3A_484 = arith.constant 16 : index
          %swap3A_485 = tpu.vector_load %arg7[%swap3A_483, %swap3A_484] {strides = array<i32>} : memref<256x65xf32, #tpu.memory_space<vmem>>, vector<16xf32>,
          tpu.vector_store %arg7[%swap3A_483, %swap3A_484], %gather3A_469 {strides = array<i32>} : memref<256x65xf32, #tpu.memory_space<vmem>>, vector<16xf32>,
          %mul3A_486 = arith.constant 16 : i32
          %mul3A_487 = arith.muli %scan3A_100, %mul3A_486 : i32
          %add3A_488 = arith.constant 8 : i32
          %add3A_489 = arith.addi %mul3A_487, %add3A_488 : i32
          %swap3A_490 = arith.index_cast %add3A_489 : i32 to index
          %swap3A_491 = arith.constant 32 : index
          %swap3A_492 = tpu.vector_load %arg7[%swap3A_490, %swap3A_491] {strides = array<i32>} : memref<256x65xf32, #tpu.memory_space<vmem>>, vector<16xf32>,
          tpu.vector_store %arg7[%swap3A_490, %swap3A_491], %gather3A_470 {strides = array<i32>} : memref<256x65xf32, #tpu.memory_space<vmem>>, vector<16xf32>,
          %mul3A_493 = arith.constant 16 : i32
          %mul3A_494 = arith.muli %scan3A_100, %mul3A_493 : i32
          %add3A_495 = arith.constant 8 : i32
          %add3A_496 = arith.addi %mul3A_494, %add3A_495 : i32
          %swap3A_497 = arith.index_cast %add3A_496 : i32 to index
          %swap3A_498 = arith.constant 48 : index
          %swap3A_499 = tpu.vector_load %arg7[%swap3A_497, %swap3A_498] {strides = array<i32>} : memref<256x65xf32, #tpu.memory_space<vmem>>, vector<16xf32>,
          tpu.vector_store %arg7[%swap3A_497, %swap3A_498], %gather3A_471 {strides = array<i32>} : memref<256x65xf32, #tpu.memory_space<vmem>>, vector<16xf32>,
          %broadcast_in_dim3A_500 = arith.constant 9 : i32
          %broadcast_in_dim3A_501 = vector.broadcast %broadcast_in_dim3A_500 : i32 to vector<16xi32>
          %lt3A_502 = arith.constant 0 : i32
          %lt3A_503 = vector.broadcast %lt3A_502 : i32 to vector<16xi32>
          %lt3A_504 = arith.cmpi slt, %broadcast_in_dim3A_501, %lt3A_503 : vector<16xi32>
          %add3A_505 = arith.constant 16 : i32
          %add3A_506 = vector.broadcast %add3A_505 : i32 to vector<16xi32>
          %add3A_507 = arith.addi %broadcast_in_dim3A_501, %add3A_506 : vector<16xi32>
          %select_n3A_508 = arith.select %lt3A_504, %add3A_507, %broadcast_in_dim3A_501 : vector<16xi1>, vector<16xi32>
          %broadcast_in_dim3A_509 = vector.shape_cast %select_n3A_508 : vector<16xi32> to vector<16x1xi32>
          %gather3A_510 = vector.shape_cast %broadcast_in_dim3A_509 : vector<16x1xi32> to vector<16xi32>
          %gather3A_511 = tpu.dynamic_gather %get3A_106[%gather3A_510] in [0] : vector<16xi32>, vector<16xi32> -> vector<16xi32>
          %gather3A_512 = tpu.vector_load_idx %arg6[%gather3A_511, %add3A_74] : memref<1024x65xf32, #tpu.memory_space<vmem>>[vector<16xi32>, vector<16xi32>], vector<16xf32>,
          %gather3A_513 = tpu.vector_load_idx %arg6[%gather3A_511, %add3A_77] : memref<1024x65xf32, #tpu.memory_space<vmem>>[vector<16xi32>, vector<16xi32>], vector<16xf32>,
          %gather3A_514 = tpu.vector_load_idx %arg6[%gather3A_511, %add3A_80] : memref<1024x65xf32, #tpu.memory_space<vmem>>[vector<16xi32>, vector<16xi32>], vector<16xf32>,
          %gather3A_515 = tpu.vector_load_idx %arg6[%gather3A_511, %add3A_83] : memref<1024x65xf32, #tpu.memory_space<vmem>>[vector<16xi32>, vector<16xi32>], vector<16xf32>,
          %mul3A_516 = arith.constant 16 : i32
          %mul3A_517 = arith.muli %scan3A_100, %mul3A_516 : i32
          %add3A_518 = arith.constant 9 : i32
          %add3A_519 = arith.addi %mul3A_517, %add3A_518 : i32
          %swap3A_520 = arith.index_cast %add3A_519 : i32 to index
          %swap3A_521 = arith.constant 0 : index
          %swap3A_522 = tpu.vector_load %arg7[%swap3A_520, %swap3A_521] {strides = array<i32>} : memref<256x65xf32, #tpu.memory_space<vmem>>, vector<16xf32>,
          tpu.vector_store %arg7[%swap3A_520, %swap3A_521], %gather3A_512 {strides = array<i32>} : memref<256x65xf32, #tpu.memory_space<vmem>>, vector<16xf32>,
          %mul3A_523 = arith.constant 16 : i32
          %mul3A_524 = arith.muli %scan3A_100, %mul3A_523 : i32
          %add3A_525 = arith.constant 9 : i32
          %add3A_526 = arith.addi %mul3A_524, %add3A_525 : i32
          %swap3A_527 = arith.index_cast %add3A_526 : i32 to index
          %swap3A_528 = arith.constant 16 : index
          %swap3A_529 = tpu.vector_load %arg7[%swap3A_527, %swap3A_528] {strides = array<i32>} : memref<256x65xf32, #tpu.memory_space<vmem>>, vector<16xf32>,
          tpu.vector_store %arg7[%swap3A_527, %swap3A_528], %gather3A_513 {strides = array<i32>} : memref<256x65xf32, #tpu.memory_space<vmem>>, vector<16xf32>,
          %mul3A_530 = arith.constant 16 : i32
          %mul3A_531 = arith.muli %scan3A_100, %mul3A_530 : i32
          %add3A_532 = arith.constant 9 : i32
          %add3A_533 = arith.addi %mul3A_531, %add3A_532 : i32
          %swap3A_534 = arith.index_cast %add3A_533 : i32 to index
          %swap3A_535 = arith.constant 32 : index
          %swap3A_536 = tpu.vector_load %arg7[%swap3A_534, %swap3A_535] {strides = array<i32>} : memref<256x65xf32, #tpu.memory_space<vmem>>, vector<16xf32>,
          tpu.vector_store %arg7[%swap3A_534, %swap3A_535], %gather3A_514 {strides = array<i32>} : memref<256x65xf32, #tpu.memory_space<vmem>>, vector<16xf32>,
          %mul3A_537 = arith.constant 16 : i32
          %mul3A_538 = arith.muli %scan3A_100, %mul3A_537 : i32
          %add3A_539 = arith.constant 9 : i32
          %add3A_540 = arith.addi %mul3A_538, %add3A_539 : i32
          %swap3A_541 = arith.index_cast %add3A_540 : i32 to index
          %swap3A_542 = arith.constant 48 : index
          %swap3A_543 = tpu.vector_load %arg7[%swap3A_541, %swap3A_542] {strides = array<i32>} : memref<256x65xf32, #tpu.memory_space<vmem>>, vector<16xf32>,
          tpu.vector_store %arg7[%swap3A_541, %swap3A_542], %gather3A_515 {strides = array<i32>} : memref<256x65xf32, #tpu.memory_space<vmem>>, vector<16xf32>,
          %broadcast_in_dim3A_544 = arith.constant 10 : i32
          %broadcast_in_dim3A_545 = vector.broadcast %broadcast_in_dim3A_544 : i32 to vector<16xi32>
          %lt3A_546 = arith.constant 0 : i32
          %lt3A_547 = vector.broadcast %lt3A_546 : i32 to vector<16xi32>
          %lt3A_548 = arith.cmpi slt, %broadcast_in_dim3A_545, %lt3A_547 : vector<16xi32>
          %add3A_549 = arith.constant 16 : i32
          %add3A_550 = vector.broadcast %add3A_549 : i32 to vector<16xi32>
          %add3A_551 = arith.addi %broadcast_in_dim3A_545, %add3A_550 : vector<16xi32>
          %select_n3A_552 = arith.select %lt3A_548, %add3A_551, %broadcast_in_dim3A_545 : vector<16xi1>, vector<16xi32>
          %broadcast_in_dim3A_553 = vector.shape_cast %select_n3A_552 : vector<16xi32> to vector<16x1xi32>
          %gather3A_554 = vector.shape_cast %broadcast_in_dim3A_553 : vector<16x1xi32> to vector<16xi32>
          %gather3A_555 = tpu.dynamic_gather %get3A_106[%gather3A_554] in [0] : vector<16xi32>, vector<16xi32> -> vector<16xi32>
          %gather3A_556 = tpu.vector_load_idx %arg6[%gather3A_555, %add3A_74] : memref<1024x65xf32, #tpu.memory_space<vmem>>[vector<16xi32>, vector<16xi32>], vector<16xf32>,
          %gather3A_557 = tpu.vector_load_idx %arg6[%gather3A_555, %add3A_77] : memref<1024x65xf32, #tpu.memory_space<vmem>>[vector<16xi32>, vector<16xi32>], vector<16xf32>,
          %gather3A_558 = tpu.vector_load_idx %arg6[%gather3A_555, %add3A_80] : memref<1024x65xf32, #tpu.memory_space<vmem>>[vector<16xi32>, vector<16xi32>], vector<16xf32>,
          %gather3A_559 = tpu.vector_load_idx %arg6[%gather3A_555, %add3A_83] : memref<1024x65xf32, #tpu.memory_space<vmem>>[vector<16xi32>, vector<16xi32>], vector<16xf32>,
          %mul3A_560 = arith.constant 16 : i32
          %mul3A_561 = arith.muli %scan3A_100, %mul3A_560 : i32
          %add3A_562 = arith.constant 10 : i32
          %add3A_563 = arith.addi %mul3A_561, %add3A_562 : i32
          %swap3A_564 = arith.index_cast %add3A_563 : i32 to index
          %swap3A_565 = arith.constant 0 : index
          %swap3A_566 = tpu.vector_load %arg7[%swap3A_564, %swap3A_565] {strides = array<i32>} : memref<256x65xf32, #tpu.memory_space<vmem>>, vector<16xf32>,
          tpu.vector_store %arg7[%swap3A_564, %swap3A_565], %gather3A_556 {strides = array<i32>} : memref<256x65xf32, #tpu.memory_space<vmem>>, vector<16xf32>,
          %mul3A_567 = arith.constant 16 : i32
          %mul3A_568 = arith.muli %scan3A_100, %mul3A_567 : i32
          %add3A_569 = arith.constant 10 : i32
          %add3A_570 = arith.addi %mul3A_568, %add3A_569 : i32
          %swap3A_571 = arith.index_cast %add3A_570 : i32 to index
          %swap3A_572 = arith.constant 16 : index
          %swap3A_573 = tpu.vector_load %arg7[%swap3A_571, %swap3A_572] {strides = array<i32>} : memref<256x65xf32, #tpu.memory_space<vmem>>, vector<16xf32>,
          tpu.vector_store %arg7[%swap3A_571, %swap3A_572], %gather3A_557 {strides = array<i32>} : memref<256x65xf32, #tpu.memory_space<vmem>>, vector<16xf32>,
          %mul3A_574 = arith.constant 16 : i32
          %mul3A_575 = arith.muli %scan3A_100, %mul3A_574 : i32
          %add3A_576 = arith.constant 10 : i32
          %add3A_577 = arith.addi %mul3A_575, %add3A_576 : i32
          %swap3A_578 = arith.index_cast %add3A_577 : i32 to index
          %swap3A_579 = arith.constant 32 : index
          %swap3A_580 = tpu.vector_load %arg7[%swap3A_578, %swap3A_579] {strides = array<i32>} : memref<256x65xf32, #tpu.memory_space<vmem>>, vector<16xf32>,
          tpu.vector_store %arg7[%swap3A_578, %swap3A_579], %gather3A_558 {strides = array<i32>} : memref<256x65xf32, #tpu.memory_space<vmem>>, vector<16xf32>,
          %mul3A_581 = arith.constant 16 : i32
          %mul3A_582 = arith.muli %scan3A_100, %mul3A_581 : i32
          %add3A_583 = arith.constant 10 : i32
          %add3A_584 = arith.addi %mul3A_582, %add3A_583 : i32
          %swap3A_585 = arith.index_cast %add3A_584 : i32 to index
          %swap3A_586 = arith.constant 48 : index
          %swap3A_587 = tpu.vector_load %arg7[%swap3A_585, %swap3A_586] {strides = array<i32>} : memref<256x65xf32, #tpu.memory_space<vmem>>, vector<16xf32>,
          tpu.vector_store %arg7[%swap3A_585, %swap3A_586], %gather3A_559 {strides = array<i32>} : memref<256x65xf32, #tpu.memory_space<vmem>>, vector<16xf32>,
          %broadcast_in_dim3A_588 = arith.constant 11 : i32
          %broadcast_in_dim3A_589 = vector.broadcast %broadcast_in_dim3A_588 : i32 to vector<16xi32>
          %lt3A_590 = arith.constant 0 : i32
          %lt3A_591 = vector.broadcast %lt3A_590 : i32 to vector<16xi32>
          %lt3A_592 = arith.cmpi slt, %broadcast_in_dim3A_589, %lt3A_591 : vector<16xi32>
          %add3A_593 = arith.constant 16 : i32
          %add3A_594 = vector.broadcast %add3A_593 : i32 to vector<16xi32>
          %add3A_595 = arith.addi %broadcast_in_dim3A_589, %add3A_594 : vector<16xi32>
          %select_n3A_596 = arith.select %lt3A_592, %add3A_595, %broadcast_in_dim3A_589 : vector<16xi1>, vector<16xi32>
          %broadcast_in_dim3A_597 = vector.shape_cast %select_n3A_596 : vector<16xi32> to vector<16x1xi32>
          %gather3A_598 = vector.shape_cast %broadcast_in_dim3A_597 : vector<16x1xi32> to vector<16xi32>
          %gather3A_599 = tpu.dynamic_gather %get3A_106[%gather3A_598] in [0] : vector<16xi32>, vector<16xi32> -> vector<16xi32>
          %gather3A_600 = tpu.vector_load_idx %arg6[%gather3A_599, %add3A_74] : memref<1024x65xf32, #tpu.memory_space<vmem>>[vector<16xi32>, vector<16xi32>], vector<16xf32>,
          %gather3A_601 = tpu.vector_load_idx %arg6[%gather3A_599, %add3A_77] : memref<1024x65xf32, #tpu.memory_space<vmem>>[vector<16xi32>, vector<16xi32>], vector<16xf32>,
          %gather3A_602 = tpu.vector_load_idx %arg6[%gather3A_599, %add3A_80] : memref<1024x65xf32, #tpu.memory_space<vmem>>[vector<16xi32>, vector<16xi32>], vector<16xf32>,
          %gather3A_603 = tpu.vector_load_idx %arg6[%gather3A_599, %add3A_83] : memref<1024x65xf32, #tpu.memory_space<vmem>>[vector<16xi32>, vector<16xi32>], vector<16xf32>,
          %mul3A_604 = arith.constant 16 : i32
          %mul3A_605 = arith.muli %scan3A_100, %mul3A_604 : i32
          %add3A_606 = arith.constant 11 : i32
          %add3A_607 = arith.addi %mul3A_605, %add3A_606 : i32
          %swap3A_608 = arith.index_cast %add3A_607 : i32 to index
          %swap3A_609 = arith.constant 0 : index
          %swap3A_610 = tpu.vector_load %arg7[%swap3A_608, %swap3A_609] {strides = array<i32>} : memref<256x65xf32, #tpu.memory_space<vmem>>, vector<16xf32>,
          tpu.vector_store %arg7[%swap3A_608, %swap3A_609], %gather3A_600 {strides = array<i32>} : memref<256x65xf32, #tpu.memory_space<vmem>>, vector<16xf32>,
          %mul3A_611 = arith.constant 16 : i32
          %mul3A_612 = arith.muli %scan3A_100, %mul3A_611 : i32
          %add3A_613 = arith.constant 11 : i32
          %add3A_614 = arith.addi %mul3A_612, %add3A_613 : i32
          %swap3A_615 = arith.index_cast %add3A_614 : i32 to index
          %swap3A_616 = arith.constant 16 : index
          %swap3A_617 = tpu.vector_load %arg7[%swap3A_615, %swap3A_616] {strides = array<i32>} : memref<256x65xf32, #tpu.memory_space<vmem>>, vector<16xf32>,
          tpu.vector_store %arg7[%swap3A_615, %swap3A_616], %gather3A_601 {strides = array<i32>} : memref<256x65xf32, #tpu.memory_space<vmem>>, vector<16xf32>,
          %mul3A_618 = arith.constant 16 : i32
          %mul3A_619 = arith.muli %scan3A_100, %mul3A_618 : i32
          %add3A_620 = arith.constant 11 : i32
          %add3A_621 = arith.addi %mul3A_619, %add3A_620 : i32
          %swap3A_622 = arith.index_cast %add3A_621 : i32 to index
          %swap3A_623 = arith.constant 32 : index
          %swap3A_624 = tpu.vector_load %arg7[%swap3A_622, %swap3A_623] {strides = array<i32>} : memref<256x65xf32, #tpu.memory_space<vmem>>, vector<16xf32>,
          tpu.vector_store %arg7[%swap3A_622, %swap3A_623], %gather3A_602 {strides = array<i32>} : memref<256x65xf32, #tpu.memory_space<vmem>>, vector<16xf32>,
          %mul3A_625 = arith.constant 16 : i32
          %mul3A_626 = arith.muli %scan3A_100, %mul3A_625 : i32
          %add3A_627 = arith.constant 11 : i32
          %add3A_628 = arith.addi %mul3A_626, %add3A_627 : i32
          %swap3A_629 = arith.index_cast %add3A_628 : i32 to index
          %swap3A_630 = arith.constant 48 : index
          %swap3A_631 = tpu.vector_load %arg7[%swap3A_629, %swap3A_630] {strides = array<i32>} : memref<256x65xf32, #tpu.memory_space<vmem>>, vector<16xf32>,
          tpu.vector_store %arg7[%swap3A_629, %swap3A_630], %gather3A_603 {strides = array<i32>} : memref<256x65xf32, #tpu.memory_space<vmem>>, vector<16xf32>,
          %broadcast_in_dim3A_632 = arith.constant 12 : i32
          %broadcast_in_dim3A_633 = vector.broadcast %broadcast_in_dim3A_632 : i32 to vector<16xi32>
          %lt3A_634 = arith.constant 0 : i32
          %lt3A_635 = vector.broadcast %lt3A_634 : i32 to vector<16xi32>
          %lt3A_636 = arith.cmpi slt, %broadcast_in_dim3A_633, %lt3A_635 : vector<16xi32>
          %add3A_637 = arith.constant 16 : i32
          %add3A_638 = vector.broadcast %add3A_637 : i32 to vector<16xi32>
          %add3A_639 = arith.addi %broadcast_in_dim3A_633, %add3A_638 : vector<16xi32>
          %select_n3A_640 = arith.select %lt3A_636, %add3A_639, %broadcast_in_dim3A_633 : vector<16xi1>, vector<16xi32>
          %broadcast_in_dim3A_641 = vector.shape_cast %select_n3A_640 : vector<16xi32> to vector<16x1xi32>
          %gather3A_642 = vector.shape_cast %broadcast_in_dim3A_641 : vector<16x1xi32> to vector<16xi32>
          %gather3A_643 = tpu.dynamic_gather %get3A_106[%gather3A_642] in [0] : vector<16xi32>, vector<16xi32> -> vector<16xi32>
          %gather3A_644 = tpu.vector_load_idx %arg6[%gather3A_643, %add3A_74] : memref<1024x65xf32, #tpu.memory_space<vmem>>[vector<16xi32>, vector<16xi32>], vector<16xf32>,
          %gather3A_645 = tpu.vector_load_idx %arg6[%gather3A_643, %add3A_77] : memref<1024x65xf32, #tpu.memory_space<vmem>>[vector<16xi32>, vector<16xi32>], vector<16xf32>,
          %gather3A_646 = tpu.vector_load_idx %arg6[%gather3A_643, %add3A_80] : memref<1024x65xf32, #tpu.memory_space<vmem>>[vector<16xi32>, vector<16xi32>], vector<16xf32>,
          %gather3A_647 = tpu.vector_load_idx %arg6[%gather3A_643, %add3A_83] : memref<1024x65xf32, #tpu.memory_space<vmem>>[vector<16xi32>, vector<16xi32>], vector<16xf32>,
          %mul3A_648 = arith.constant 16 : i32
          %mul3A_649 = arith.muli %scan3A_100, %mul3A_648 : i32
          %add3A_650 = arith.constant 12 : i32
          %add3A_651 = arith.addi %mul3A_649, %add3A_650 : i32
          %swap3A_652 = arith.index_cast %add3A_651 : i32 to index
          %swap3A_653 = arith.constant 0 : index
          %swap3A_654 = tpu.vector_load %arg7[%swap3A_652, %swap3A_653] {strides = array<i32>} : memref<256x65xf32, #tpu.memory_space<vmem>>, vector<16xf32>,
          tpu.vector_store %arg7[%swap3A_652, %swap3A_653], %gather3A_644 {strides = array<i32>} : memref<256x65xf32, #tpu.memory_space<vmem>>, vector<16xf32>,
          %mul3A_655 = arith.constant 16 : i32
          %mul3A_656 = arith.muli %scan3A_100, %mul3A_655 : i32
          %add3A_657 = arith.constant 12 : i32
          %add3A_658 = arith.addi %mul3A_656, %add3A_657 : i32
          %swap3A_659 = arith.index_cast %add3A_658 : i32 to index
          %swap3A_660 = arith.constant 16 : index
          %swap3A_661 = tpu.vector_load %arg7[%swap3A_659, %swap3A_660] {strides = array<i32>} : memref<256x65xf32, #tpu.memory_space<vmem>>, vector<16xf32>,
          tpu.vector_store %arg7[%swap3A_659, %swap3A_660], %gather3A_645 {strides = array<i32>} : memref<256x65xf32, #tpu.memory_space<vmem>>, vector<16xf32>,
          %mul3A_662 = arith.constant 16 : i32
          %mul3A_663 = arith.muli %scan3A_100, %mul3A_662 : i32
          %add3A_664 = arith.constant 12 : i32
          %add3A_665 = arith.addi %mul3A_663, %add3A_664 : i32
          %swap3A_666 = arith.index_cast %add3A_665 : i32 to index
          %swap3A_667 = arith.constant 32 : index
          %swap3A_668 = tpu.vector_load %arg7[%swap3A_666, %swap3A_667] {strides = array<i32>} : memref<256x65xf32, #tpu.memory_space<vmem>>, vector<16xf32>,
          tpu.vector_store %arg7[%swap3A_666, %swap3A_667], %gather3A_646 {strides = array<i32>} : memref<256x65xf32, #tpu.memory_space<vmem>>, vector<16xf32>,
          %mul3A_669 = arith.constant 16 : i32
          %mul3A_670 = arith.muli %scan3A_100, %mul3A_669 : i32
          %add3A_671 = arith.constant 12 : i32
          %add3A_672 = arith.addi %mul3A_670, %add3A_671 : i32
          %swap3A_673 = arith.index_cast %add3A_672 : i32 to index
          %swap3A_674 = arith.constant 48 : index
          %swap3A_675 = tpu.vector_load %arg7[%swap3A_673, %swap3A_674] {strides = array<i32>} : memref<256x65xf32, #tpu.memory_space<vmem>>, vector<16xf32>,
          tpu.vector_store %arg7[%swap3A_673, %swap3A_674], %gather3A_647 {strides = array<i32>} : memref<256x65xf32, #tpu.memory_space<vmem>>, vector<16xf32>,
          %broadcast_in_dim3A_676 = arith.constant 13 : i32
          %broadcast_in_dim3A_677 = vector.broadcast %broadcast_in_dim3A_676 : i32 to vector<16xi32>
          %lt3A_678 = arith.constant 0 : i32
          %lt3A_679 = vector.broadcast %lt3A_678 : i32 to vector<16xi32>
          %lt3A_680 = arith.cmpi slt, %broadcast_in_dim3A_677, %lt3A_679 : vector<16xi32>
          %add3A_681 = arith.constant 16 : i32
          %add3A_682 = vector.broadcast %add3A_681 : i32 to vector<16xi32>
          %add3A_683 = arith.addi %broadcast_in_dim3A_677, %add3A_682 : vector<16xi32>
          %select_n3A_684 = arith.select %lt3A_680, %add3A_683, %broadcast_in_dim3A_677 : vector<16xi1>, vector<16xi32>
          %broadcast_in_dim3A_685 = vector.shape_cast %select_n3A_684 : vector<16xi32> to vector<16x1xi32>
          %gather3A_686 = vector.shape_cast %broadcast_in_dim3A_685 : vector<16x1xi32> to vector<16xi32>
          %gather3A_687 = tpu.dynamic_gather %get3A_106[%gather3A_686] in [0] : vector<16xi32>, vector<16xi32> -> vector<16xi32>
          %gather3A_688 = tpu.vector_load_idx %arg6[%gather3A_687, %add3A_74] : memref<1024x65xf32, #tpu.memory_space<vmem>>[vector<16xi32>, vector<16xi32>], vector<16xf32>,
          %gather3A_689 = tpu.vector_load_idx %arg6[%gather3A_687, %add3A_77] : memref<1024x65xf32, #tpu.memory_space<vmem>>[vector<16xi32>, vector<16xi32>], vector<16xf32>,
          %gather3A_690 = tpu.vector_load_idx %arg6[%gather3A_687, %add3A_80] : memref<1024x65xf32, #tpu.memory_space<vmem>>[vector<16xi32>, vector<16xi32>], vector<16xf32>,
          %gather3A_691 = tpu.vector_load_idx %arg6[%gather3A_687, %add3A_83] : memref<1024x65xf32, #tpu.memory_space<vmem>>[vector<16xi32>, vector<16xi32>], vector<16xf32>,
          %mul3A_692 = arith.constant 16 : i32
          %mul3A_693 = arith.muli %scan3A_100, %mul3A_692 : i32
          %add3A_694 = arith.constant 13 : i32
          %add3A_695 = arith.addi %mul3A_693, %add3A_694 : i32
          %swap3A_696 = arith.index_cast %add3A_695 : i32 to index
          %swap3A_697 = arith.constant 0 : index
          %swap3A_698 = tpu.vector_load %arg7[%swap3A_696, %swap3A_697] {strides = array<i32>} : memref<256x65xf32, #tpu.memory_space<vmem>>, vector<16xf32>,
          tpu.vector_store %arg7[%swap3A_696, %swap3A_697], %gather3A_688 {strides = array<i32>} : memref<256x65xf32, #tpu.memory_space<vmem>>, vector<16xf32>,
          %mul3A_699 = arith.constant 16 : i32
          %mul3A_700 = arith.muli %scan3A_100, %mul3A_699 : i32
          %add3A_701 = arith.constant 13 : i32
          %add3A_702 = arith.addi %mul3A_700, %add3A_701 : i32
          %swap3A_703 = arith.index_cast %add3A_702 : i32 to index
          %swap3A_704 = arith.constant 16 : index
          %swap3A_705 = tpu.vector_load %arg7[%swap3A_703, %swap3A_704] {strides = array<i32>} : memref<256x65xf32, #tpu.memory_space<vmem>>, vector<16xf32>,
          tpu.vector_store %arg7[%swap3A_703, %swap3A_704], %gather3A_689 {strides = array<i32>} : memref<256x65xf32, #tpu.memory_space<vmem>>, vector<16xf32>,
          %mul3A_706 = arith.constant 16 : i32
          %mul3A_707 = arith.muli %scan3A_100, %mul3A_706 : i32
          %add3A_708 = arith.constant 13 : i32
          %add3A_709 = arith.addi %mul3A_707, %add3A_708 : i32
          %swap3A_710 = arith.index_cast %add3A_709 : i32 to index
          %swap3A_711 = arith.constant 32 : index
          %swap3A_712 = tpu.vector_load %arg7[%swap3A_710, %swap3A_711] {strides = array<i32>} : memref<256x65xf32, #tpu.memory_space<vmem>>, vector<16xf32>,
          tpu.vector_store %arg7[%swap3A_710, %swap3A_711], %gather3A_690 {strides = array<i32>} : memref<256x65xf32, #tpu.memory_space<vmem>>, vector<16xf32>,
          %mul3A_713 = arith.constant 16 : i32
          %mul3A_714 = arith.muli %scan3A_100, %mul3A_713 : i32
          %add3A_715 = arith.constant 13 : i32
          %add3A_716 = arith.addi %mul3A_714, %add3A_715 : i32
          %swap3A_717 = arith.index_cast %add3A_716 : i32 to index
          %swap3A_718 = arith.constant 48 : index
          %swap3A_719 = tpu.vector_load %arg7[%swap3A_717, %swap3A_718] {strides = array<i32>} : memref<256x65xf32, #tpu.memory_space<vmem>>, vector<16xf32>,
          tpu.vector_store %arg7[%swap3A_717, %swap3A_718], %gather3A_691 {strides = array<i32>} : memref<256x65xf32, #tpu.memory_space<vmem>>, vector<16xf32>,
          %broadcast_in_dim3A_720 = arith.constant 14 : i32
          %broadcast_in_dim3A_721 = vector.broadcast %broadcast_in_dim3A_720 : i32 to vector<16xi32>
          %lt3A_722 = arith.constant 0 : i32
          %lt3A_723 = vector.broadcast %lt3A_722 : i32 to vector<16xi32>
          %lt3A_724 = arith.cmpi slt, %broadcast_in_dim3A_721, %lt3A_723 : vector<16xi32>
          %add3A_725 = arith.constant 16 : i32
          %add3A_726 = vector.broadcast %add3A_725 : i32 to vector<16xi32>
          %add3A_727 = arith.addi %broadcast_in_dim3A_721, %add3A_726 : vector<16xi32>
          %select_n3A_728 = arith.select %lt3A_724, %add3A_727, %broadcast_in_dim3A_721 : vector<16xi1>, vector<16xi32>
          %broadcast_in_dim3A_729 = vector.shape_cast %select_n3A_728 : vector<16xi32> to vector<16x1xi32>
          %gather3A_730 = vector.shape_cast %broadcast_in_dim3A_729 : vector<16x1xi32> to vector<16xi32>
          %gather3A_731 = tpu.dynamic_gather %get3A_106[%gather3A_730] in [0] : vector<16xi32>, vector<16xi32> -> vector<16xi32>
          %gather3A_732 = tpu.vector_load_idx %arg6[%gather3A_731, %add3A_74] : memref<1024x65xf32, #tpu.memory_space<vmem>>[vector<16xi32>, vector<16xi32>], vector<16xf32>,
          %gather3A_733 = tpu.vector_load_idx %arg6[%gather3A_731, %add3A_77] : memref<1024x65xf32, #tpu.memory_space<vmem>>[vector<16xi32>, vector<16xi32>], vector<16xf32>,
          %gather3A_734 = tpu.vector_load_idx %arg6[%gather3A_731, %add3A_80] : memref<1024x65xf32, #tpu.memory_space<vmem>>[vector<16xi32>, vector<16xi32>], vector<16xf32>,
          %gather3A_735 = tpu.vector_load_idx %arg6[%gather3A_731, %add3A_83] : memref<1024x65xf32, #tpu.memory_space<vmem>>[vector<16xi32>, vector<16xi32>], vector<16xf32>,
          %mul3A_736 = arith.constant 16 : i32
          %mul3A_737 = arith.muli %scan3A_100, %mul3A_736 : i32
          %add3A_738 = arith.constant 14 : i32
          %add3A_739 = arith.addi %mul3A_737, %add3A_738 : i32
          %swap3A_740 = arith.index_cast %add3A_739 : i32 to index
          %swap3A_741 = arith.constant 0 : index
          %swap3A_742 = tpu.vector_load %arg7[%swap3A_740, %swap3A_741] {strides = array<i32>} : memref<256x65xf32, #tpu.memory_space<vmem>>, vector<16xf32>,
          tpu.vector_store %arg7[%swap3A_740, %swap3A_741], %gather3A_732 {strides = array<i32>} : memref<256x65xf32, #tpu.memory_space<vmem>>, vector<16xf32>,
          %mul3A_743 = arith.constant 16 : i32
          %mul3A_744 = arith.muli %scan3A_100, %mul3A_743 : i32
          %add3A_745 = arith.constant 14 : i32
          %add3A_746 = arith.addi %mul3A_744, %add3A_745 : i32
          %swap3A_747 = arith.index_cast %add3A_746 : i32 to index
          %swap3A_748 = arith.constant 16 : index
          %swap3A_749 = tpu.vector_load %arg7[%swap3A_747, %swap3A_748] {strides = array<i32>} : memref<256x65xf32, #tpu.memory_space<vmem>>, vector<16xf32>,
          tpu.vector_store %arg7[%swap3A_747, %swap3A_748], %gather3A_733 {strides = array<i32>} : memref<256x65xf32, #tpu.memory_space<vmem>>, vector<16xf32>,
          %mul3A_750 = arith.constant 16 : i32
          %mul3A_751 = arith.muli %scan3A_100, %mul3A_750 : i32
          %add3A_752 = arith.constant 14 : i32
          %add3A_753 = arith.addi %mul3A_751, %add3A_752 : i32
          %swap3A_754 = arith.index_cast %add3A_753 : i32 to index
          %swap3A_755 = arith.constant 32 : index
          %swap3A_756 = tpu.vector_load %arg7[%swap3A_754, %swap3A_755] {strides = array<i32>} : memref<256x65xf32, #tpu.memory_space<vmem>>, vector<16xf32>,
          tpu.vector_store %arg7[%swap3A_754, %swap3A_755], %gather3A_734 {strides = array<i32>} : memref<256x65xf32, #tpu.memory_space<vmem>>, vector<16xf32>,
          %mul3A_757 = arith.constant 16 : i32
          %mul3A_758 = arith.muli %scan3A_100, %mul3A_757 : i32
          %add3A_759 = arith.constant 14 : i32
          %add3A_760 = arith.addi %mul3A_758, %add3A_759 : i32
          %swap3A_761 = arith.index_cast %add3A_760 : i32 to index
          %swap3A_762 = arith.constant 48 : index
          %swap3A_763 = tpu.vector_load %arg7[%swap3A_761, %swap3A_762] {strides = array<i32>} : memref<256x65xf32, #tpu.memory_space<vmem>>, vector<16xf32>,
          tpu.vector_store %arg7[%swap3A_761, %swap3A_762], %gather3A_735 {strides = array<i32>} : memref<256x65xf32, #tpu.memory_space<vmem>>, vector<16xf32>,
          %broadcast_in_dim3A_764 = arith.constant 15 : i32
          %broadcast_in_dim3A_765 = vector.broadcast %broadcast_in_dim3A_764 : i32 to vector<16xi32>
          %lt3A_766 = arith.constant 0 : i32
          %lt3A_767 = vector.broadcast %lt3A_766 : i32 to vector<16xi32>
          %lt3A_768 = arith.cmpi slt, %broadcast_in_dim3A_765, %lt3A_767 : vector<16xi32>
          %add3A_769 = arith.constant 16 : i32
          %add3A_770 = vector.broadcast %add3A_769 : i32 to vector<16xi32>
          %add3A_771 = arith.addi %broadcast_in_dim3A_765, %add3A_770 : vector<16xi32>
          %select_n3A_772 = arith.select %lt3A_768, %add3A_771, %broadcast_in_dim3A_765 : vector<16xi1>, vector<16xi32>
          %broadcast_in_dim3A_773 = vector.shape_cast %select_n3A_772 : vector<16xi32> to vector<16x1xi32>
          %gather3A_774 = vector.shape_cast %broadcast_in_dim3A_773 : vector<16x1xi32> to vector<16xi32>
          %gather3A_775 = tpu.dynamic_gather %get3A_106[%gather3A_774] in [0] : vector<16xi32>, vector<16xi32> -> vector<16xi32>
          %gather3A_776 = tpu.vector_load_idx %arg6[%gather3A_775, %add3A_74] : memref<1024x65xf32, #tpu.memory_space<vmem>>[vector<16xi32>, vector<16xi32>], vector<16xf32>,
          %gather3A_777 = tpu.vector_load_idx %arg6[%gather3A_775, %add3A_77] : memref<1024x65xf32, #tpu.memory_space<vmem>>[vector<16xi32>, vector<16xi32>], vector<16xf32>,
          %gather3A_778 = tpu.vector_load_idx %arg6[%gather3A_775, %add3A_80] : memref<1024x65xf32, #tpu.memory_space<vmem>>[vector<16xi32>, vector<16xi32>], vector<16xf32>,
          %gather3A_779 = tpu.vector_load_idx %arg6[%gather3A_775, %add3A_83] : memref<1024x65xf32, #tpu.memory_space<vmem>>[vector<16xi32>, vector<16xi32>], vector<16xf32>,
          %mul3A_780 = arith.constant 16 : i32
          %mul3A_781 = arith.muli %scan3A_100, %mul3A_780 : i32
          %add3A_782 = arith.constant 15 : i32
          %add3A_783 = arith.addi %mul3A_781, %add3A_782 : i32
          %swap3A_784 = arith.index_cast %add3A_783 : i32 to index
          %swap3A_785 = arith.constant 0 : index
          %swap3A_786 = tpu.vector_load %arg7[%swap3A_784, %swap3A_785] {strides = array<i32>} : memref<256x65xf32, #tpu.memory_space<vmem>>, vector<16xf32>,
          tpu.vector_store %arg7[%swap3A_784, %swap3A_785], %gather3A_776 {strides = array<i32>} : memref<256x65xf32, #tpu.memory_space<vmem>>, vector<16xf32>,
          %mul3A_787 = arith.constant 16 : i32
          %mul3A_788 = arith.muli %scan3A_100, %mul3A_787 : i32
          %add3A_789 = arith.constant 15 : i32
          %add3A_790 = arith.addi %mul3A_788, %add3A_789 : i32
          %swap3A_791 = arith.index_cast %add3A_790 : i32 to index
          %swap3A_792 = arith.constant 16 : index
          %swap3A_793 = tpu.vector_load %arg7[%swap3A_791, %swap3A_792] {strides = array<i32>} : memref<256x65xf32, #tpu.memory_space<vmem>>, vector<16xf32>,
          tpu.vector_store %arg7[%swap3A_791, %swap3A_792], %gather3A_777 {strides = array<i32>} : memref<256x65xf32, #tpu.memory_space<vmem>>, vector<16xf32>,
          %mul3A_794 = arith.constant 16 : i32
          %mul3A_795 = arith.muli %scan3A_100, %mul3A_794 : i32
          %add3A_796 = arith.constant 15 : i32
          %add3A_797 = arith.addi %mul3A_795, %add3A_796 : i32
          %swap3A_798 = arith.index_cast %add3A_797 : i32 to index
          %swap3A_799 = arith.constant 32 : index
          %swap3A_800 = tpu.vector_load %arg7[%swap3A_798, %swap3A_799] {strides = array<i32>} : memref<256x65xf32, #tpu.memory_space<vmem>>, vector<16xf32>,
          tpu.vector_store %arg7[%swap3A_798, %swap3A_799], %gather3A_778 {strides = array<i32>} : memref<256x65xf32, #tpu.memory_space<vmem>>, vector<16xf32>,
          %mul3A_801 = arith.constant 16 : i32
          %mul3A_802 = arith.muli %scan3A_100, %mul3A_801 : i32
          %add3A_803 = arith.constant 15 : i32
          %add3A_804 = arith.addi %mul3A_802, %add3A_803 : i32
          %swap3A_805 = arith.index_cast %add3A_804 : i32 to index
          %swap3A_806 = arith.constant 48 : index
          %swap3A_807 = tpu.vector_load %arg7[%swap3A_805, %swap3A_806] {strides = array<i32>} : memref<256x65xf32, #tpu.memory_space<vmem>>, vector<16xf32>,
          tpu.vector_store %arg7[%swap3A_805, %swap3A_806], %gather3A_779 {strides = array<i32>} : memref<256x65xf32, #tpu.memory_space<vmem>>, vector<16xf32>,
        }
        %scan3A_89 = arith.constant 16 : i32
        %mul3A_90 = arith.constant 256 : i32
        %mul3A_91 = arith.muli %scan3A_55, %mul3A_90 : i32
        %add3A_92 = arith.addi %mul3A_32, %mul3A_91 : i32
        %dma_start3A = arith.constant 0 : i32
        %dma_start3A_93 = arith.constant 0 : i32
        %dma_start3A_94 = tpu.memref_slice %arg7[%dma_start3A, %dma_start3A_93] : memref<256x65xf32, #tpu.memory_space<vmem>> -> memref<256x64xf32, #tpu.memory_space<vmem>>
        %dma_start3A_95 = tpu.memref_slice %arg4[%add3A_92, %mul3A_34] : memref<16384x256xf32, #tpu.memory_space<hbm>> -> memref<256x64xf32, #tpu.memory_space<hbm>>
        %dma_start3A_96 = tpu.memref_slice %arg4[%add3A_92, %mul3A_34] : memref<16384x256xf32, #tpu.memory_space<hbm>> -> memref<256x64xf32, #tpu.memory_space<hbm>>
        %dma_start3A_97 = arith.constant 0 : i32
        %dma_start3A_98 = arith.constant 0 : i32
        %dma_start3A_99 = tpu.memref_slice %arg7[%dma_start3A_97, %dma_start3A_98] : memref<256x65xf32, #tpu.memory_space<vmem>> -> memref<256x64xf32, #tpu.memory_space<vmem>>
        tpu.enqueue_dma source(%dma_start3A_99 : memref<256x64xf32, #tpu.memory_space<vmem>>) target(%dma_start3A_96 : memref<256x64xf32, #tpu.memory_space<hbm>>) target_semaphore(%arg9 : memref<!tpu.dma_semaphore, #tpu.memory_space<semaphore_mem>>)
      } else {
      }
      %rem3A_61 = arith.constant 2 : i32
      %rem3A_62 = arith.remsi %scan3A_55, %rem3A_61 : i32
      %eq3A_63 = arith.constant 1 : i32
      %eq3A_64 = arith.cmpi eq, %rem3A_62, %eq3A_63 : i32
      %convert_element_type3A_65 = arith.extui %eq3A_64 : i1 to i32
      %cond3A_66 = arith.constant 0 : i32
      %cond3A_67 = arith.cmpi ne, %convert_element_type3A_65, %cond3A_66 : i32
      scf.if %cond3A_67 {
        %ge3A = arith.constant 2 : i32
        %ge3A_68 = arith.cmpi sge, %scan3A_55, %ge3A : i32
        %convert_element_type3A_69 = arith.extui %ge3A_68 : i1 to i32
        %cond3A_70 = arith.constant 0 : i32
        %cond3A_71 = arith.cmpi ne, %convert_element_type3A_69, %cond3A_70 : i32
        scf.if %cond3A_71 {
          %dma_wait3A_100 = arith.constant 0 : i32
          %dma_wait3A_101 = arith.constant 0 : i32
          %dma_wait3A_102 = tpu.memref_slice %arg8[%dma_wait3A_100, %dma_wait3A_101] : memref<256x65xf32, #tpu.memory_space<vmem>> -> memref<256x64xf32, #tpu.memory_space<vmem>>
          %dma_wait3A_103 = tpu.memref_slice %arg4[%mul3A_32, %mul3A_34] : memref<16384x256xf32, #tpu.memory_space<hbm>> -> memref<256x64xf32, #tpu.memory_space<hbm>>
          %dma_wait3A_104 = tpu.memref_slice %arg4[%mul3A_32, %mul3A_34] : memref<16384x256xf32, #tpu.memory_space<hbm>> -> memref<256x64xf32, #tpu.memory_space<hbm>>
          %dma_wait3A_105 = arith.constant 0 : i32
          %dma_wait3A_106 = arith.constant 0 : i32
          %dma_wait3A_107 = tpu.memref_slice %arg8[%dma_wait3A_105, %dma_wait3A_106] : memref<256x65xf32, #tpu.memory_space<vmem>> -> memref<256x64xf32, #tpu.memory_space<vmem>>
          tpu.wait_dma2 semaphore(%arg10 : memref<!tpu.dma_semaphore, #tpu.memory_space<semaphore_mem>>) src(%dma_wait3A_107 : memref<256x64xf32, #tpu.memory_space<vmem>>) dst(%dma_wait3A_104 : memref<256x64xf32, #tpu.memory_space<hbm>>)
        } else {
        }
        %add3A_72 = arith.constant 0 : i32
        %add3A_73 = vector.broadcast %add3A_72 : i32 to vector<16xi32>
        %add3A_74 = arith.addi %iota3A, %add3A_73 : vector<16xi32>
        %add3A_75 = arith.constant 16 : i32
        %add3A_76 = vector.broadcast %add3A_75 : i32 to vector<16xi32>
        %add3A_77 = arith.addi %iota3A, %add3A_76 : vector<16xi32>
        %add3A_78 = arith.constant 32 : i32
        %add3A_79 = vector.broadcast %add3A_78 : i32 to vector<16xi32>
        %add3A_80 = arith.addi %iota3A, %add3A_79 : vector<16xi32>
        %add3A_81 = arith.constant 48 : i32
        %add3A_82 = vector.broadcast %add3A_81 : i32 to vector<16xi32>
        %add3A_83 = arith.addi %iota3A, %add3A_82 : vector<16xi32>
        %scan3A_84 = arith.constant 0 : i32
        %scan3A_85 = arith.constant 0 : i32
        %scan3A_86 = arith.constant 16 : i32
        %scan3A_87 = arith.addi %scan3A_85, %scan3A_86 : i32
        %scan3A_88 = arith.constant 1 : i32
        scf.for %scan3A_100 = %scan3A_85 to %scan3A_87 step %scan3A_88  : i32 {
          %mul3A_101 = arith.constant 256 : i32
          %mul3A_102 = arith.muli %scan3A_55, %mul3A_101 : i32
          %mul3A_103 = arith.constant 16 : i32
          %mul3A_104 = arith.muli %scan3A_100, %mul3A_103 : i32
          %add3A_105 = arith.addi %mul3A_102, %mul3A_104 : i32
          %get3A = arith.index_cast %add3A_105 : i32 to index
          %get3A_106 = tpu.vector_load %arg5[%get3A] {strides = array<i32>} : memref<2048xi32, #tpu.memory_space<vmem>>, vector<16xi32>,
          %broadcast_in_dim3A = arith.constant 0 : i32
          %broadcast_in_dim3A_107 = vector.broadcast %broadcast_in_dim3A : i32 to vector<16xi32>
          %lt3A_108 = arith.constant 0 : i32
          %lt3A_109 = vector.broadcast %lt3A_108 : i32 to vector<16xi32>
          %lt3A_110 = arith.cmpi slt, %broadcast_in_dim3A_107, %lt3A_109 : vector<16xi32>
          %add3A_111 = arith.constant 16 : i32
          %add3A_112 = vector.broadcast %add3A_111 : i32 to vector<16xi32>
          %add3A_113 = arith.addi %broadcast_in_dim3A_107, %add3A_112 : vector<16xi32>
          %select_n3A_114 = arith.select %lt3A_110, %add3A_113, %broadcast_in_dim3A_107 : vector<16xi1>, vector<16xi32>
          %broadcast_in_dim3A_115 = vector.shape_cast %select_n3A_114 : vector<16xi32> to vector<16x1xi32>
          %gather3A = vector.shape_cast %broadcast_in_dim3A_115 : vector<16x1xi32> to vector<16xi32>
          %gather3A_116 = tpu.dynamic_gather %get3A_106[%gather3A] in [0] : vector<16xi32>, vector<16xi32> -> vector<16xi32>
          %gather3A_117 = tpu.vector_load_idx %arg6[%gather3A_116, %add3A_74] : memref<1024x65xf32, #tpu.memory_space<vmem>>[vector<16xi32>, vector<16xi32>], vector<16xf32>,
          %gather3A_118 = tpu.vector_load_idx %arg6[%gather3A_116, %add3A_77] : memref<1024x65xf32, #tpu.memory_space<vmem>>[vector<16xi32>, vector<16xi32>], vector<16xf32>,
          %gather3A_119 = tpu.vector_load_idx %arg6[%gather3A_116, %add3A_80] : memref<1024x65xf32, #tpu.memory_space<vmem>>[vector<16xi32>, vector<16xi32>], vector<16xf32>,
          %gather3A_120 = tpu.vector_load_idx %arg6[%gather3A_116, %add3A_83] : memref<1024x65xf32, #tpu.memory_space<vmem>>[vector<16xi32>, vector<16xi32>], vector<16xf32>,
          %mul3A_121 = arith.constant 16 : i32
          %mul3A_122 = arith.muli %scan3A_100, %mul3A_121 : i32
          %add3A_123 = arith.constant 0 : i32
          %add3A_124 = arith.addi %mul3A_122, %add3A_123 : i32
          %swap3A = arith.index_cast %add3A_124 : i32 to index
          %swap3A_125 = arith.constant 0 : index
          %swap3A_126 = tpu.vector_load %arg8[%swap3A, %swap3A_125] {strides = array<i32>} : memref<256x65xf32, #tpu.memory_space<vmem>>, vector<16xf32>,
          tpu.vector_store %arg8[%swap3A, %swap3A_125], %gather3A_117 {strides = array<i32>} : memref<256x65xf32, #tpu.memory_space<vmem>>, vector<16xf32>,
          %mul3A_127 = arith.constant 16 : i32
          %mul3A_128 = arith.muli %scan3A_100, %mul3A_127 : i32
          %add3A_129 = arith.constant 0 : i32
          %add3A_130 = arith.addi %mul3A_128, %add3A_129 : i32
          %swap3A_131 = arith.index_cast %add3A_130 : i32 to index
          %swap3A_132 = arith.constant 16 : index
          %swap3A_133 = tpu.vector_load %arg8[%swap3A_131, %swap3A_132] {strides = array<i32>} : memref<256x65xf32, #tpu.memory_space<vmem>>, vector<16xf32>,
          tpu.vector_store %arg8[%swap3A_131, %swap3A_132], %gather3A_118 {strides = array<i32>} : memref<256x65xf32, #tpu.memory_space<vmem>>, vector<16xf32>,
          %mul3A_134 = arith.constant 16 : i32
          %mul3A_135 = arith.muli %scan3A_100, %mul3A_134 : i32
          %add3A_136 = arith.constant 0 : i32
          %add3A_137 = arith.addi %mul3A_135, %add3A_136 : i32
          %swap3A_138 = arith.index_cast %add3A_137 : i32 to index
          %swap3A_139 = arith.constant 32 : index
          %swap3A_140 = tpu.vector_load %arg8[%swap3A_138, %swap3A_139] {strides = array<i32>} : memref<256x65xf32, #tpu.memory_space<vmem>>, vector<16xf32>,
          tpu.vector_store %arg8[%swap3A_138, %swap3A_139], %gather3A_119 {strides = array<i32>} : memref<256x65xf32, #tpu.memory_space<vmem>>, vector<16xf32>,
          %mul3A_141 = arith.constant 16 : i32
          %mul3A_142 = arith.muli %scan3A_100, %mul3A_141 : i32
          %add3A_143 = arith.constant 0 : i32
          %add3A_144 = arith.addi %mul3A_142, %add3A_143 : i32
          %swap3A_145 = arith.index_cast %add3A_144 : i32 to index
          %swap3A_146 = arith.constant 48 : index
          %swap3A_147 = tpu.vector_load %arg8[%swap3A_145, %swap3A_146] {strides = array<i32>} : memref<256x65xf32, #tpu.memory_space<vmem>>, vector<16xf32>,
          tpu.vector_store %arg8[%swap3A_145, %swap3A_146], %gather3A_120 {strides = array<i32>} : memref<256x65xf32, #tpu.memory_space<vmem>>, vector<16xf32>,
          %broadcast_in_dim3A_148 = arith.constant 1 : i32
          %broadcast_in_dim3A_149 = vector.broadcast %broadcast_in_dim3A_148 : i32 to vector<16xi32>
          %lt3A_150 = arith.constant 0 : i32
          %lt3A_151 = vector.broadcast %lt3A_150 : i32 to vector<16xi32>
          %lt3A_152 = arith.cmpi slt, %broadcast_in_dim3A_149, %lt3A_151 : vector<16xi32>
          %add3A_153 = arith.constant 16 : i32
          %add3A_154 = vector.broadcast %add3A_153 : i32 to vector<16xi32>
          %add3A_155 = arith.addi %broadcast_in_dim3A_149, %add3A_154 : vector<16xi32>
          %select_n3A_156 = arith.select %lt3A_152, %add3A_155, %broadcast_in_dim3A_149 : vector<16xi1>, vector<16xi32>
          %broadcast_in_dim3A_157 = vector.shape_cast %select_n3A_156 : vector<16xi32> to vector<16x1xi32>
          %gather3A_158 = vector.shape_cast %broadcast_in_dim3A_157 : vector<16x1xi32> to vector<16xi32>
          %gather3A_159 = tpu.dynamic_gather %get3A_106[%gather3A_158] in [0] : vector<16xi32>, vector<16xi32> -> vector<16xi32>
          %gather3A_160 = tpu.vector_load_idx %arg6[%gather3A_159, %add3A_74] : memref<1024x65xf32, #tpu.memory_space<vmem>>[vector<16xi32>, vector<16xi32>], vector<16xf32>,
          %gather3A_161 = tpu.vector_load_idx %arg6[%gather3A_159, %add3A_77] : memref<1024x65xf32, #tpu.memory_space<vmem>>[vector<16xi32>, vector<16xi32>], vector<16xf32>,
          %gather3A_162 = tpu.vector_load_idx %arg6[%gather3A_159, %add3A_80] : memref<1024x65xf32, #tpu.memory_space<vmem>>[vector<16xi32>, vector<16xi32>], vector<16xf32>,
          %gather3A_163 = tpu.vector_load_idx %arg6[%gather3A_159, %add3A_83] : memref<1024x65xf32, #tpu.memory_space<vmem>>[vector<16xi32>, vector<16xi32>], vector<16xf32>,
          %mul3A_164 = arith.constant 16 : i32
          %mul3A_165 = arith.muli %scan3A_100, %mul3A_164 : i32
          %add3A_166 = arith.constant 1 : i32
          %add3A_167 = arith.addi %mul3A_165, %add3A_166 : i32
          %swap3A_168 = arith.index_cast %add3A_167 : i32 to index
          %swap3A_169 = arith.constant 0 : index
          %swap3A_170 = tpu.vector_load %arg8[%swap3A_168, %swap3A_169] {strides = array<i32>} : memref<256x65xf32, #tpu.memory_space<vmem>>, vector<16xf32>,
          tpu.vector_store %arg8[%swap3A_168, %swap3A_169], %gather3A_160 {strides = array<i32>} : memref<256x65xf32, #tpu.memory_space<vmem>>, vector<16xf32>,
          %mul3A_171 = arith.constant 16 : i32
          %mul3A_172 = arith.muli %scan3A_100, %mul3A_171 : i32
          %add3A_173 = arith.constant 1 : i32
          %add3A_174 = arith.addi %mul3A_172, %add3A_173 : i32
          %swap3A_175 = arith.index_cast %add3A_174 : i32 to index
          %swap3A_176 = arith.constant 16 : index
          %swap3A_177 = tpu.vector_load %arg8[%swap3A_175, %swap3A_176] {strides = array<i32>} : memref<256x65xf32, #tpu.memory_space<vmem>>, vector<16xf32>,
          tpu.vector_store %arg8[%swap3A_175, %swap3A_176], %gather3A_161 {strides = array<i32>} : memref<256x65xf32, #tpu.memory_space<vmem>>, vector<16xf32>,
          %mul3A_178 = arith.constant 16 : i32
          %mul3A_179 = arith.muli %scan3A_100, %mul3A_178 : i32
          %add3A_180 = arith.constant 1 : i32
          %add3A_181 = arith.addi %mul3A_179, %add3A_180 : i32
          %swap3A_182 = arith.index_cast %add3A_181 : i32 to index
          %swap3A_183 = arith.constant 32 : index
          %swap3A_184 = tpu.vector_load %arg8[%swap3A_182, %swap3A_183] {strides = array<i32>} : memref<256x65xf32, #tpu.memory_space<vmem>>, vector<16xf32>,
          tpu.vector_store %arg8[%swap3A_182, %swap3A_183], %gather3A_162 {strides = array<i32>} : memref<256x65xf32, #tpu.memory_space<vmem>>, vector<16xf32>,
          %mul3A_185 = arith.constant 16 : i32
          %mul3A_186 = arith.muli %scan3A_100, %mul3A_185 : i32
          %add3A_187 = arith.constant 1 : i32
          %add3A_188 = arith.addi %mul3A_186, %add3A_187 : i32
          %swap3A_189 = arith.index_cast %add3A_188 : i32 to index
          %swap3A_190 = arith.constant 48 : index
          %swap3A_191 = tpu.vector_load %arg8[%swap3A_189, %swap3A_190] {strides = array<i32>} : memref<256x65xf32, #tpu.memory_space<vmem>>, vector<16xf32>,
          tpu.vector_store %arg8[%swap3A_189, %swap3A_190], %gather3A_163 {strides = array<i32>} : memref<256x65xf32, #tpu.memory_space<vmem>>, vector<16xf32>,
          %broadcast_in_dim3A_192 = arith.constant 2 : i32
          %broadcast_in_dim3A_193 = vector.broadcast %broadcast_in_dim3A_192 : i32 to vector<16xi32>
          %lt3A_194 = arith.constant 0 : i32
          %lt3A_195 = vector.broadcast %lt3A_194 : i32 to vector<16xi32>
          %lt3A_196 = arith.cmpi slt, %broadcast_in_dim3A_193, %lt3A_195 : vector<16xi32>
          %add3A_197 = arith.constant 16 : i32
          %add3A_198 = vector.broadcast %add3A_197 : i32 to vector<16xi32>
          %add3A_199 = arith.addi %broadcast_in_dim3A_193, %add3A_198 : vector<16xi32>
          %select_n3A_200 = arith.select %lt3A_196, %add3A_199, %broadcast_in_dim3A_193 : vector<16xi1>, vector<16xi32>
          %broadcast_in_dim3A_201 = vector.shape_cast %select_n3A_200 : vector<16xi32> to vector<16x1xi32>
          %gather3A_202 = vector.shape_cast %broadcast_in_dim3A_201 : vector<16x1xi32> to vector<16xi32>
          %gather3A_203 = tpu.dynamic_gather %get3A_106[%gather3A_202] in [0] : vector<16xi32>, vector<16xi32> -> vector<16xi32>
          %gather3A_204 = tpu.vector_load_idx %arg6[%gather3A_203, %add3A_74] : memref<1024x65xf32, #tpu.memory_space<vmem>>[vector<16xi32>, vector<16xi32>], vector<16xf32>,
          %gather3A_205 = tpu.vector_load_idx %arg6[%gather3A_203, %add3A_77] : memref<1024x65xf32, #tpu.memory_space<vmem>>[vector<16xi32>, vector<16xi32>], vector<16xf32>,
          %gather3A_206 = tpu.vector_load_idx %arg6[%gather3A_203, %add3A_80] : memref<1024x65xf32, #tpu.memory_space<vmem>>[vector<16xi32>, vector<16xi32>], vector<16xf32>,
          %gather3A_207 = tpu.vector_load_idx %arg6[%gather3A_203, %add3A_83] : memref<1024x65xf32, #tpu.memory_space<vmem>>[vector<16xi32>, vector<16xi32>], vector<16xf32>,
          %mul3A_208 = arith.constant 16 : i32
          %mul3A_209 = arith.muli %scan3A_100, %mul3A_208 : i32
          %add3A_210 = arith.constant 2 : i32
          %add3A_211 = arith.addi %mul3A_209, %add3A_210 : i32
          %swap3A_212 = arith.index_cast %add3A_211 : i32 to index
          %swap3A_213 = arith.constant 0 : index
          %swap3A_214 = tpu.vector_load %arg8[%swap3A_212, %swap3A_213] {strides = array<i32>} : memref<256x65xf32, #tpu.memory_space<vmem>>, vector<16xf32>,
          tpu.vector_store %arg8[%swap3A_212, %swap3A_213], %gather3A_204 {strides = array<i32>} : memref<256x65xf32, #tpu.memory_space<vmem>>, vector<16xf32>,
          %mul3A_215 = arith.constant 16 : i32
          %mul3A_216 = arith.muli %scan3A_100, %mul3A_215 : i32
          %add3A_217 = arith.constant 2 : i32
          %add3A_218 = arith.addi %mul3A_216, %add3A_217 : i32
          %swap3A_219 = arith.index_cast %add3A_218 : i32 to index
          %swap3A_220 = arith.constant 16 : index
          %swap3A_221 = tpu.vector_load %arg8[%swap3A_219, %swap3A_220] {strides = array<i32>} : memref<256x65xf32, #tpu.memory_space<vmem>>, vector<16xf32>,
          tpu.vector_store %arg8[%swap3A_219, %swap3A_220], %gather3A_205 {strides = array<i32>} : memref<256x65xf32, #tpu.memory_space<vmem>>, vector<16xf32>,
          %mul3A_222 = arith.constant 16 : i32
          %mul3A_223 = arith.muli %scan3A_100, %mul3A_222 : i32
          %add3A_224 = arith.constant 2 : i32
          %add3A_225 = arith.addi %mul3A_223, %add3A_224 : i32
          %swap3A_226 = arith.index_cast %add3A_225 : i32 to index
          %swap3A_227 = arith.constant 32 : index
          %swap3A_228 = tpu.vector_load %arg8[%swap3A_226, %swap3A_227] {strides = array<i32>} : memref<256x65xf32, #tpu.memory_space<vmem>>, vector<16xf32>,
          tpu.vector_store %arg8[%swap3A_226, %swap3A_227], %gather3A_206 {strides = array<i32>} : memref<256x65xf32, #tpu.memory_space<vmem>>, vector<16xf32>,
          %mul3A_229 = arith.constant 16 : i32
          %mul3A_230 = arith.muli %scan3A_100, %mul3A_229 : i32
          %add3A_231 = arith.constant 2 : i32
          %add3A_232 = arith.addi %mul3A_230, %add3A_231 : i32
          %swap3A_233 = arith.index_cast %add3A_232 : i32 to index
          %swap3A_234 = arith.constant 48 : index
          %swap3A_235 = tpu.vector_load %arg8[%swap3A_233, %swap3A_234] {strides = array<i32>} : memref<256x65xf32, #tpu.memory_space<vmem>>, vector<16xf32>,
          tpu.vector_store %arg8[%swap3A_233, %swap3A_234], %gather3A_207 {strides = array<i32>} : memref<256x65xf32, #tpu.memory_space<vmem>>, vector<16xf32>,
          %broadcast_in_dim3A_236 = arith.constant 3 : i32
          %broadcast_in_dim3A_237 = vector.broadcast %broadcast_in_dim3A_236 : i32 to vector<16xi32>
          %lt3A_238 = arith.constant 0 : i32
          %lt3A_239 = vector.broadcast %lt3A_238 : i32 to vector<16xi32>
          %lt3A_240 = arith.cmpi slt, %broadcast_in_dim3A_237, %lt3A_239 : vector<16xi32>
          %add3A_241 = arith.constant 16 : i32
          %add3A_242 = vector.broadcast %add3A_241 : i32 to vector<16xi32>
          %add3A_243 = arith.addi %broadcast_in_dim3A_237, %add3A_242 : vector<16xi32>
          %select_n3A_244 = arith.select %lt3A_240, %add3A_243, %broadcast_in_dim3A_237 : vector<16xi1>, vector<16xi32>
          %broadcast_in_dim3A_245 = vector.shape_cast %select_n3A_244 : vector<16xi32> to vector<16x1xi32>
          %gather3A_246 = vector.shape_cast %broadcast_in_dim3A_245 : vector<16x1xi32> to vector<16xi32>
          %gather3A_247 = tpu.dynamic_gather %get3A_106[%gather3A_246] in [0] : vector<16xi32>, vector<16xi32> -> vector<16xi32>
          %gather3A_248 = tpu.vector_load_idx %arg6[%gather3A_247, %add3A_74] : memref<1024x65xf32, #tpu.memory_space<vmem>>[vector<16xi32>, vector<16xi32>], vector<16xf32>,
          %gather3A_249 = tpu.vector_load_idx %arg6[%gather3A_247, %add3A_77] : memref<1024x65xf32, #tpu.memory_space<vmem>>[vector<16xi32>, vector<16xi32>], vector<16xf32>,
          %gather3A_250 = tpu.vector_load_idx %arg6[%gather3A_247, %add3A_80] : memref<1024x65xf32, #tpu.memory_space<vmem>>[vector<16xi32>, vector<16xi32>], vector<16xf32>,
          %gather3A_251 = tpu.vector_load_idx %arg6[%gather3A_247, %add3A_83] : memref<1024x65xf32, #tpu.memory_space<vmem>>[vector<16xi32>, vector<16xi32>], vector<16xf32>,
          %mul3A_252 = arith.constant 16 : i32
          %mul3A_253 = arith.muli %scan3A_100, %mul3A_252 : i32
          %add3A_254 = arith.constant 3 : i32
          %add3A_255 = arith.addi %mul3A_253, %add3A_254 : i32
          %swap3A_256 = arith.index_cast %add3A_255 : i32 to index
          %swap3A_257 = arith.constant 0 : index
          %swap3A_258 = tpu.vector_load %arg8[%swap3A_256, %swap3A_257] {strides = array<i32>} : memref<256x65xf32, #tpu.memory_space<vmem>>, vector<16xf32>,
          tpu.vector_store %arg8[%swap3A_256, %swap3A_257], %gather3A_248 {strides = array<i32>} : memref<256x65xf32, #tpu.memory_space<vmem>>, vector<16xf32>,
          %mul3A_259 = arith.constant 16 : i32
          %mul3A_260 = arith.muli %scan3A_100, %mul3A_259 : i32
          %add3A_261 = arith.constant 3 : i32
          %add3A_262 = arith.addi %mul3A_260, %add3A_261 : i32
          %swap3A_263 = arith.index_cast %add3A_262 : i32 to index
          %swap3A_264 = arith.constant 16 : index
          %swap3A_265 = tpu.vector_load %arg8[%swap3A_263, %swap3A_264] {strides = array<i32>} : memref<256x65xf32, #tpu.memory_space<vmem>>, vector<16xf32>,
          tpu.vector_store %arg8[%swap3A_263, %swap3A_264], %gather3A_249 {strides = array<i32>} : memref<256x65xf32, #tpu.memory_space<vmem>>, vector<16xf32>,
          %mul3A_266 = arith.constant 16 : i32
          %mul3A_267 = arith.muli %scan3A_100, %mul3A_266 : i32
          %add3A_268 = arith.constant 3 : i32
          %add3A_269 = arith.addi %mul3A_267, %add3A_268 : i32
          %swap3A_270 = arith.index_cast %add3A_269 : i32 to index
          %swap3A_271 = arith.constant 32 : index
          %swap3A_272 = tpu.vector_load %arg8[%swap3A_270, %swap3A_271] {strides = array<i32>} : memref<256x65xf32, #tpu.memory_space<vmem>>, vector<16xf32>,
          tpu.vector_store %arg8[%swap3A_270, %swap3A_271], %gather3A_250 {strides = array<i32>} : memref<256x65xf32, #tpu.memory_space<vmem>>, vector<16xf32>,
          %mul3A_273 = arith.constant 16 : i32
          %mul3A_274 = arith.muli %scan3A_100, %mul3A_273 : i32
          %add3A_275 = arith.constant 3 : i32
          %add3A_276 = arith.addi %mul3A_274, %add3A_275 : i32
          %swap3A_277 = arith.index_cast %add3A_276 : i32 to index
          %swap3A_278 = arith.constant 48 : index
          %swap3A_279 = tpu.vector_load %arg8[%swap3A_277, %swap3A_278] {strides = array<i32>} : memref<256x65xf32, #tpu.memory_space<vmem>>, vector<16xf32>,
          tpu.vector_store %arg8[%swap3A_277, %swap3A_278], %gather3A_251 {strides = array<i32>} : memref<256x65xf32, #tpu.memory_space<vmem>>, vector<16xf32>,
          %broadcast_in_dim3A_280 = arith.constant 4 : i32
          %broadcast_in_dim3A_281 = vector.broadcast %broadcast_in_dim3A_280 : i32 to vector<16xi32>
          %lt3A_282 = arith.constant 0 : i32
          %lt3A_283 = vector.broadcast %lt3A_282 : i32 to vector<16xi32>
          %lt3A_284 = arith.cmpi slt, %broadcast_in_dim3A_281, %lt3A_283 : vector<16xi32>
          %add3A_285 = arith.constant 16 : i32
          %add3A_286 = vector.broadcast %add3A_285 : i32 to vector<16xi32>
          %add3A_287 = arith.addi %broadcast_in_dim3A_281, %add3A_286 : vector<16xi32>
          %select_n3A_288 = arith.select %lt3A_284, %add3A_287, %broadcast_in_dim3A_281 : vector<16xi1>, vector<16xi32>
          %broadcast_in_dim3A_289 = vector.shape_cast %select_n3A_288 : vector<16xi32> to vector<16x1xi32>
          %gather3A_290 = vector.shape_cast %broadcast_in_dim3A_289 : vector<16x1xi32> to vector<16xi32>
          %gather3A_291 = tpu.dynamic_gather %get3A_106[%gather3A_290] in [0] : vector<16xi32>, vector<16xi32> -> vector<16xi32>
          %gather3A_292 = tpu.vector_load_idx %arg6[%gather3A_291, %add3A_74] : memref<1024x65xf32, #tpu.memory_space<vmem>>[vector<16xi32>, vector<16xi32>], vector<16xf32>,
          %gather3A_293 = tpu.vector_load_idx %arg6[%gather3A_291, %add3A_77] : memref<1024x65xf32, #tpu.memory_space<vmem>>[vector<16xi32>, vector<16xi32>], vector<16xf32>,
          %gather3A_294 = tpu.vector_load_idx %arg6[%gather3A_291, %add3A_80] : memref<1024x65xf32, #tpu.memory_space<vmem>>[vector<16xi32>, vector<16xi32>], vector<16xf32>,
          %gather3A_295 = tpu.vector_load_idx %arg6[%gather3A_291, %add3A_83] : memref<1024x65xf32, #tpu.memory_space<vmem>>[vector<16xi32>, vector<16xi32>], vector<16xf32>,
          %mul3A_296 = arith.constant 16 : i32
          %mul3A_297 = arith.muli %scan3A_100, %mul3A_296 : i32
          %add3A_298 = arith.constant 4 : i32
          %add3A_299 = arith.addi %mul3A_297, %add3A_298 : i32
          %swap3A_300 = arith.index_cast %add3A_299 : i32 to index
          %swap3A_301 = arith.constant 0 : index
          %swap3A_302 = tpu.vector_load %arg8[%swap3A_300, %swap3A_301] {strides = array<i32>} : memref<256x65xf32, #tpu.memory_space<vmem>>, vector<16xf32>,
          tpu.vector_store %arg8[%swap3A_300, %swap3A_301], %gather3A_292 {strides = array<i32>} : memref<256x65xf32, #tpu.memory_space<vmem>>, vector<16xf32>,
          %mul3A_303 = arith.constant 16 : i32
          %mul3A_304 = arith.muli %scan3A_100, %mul3A_303 : i32
          %add3A_305 = arith.constant 4 : i32
          %add3A_306 = arith.addi %mul3A_304, %add3A_305 : i32
          %swap3A_307 = arith.index_cast %add3A_306 : i32 to index
          %swap3A_308 = arith.constant 16 : index
          %swap3A_309 = tpu.vector_load %arg8[%swap3A_307, %swap3A_308] {strides = array<i32>} : memref<256x65xf32, #tpu.memory_space<vmem>>, vector<16xf32>,
          tpu.vector_store %arg8[%swap3A_307, %swap3A_308], %gather3A_293 {strides = array<i32>} : memref<256x65xf32, #tpu.memory_space<vmem>>, vector<16xf32>,
          %mul3A_310 = arith.constant 16 : i32
          %mul3A_311 = arith.muli %scan3A_100, %mul3A_310 : i32
          %add3A_312 = arith.constant 4 : i32
          %add3A_313 = arith.addi %mul3A_311, %add3A_312 : i32
          %swap3A_314 = arith.index_cast %add3A_313 : i32 to index
          %swap3A_315 = arith.constant 32 : index
          %swap3A_316 = tpu.vector_load %arg8[%swap3A_314, %swap3A_315] {strides = array<i32>} : memref<256x65xf32, #tpu.memory_space<vmem>>, vector<16xf32>,
          tpu.vector_store %arg8[%swap3A_314, %swap3A_315], %gather3A_294 {strides = array<i32>} : memref<256x65xf32, #tpu.memory_space<vmem>>, vector<16xf32>,
          %mul3A_317 = arith.constant 16 : i32
          %mul3A_318 = arith.muli %scan3A_100, %mul3A_317 : i32
          %add3A_319 = arith.constant 4 : i32
          %add3A_320 = arith.addi %mul3A_318, %add3A_319 : i32
          %swap3A_321 = arith.index_cast %add3A_320 : i32 to index
          %swap3A_322 = arith.constant 48 : index
          %swap3A_323 = tpu.vector_load %arg8[%swap3A_321, %swap3A_322] {strides = array<i32>} : memref<256x65xf32, #tpu.memory_space<vmem>>, vector<16xf32>,
          tpu.vector_store %arg8[%swap3A_321, %swap3A_322], %gather3A_295 {strides = array<i32>} : memref<256x65xf32, #tpu.memory_space<vmem>>, vector<16xf32>,
          %broadcast_in_dim3A_324 = arith.constant 5 : i32
          %broadcast_in_dim3A_325 = vector.broadcast %broadcast_in_dim3A_324 : i32 to vector<16xi32>
          %lt3A_326 = arith.constant 0 : i32
          %lt3A_327 = vector.broadcast %lt3A_326 : i32 to vector<16xi32>
          %lt3A_328 = arith.cmpi slt, %broadcast_in_dim3A_325, %lt3A_327 : vector<16xi32>
          %add3A_329 = arith.constant 16 : i32
          %add3A_330 = vector.broadcast %add3A_329 : i32 to vector<16xi32>
          %add3A_331 = arith.addi %broadcast_in_dim3A_325, %add3A_330 : vector<16xi32>
          %select_n3A_332 = arith.select %lt3A_328, %add3A_331, %broadcast_in_dim3A_325 : vector<16xi1>, vector<16xi32>
          %broadcast_in_dim3A_333 = vector.shape_cast %select_n3A_332 : vector<16xi32> to vector<16x1xi32>
          %gather3A_334 = vector.shape_cast %broadcast_in_dim3A_333 : vector<16x1xi32> to vector<16xi32>
          %gather3A_335 = tpu.dynamic_gather %get3A_106[%gather3A_334] in [0] : vector<16xi32>, vector<16xi32> -> vector<16xi32>
          %gather3A_336 = tpu.vector_load_idx %arg6[%gather3A_335, %add3A_74] : memref<1024x65xf32, #tpu.memory_space<vmem>>[vector<16xi32>, vector<16xi32>], vector<16xf32>,
          %gather3A_337 = tpu.vector_load_idx %arg6[%gather3A_335, %add3A_77] : memref<1024x65xf32, #tpu.memory_space<vmem>>[vector<16xi32>, vector<16xi32>], vector<16xf32>,
          %gather3A_338 = tpu.vector_load_idx %arg6[%gather3A_335, %add3A_80] : memref<1024x65xf32, #tpu.memory_space<vmem>>[vector<16xi32>, vector<16xi32>], vector<16xf32>,
          %gather3A_339 = tpu.vector_load_idx %arg6[%gather3A_335, %add3A_83] : memref<1024x65xf32, #tpu.memory_space<vmem>>[vector<16xi32>, vector<16xi32>], vector<16xf32>,
          %mul3A_340 = arith.constant 16 : i32
          %mul3A_341 = arith.muli %scan3A_100, %mul3A_340 : i32
          %add3A_342 = arith.constant 5 : i32
          %add3A_343 = arith.addi %mul3A_341, %add3A_342 : i32
          %swap3A_344 = arith.index_cast %add3A_343 : i32 to index
          %swap3A_345 = arith.constant 0 : index
          %swap3A_346 = tpu.vector_load %arg8[%swap3A_344, %swap3A_345] {strides = array<i32>} : memref<256x65xf32, #tpu.memory_space<vmem>>, vector<16xf32>,
          tpu.vector_store %arg8[%swap3A_344, %swap3A_345], %gather3A_336 {strides = array<i32>} : memref<256x65xf32, #tpu.memory_space<vmem>>, vector<16xf32>,
          %mul3A_347 = arith.constant 16 : i32
          %mul3A_348 = arith.muli %scan3A_100, %mul3A_347 : i32
          %add3A_349 = arith.constant 5 : i32
          %add3A_350 = arith.addi %mul3A_348, %add3A_349 : i32
          %swap3A_351 = arith.index_cast %add3A_350 : i32 to index
          %swap3A_352 = arith.constant 16 : index
          %swap3A_353 = tpu.vector_load %arg8[%swap3A_351, %swap3A_352] {strides = array<i32>} : memref<256x65xf32, #tpu.memory_space<vmem>>, vector<16xf32>,
          tpu.vector_store %arg8[%swap3A_351, %swap3A_352], %gather3A_337 {strides = array<i32>} : memref<256x65xf32, #tpu.memory_space<vmem>>, vector<16xf32>,
          %mul3A_354 = arith.constant 16 : i32
          %mul3A_355 = arith.muli %scan3A_100, %mul3A_354 : i32
          %add3A_356 = arith.constant 5 : i32
          %add3A_357 = arith.addi %mul3A_355, %add3A_356 : i32
          %swap3A_358 = arith.index_cast %add3A_357 : i32 to index
          %swap3A_359 = arith.constant 32 : index
          %swap3A_360 = tpu.vector_load %arg8[%swap3A_358, %swap3A_359] {strides = array<i32>} : memref<256x65xf32, #tpu.memory_space<vmem>>, vector<16xf32>,
          tpu.vector_store %arg8[%swap3A_358, %swap3A_359], %gather3A_338 {strides = array<i32>} : memref<256x65xf32, #tpu.memory_space<vmem>>, vector<16xf32>,
          %mul3A_361 = arith.constant 16 : i32
          %mul3A_362 = arith.muli %scan3A_100, %mul3A_361 : i32
          %add3A_363 = arith.constant 5 : i32
          %add3A_364 = arith.addi %mul3A_362, %add3A_363 : i32
          %swap3A_365 = arith.index_cast %add3A_364 : i32 to index
          %swap3A_366 = arith.constant 48 : index
          %swap3A_367 = tpu.vector_load %arg8[%swap3A_365, %swap3A_366] {strides = array<i32>} : memref<256x65xf32, #tpu.memory_space<vmem>>, vector<16xf32>,
          tpu.vector_store %arg8[%swap3A_365, %swap3A_366], %gather3A_339 {strides = array<i32>} : memref<256x65xf32, #tpu.memory_space<vmem>>, vector<16xf32>,
          %broadcast_in_dim3A_368 = arith.constant 6 : i32
          %broadcast_in_dim3A_369 = vector.broadcast %broadcast_in_dim3A_368 : i32 to vector<16xi32>
          %lt3A_370 = arith.constant 0 : i32
          %lt3A_371 = vector.broadcast %lt3A_370 : i32 to vector<16xi32>
          %lt3A_372 = arith.cmpi slt, %broadcast_in_dim3A_369, %lt3A_371 : vector<16xi32>
          %add3A_373 = arith.constant 16 : i32
          %add3A_374 = vector.broadcast %add3A_373 : i32 to vector<16xi32>
          %add3A_375 = arith.addi %broadcast_in_dim3A_369, %add3A_374 : vector<16xi32>
          %select_n3A_376 = arith.select %lt3A_372, %add3A_375, %broadcast_in_dim3A_369 : vector<16xi1>, vector<16xi32>
          %broadcast_in_dim3A_377 = vector.shape_cast %select_n3A_376 : vector<16xi32> to vector<16x1xi32>
          %gather3A_378 = vector.shape_cast %broadcast_in_dim3A_377 : vector<16x1xi32> to vector<16xi32>
          %gather3A_379 = tpu.dynamic_gather %get3A_106[%gather3A_378] in [0] : vector<16xi32>, vector<16xi32> -> vector<16xi32>
          %gather3A_380 = tpu.vector_load_idx %arg6[%gather3A_379, %add3A_74] : memref<1024x65xf32, #tpu.memory_space<vmem>>[vector<16xi32>, vector<16xi32>], vector<16xf32>,
          %gather3A_381 = tpu.vector_load_idx %arg6[%gather3A_379, %add3A_77] : memref<1024x65xf32, #tpu.memory_space<vmem>>[vector<16xi32>, vector<16xi32>], vector<16xf32>,
          %gather3A_382 = tpu.vector_load_idx %arg6[%gather3A_379, %add3A_80] : memref<1024x65xf32, #tpu.memory_space<vmem>>[vector<16xi32>, vector<16xi32>], vector<16xf32>,
          %gather3A_383 = tpu.vector_load_idx %arg6[%gather3A_379, %add3A_83] : memref<1024x65xf32, #tpu.memory_space<vmem>>[vector<16xi32>, vector<16xi32>], vector<16xf32>,
          %mul3A_384 = arith.constant 16 : i32
          %mul3A_385 = arith.muli %scan3A_100, %mul3A_384 : i32
          %add3A_386 = arith.constant 6 : i32
          %add3A_387 = arith.addi %mul3A_385, %add3A_386 : i32
          %swap3A_388 = arith.index_cast %add3A_387 : i32 to index
          %swap3A_389 = arith.constant 0 : index
          %swap3A_390 = tpu.vector_load %arg8[%swap3A_388, %swap3A_389] {strides = array<i32>} : memref<256x65xf32, #tpu.memory_space<vmem>>, vector<16xf32>,
          tpu.vector_store %arg8[%swap3A_388, %swap3A_389], %gather3A_380 {strides = array<i32>} : memref<256x65xf32, #tpu.memory_space<vmem>>, vector<16xf32>,
          %mul3A_391 = arith.constant 16 : i32
          %mul3A_392 = arith.muli %scan3A_100, %mul3A_391 : i32
          %add3A_393 = arith.constant 6 : i32
          %add3A_394 = arith.addi %mul3A_392, %add3A_393 : i32
          %swap3A_395 = arith.index_cast %add3A_394 : i32 to index
          %swap3A_396 = arith.constant 16 : index
          %swap3A_397 = tpu.vector_load %arg8[%swap3A_395, %swap3A_396] {strides = array<i32>} : memref<256x65xf32, #tpu.memory_space<vmem>>, vector<16xf32>,
          tpu.vector_store %arg8[%swap3A_395, %swap3A_396], %gather3A_381 {strides = array<i32>} : memref<256x65xf32, #tpu.memory_space<vmem>>, vector<16xf32>,
          %mul3A_398 = arith.constant 16 : i32
          %mul3A_399 = arith.muli %scan3A_100, %mul3A_398 : i32
          %add3A_400 = arith.constant 6 : i32
          %add3A_401 = arith.addi %mul3A_399, %add3A_400 : i32
          %swap3A_402 = arith.index_cast %add3A_401 : i32 to index
          %swap3A_403 = arith.constant 32 : index
          %swap3A_404 = tpu.vector_load %arg8[%swap3A_402, %swap3A_403] {strides = array<i32>} : memref<256x65xf32, #tpu.memory_space<vmem>>, vector<16xf32>,
          tpu.vector_store %arg8[%swap3A_402, %swap3A_403], %gather3A_382 {strides = array<i32>} : memref<256x65xf32, #tpu.memory_space<vmem>>, vector<16xf32>,
          %mul3A_405 = arith.constant 16 : i32
          %mul3A_406 = arith.muli %scan3A_100, %mul3A_405 : i32
          %add3A_407 = arith.constant 6 : i32
          %add3A_408 = arith.addi %mul3A_406, %add3A_407 : i32
          %swap3A_409 = arith.index_cast %add3A_408 : i32 to index
          %swap3A_410 = arith.constant 48 : index
          %swap3A_411 = tpu.vector_load %arg8[%swap3A_409, %swap3A_410] {strides = array<i32>} : memref<256x65xf32, #tpu.memory_space<vmem>>, vector<16xf32>,
          tpu.vector_store %arg8[%swap3A_409, %swap3A_410], %gather3A_383 {strides = array<i32>} : memref<256x65xf32, #tpu.memory_space<vmem>>, vector<16xf32>,
          %broadcast_in_dim3A_412 = arith.constant 7 : i32
          %broadcast_in_dim3A_413 = vector.broadcast %broadcast_in_dim3A_412 : i32 to vector<16xi32>
          %lt3A_414 = arith.constant 0 : i32
          %lt3A_415 = vector.broadcast %lt3A_414 : i32 to vector<16xi32>
          %lt3A_416 = arith.cmpi slt, %broadcast_in_dim3A_413, %lt3A_415 : vector<16xi32>
          %add3A_417 = arith.constant 16 : i32
          %add3A_418 = vector.broadcast %add3A_417 : i32 to vector<16xi32>
          %add3A_419 = arith.addi %broadcast_in_dim3A_413, %add3A_418 : vector<16xi32>
          %select_n3A_420 = arith.select %lt3A_416, %add3A_419, %broadcast_in_dim3A_413 : vector<16xi1>, vector<16xi32>
          %broadcast_in_dim3A_421 = vector.shape_cast %select_n3A_420 : vector<16xi32> to vector<16x1xi32>
          %gather3A_422 = vector.shape_cast %broadcast_in_dim3A_421 : vector<16x1xi32> to vector<16xi32>
          %gather3A_423 = tpu.dynamic_gather %get3A_106[%gather3A_422] in [0] : vector<16xi32>, vector<16xi32> -> vector<16xi32>
          %gather3A_424 = tpu.vector_load_idx %arg6[%gather3A_423, %add3A_74] : memref<1024x65xf32, #tpu.memory_space<vmem>>[vector<16xi32>, vector<16xi32>], vector<16xf32>,
          %gather3A_425 = tpu.vector_load_idx %arg6[%gather3A_423, %add3A_77] : memref<1024x65xf32, #tpu.memory_space<vmem>>[vector<16xi32>, vector<16xi32>], vector<16xf32>,
          %gather3A_426 = tpu.vector_load_idx %arg6[%gather3A_423, %add3A_80] : memref<1024x65xf32, #tpu.memory_space<vmem>>[vector<16xi32>, vector<16xi32>], vector<16xf32>,
          %gather3A_427 = tpu.vector_load_idx %arg6[%gather3A_423, %add3A_83] : memref<1024x65xf32, #tpu.memory_space<vmem>>[vector<16xi32>, vector<16xi32>], vector<16xf32>,
          %mul3A_428 = arith.constant 16 : i32
          %mul3A_429 = arith.muli %scan3A_100, %mul3A_428 : i32
          %add3A_430 = arith.constant 7 : i32
          %add3A_431 = arith.addi %mul3A_429, %add3A_430 : i32
          %swap3A_432 = arith.index_cast %add3A_431 : i32 to index
          %swap3A_433 = arith.constant 0 : index
          %swap3A_434 = tpu.vector_load %arg8[%swap3A_432, %swap3A_433] {strides = array<i32>} : memref<256x65xf32, #tpu.memory_space<vmem>>, vector<16xf32>,
          tpu.vector_store %arg8[%swap3A_432, %swap3A_433], %gather3A_424 {strides = array<i32>} : memref<256x65xf32, #tpu.memory_space<vmem>>, vector<16xf32>,
          %mul3A_435 = arith.constant 16 : i32
          %mul3A_436 = arith.muli %scan3A_100, %mul3A_435 : i32
          %add3A_437 = arith.constant 7 : i32
          %add3A_438 = arith.addi %mul3A_436, %add3A_437 : i32
          %swap3A_439 = arith.index_cast %add3A_438 : i32 to index
          %swap3A_440 = arith.constant 16 : index
          %swap3A_441 = tpu.vector_load %arg8[%swap3A_439, %swap3A_440] {strides = array<i32>} : memref<256x65xf32, #tpu.memory_space<vmem>>, vector<16xf32>,
          tpu.vector_store %arg8[%swap3A_439, %swap3A_440], %gather3A_425 {strides = array<i32>} : memref<256x65xf32, #tpu.memory_space<vmem>>, vector<16xf32>,
          %mul3A_442 = arith.constant 16 : i32
          %mul3A_443 = arith.muli %scan3A_100, %mul3A_442 : i32
          %add3A_444 = arith.constant 7 : i32
          %add3A_445 = arith.addi %mul3A_443, %add3A_444 : i32
          %swap3A_446 = arith.index_cast %add3A_445 : i32 to index
          %swap3A_447 = arith.constant 32 : index
          %swap3A_448 = tpu.vector_load %arg8[%swap3A_446, %swap3A_447] {strides = array<i32>} : memref<256x65xf32, #tpu.memory_space<vmem>>, vector<16xf32>,
          tpu.vector_store %arg8[%swap3A_446, %swap3A_447], %gather3A_426 {strides = array<i32>} : memref<256x65xf32, #tpu.memory_space<vmem>>, vector<16xf32>,
          %mul3A_449 = arith.constant 16 : i32
          %mul3A_450 = arith.muli %scan3A_100, %mul3A_449 : i32
          %add3A_451 = arith.constant 7 : i32
          %add3A_452 = arith.addi %mul3A_450, %add3A_451 : i32
          %swap3A_453 = arith.index_cast %add3A_452 : i32 to index
          %swap3A_454 = arith.constant 48 : index
          %swap3A_455 = tpu.vector_load %arg8[%swap3A_453, %swap3A_454] {strides = array<i32>} : memref<256x65xf32, #tpu.memory_space<vmem>>, vector<16xf32>,
          tpu.vector_store %arg8[%swap3A_453, %swap3A_454], %gather3A_427 {strides = array<i32>} : memref<256x65xf32, #tpu.memory_space<vmem>>, vector<16xf32>,
          %broadcast_in_dim3A_456 = arith.constant 8 : i32
          %broadcast_in_dim3A_457 = vector.broadcast %broadcast_in_dim3A_456 : i32 to vector<16xi32>
          %lt3A_458 = arith.constant 0 : i32
          %lt3A_459 = vector.broadcast %lt3A_458 : i32 to vector<16xi32>
          %lt3A_460 = arith.cmpi slt, %broadcast_in_dim3A_457, %lt3A_459 : vector<16xi32>
          %add3A_461 = arith.constant 16 : i32
          %add3A_462 = vector.broadcast %add3A_461 : i32 to vector<16xi32>
          %add3A_463 = arith.addi %broadcast_in_dim3A_457, %add3A_462 : vector<16xi32>
          %select_n3A_464 = arith.select %lt3A_460, %add3A_463, %broadcast_in_dim3A_457 : vector<16xi1>, vector<16xi32>
          %broadcast_in_dim3A_465 = vector.shape_cast %select_n3A_464 : vector<16xi32> to vector<16x1xi32>
          %gather3A_466 = vector.shape_cast %broadcast_in_dim3A_465 : vector<16x1xi32> to vector<16xi32>
          %gather3A_467 = tpu.dynamic_gather %get3A_106[%gather3A_466] in [0] : vector<16xi32>, vector<16xi32> -> vector<16xi32>
          %gather3A_468 = tpu.vector_load_idx %arg6[%gather3A_467, %add3A_74] : memref<1024x65xf32, #tpu.memory_space<vmem>>[vector<16xi32>, vector<16xi32>], vector<16xf32>,
          %gather3A_469 = tpu.vector_load_idx %arg6[%gather3A_467, %add3A_77] : memref<1024x65xf32, #tpu.memory_space<vmem>>[vector<16xi32>, vector<16xi32>], vector<16xf32>,
          %gather3A_470 = tpu.vector_load_idx %arg6[%gather3A_467, %add3A_80] : memref<1024x65xf32, #tpu.memory_space<vmem>>[vector<16xi32>, vector<16xi32>], vector<16xf32>,
          %gather3A_471 = tpu.vector_load_idx %arg6[%gather3A_467, %add3A_83] : memref<1024x65xf32, #tpu.memory_space<vmem>>[vector<16xi32>, vector<16xi32>], vector<16xf32>,
          %mul3A_472 = arith.constant 16 : i32
          %mul3A_473 = arith.muli %scan3A_100, %mul3A_472 : i32
          %add3A_474 = arith.constant 8 : i32
          %add3A_475 = arith.addi %mul3A_473, %add3A_474 : i32
          %swap3A_476 = arith.index_cast %add3A_475 : i32 to index
          %swap3A_477 = arith.constant 0 : index
          %swap3A_478 = tpu.vector_load %arg8[%swap3A_476, %swap3A_477] {strides = array<i32>} : memref<256x65xf32, #tpu.memory_space<vmem>>, vector<16xf32>,
          tpu.vector_store %arg8[%swap3A_476, %swap3A_477], %gather3A_468 {strides = array<i32>} : memref<256x65xf32, #tpu.memory_space<vmem>>, vector<16xf32>,
          %mul3A_479 = arith.constant 16 : i32
          %mul3A_480 = arith.muli %scan3A_100, %mul3A_479 : i32
          %add3A_481 = arith.constant 8 : i32
          %add3A_482 = arith.addi %mul3A_480, %add3A_481 : i32
          %swap3A_483 = arith.index_cast %add3A_482 : i32 to index
          %swap3A_484 = arith.constant 16 : index
          %swap3A_485 = tpu.vector_load %arg8[%swap3A_483, %swap3A_484] {strides = array<i32>} : memref<256x65xf32, #tpu.memory_space<vmem>>, vector<16xf32>,
          tpu.vector_store %arg8[%swap3A_483, %swap3A_484], %gather3A_469 {strides = array<i32>} : memref<256x65xf32, #tpu.memory_space<vmem>>, vector<16xf32>,
          %mul3A_486 = arith.constant 16 : i32
          %mul3A_487 = arith.muli %scan3A_100, %mul3A_486 : i32
          %add3A_488 = arith.constant 8 : i32
          %add3A_489 = arith.addi %mul3A_487, %add3A_488 : i32
          %swap3A_490 = arith.index_cast %add3A_489 : i32 to index
          %swap3A_491 = arith.constant 32 : index
          %swap3A_492 = tpu.vector_load %arg8[%swap3A_490, %swap3A_491] {strides = array<i32>} : memref<256x65xf32, #tpu.memory_space<vmem>>, vector<16xf32>,
          tpu.vector_store %arg8[%swap3A_490, %swap3A_491], %gather3A_470 {strides = array<i32>} : memref<256x65xf32, #tpu.memory_space<vmem>>, vector<16xf32>,
          %mul3A_493 = arith.constant 16 : i32
          %mul3A_494 = arith.muli %scan3A_100, %mul3A_493 : i32
          %add3A_495 = arith.constant 8 : i32
          %add3A_496 = arith.addi %mul3A_494, %add3A_495 : i32
          %swap3A_497 = arith.index_cast %add3A_496 : i32 to index
          %swap3A_498 = arith.constant 48 : index
          %swap3A_499 = tpu.vector_load %arg8[%swap3A_497, %swap3A_498] {strides = array<i32>} : memref<256x65xf32, #tpu.memory_space<vmem>>, vector<16xf32>,
          tpu.vector_store %arg8[%swap3A_497, %swap3A_498], %gather3A_471 {strides = array<i32>} : memref<256x65xf32, #tpu.memory_space<vmem>>, vector<16xf32>,
          %broadcast_in_dim3A_500 = arith.constant 9 : i32
          %broadcast_in_dim3A_501 = vector.broadcast %broadcast_in_dim3A_500 : i32 to vector<16xi32>
          %lt3A_502 = arith.constant 0 : i32
          %lt3A_503 = vector.broadcast %lt3A_502 : i32 to vector<16xi32>
          %lt3A_504 = arith.cmpi slt, %broadcast_in_dim3A_501, %lt3A_503 : vector<16xi32>
          %add3A_505 = arith.constant 16 : i32
          %add3A_506 = vector.broadcast %add3A_505 : i32 to vector<16xi32>
          %add3A_507 = arith.addi %broadcast_in_dim3A_501, %add3A_506 : vector<16xi32>
          %select_n3A_508 = arith.select %lt3A_504, %add3A_507, %broadcast_in_dim3A_501 : vector<16xi1>, vector<16xi32>
          %broadcast_in_dim3A_509 = vector.shape_cast %select_n3A_508 : vector<16xi32> to vector<16x1xi32>
          %gather3A_510 = vector.shape_cast %broadcast_in_dim3A_509 : vector<16x1xi32> to vector<16xi32>
          %gather3A_511 = tpu.dynamic_gather %get3A_106[%gather3A_510] in [0] : vector<16xi32>, vector<16xi32> -> vector<16xi32>
          %gather3A_512 = tpu.vector_load_idx %arg6[%gather3A_511, %add3A_74] : memref<1024x65xf32, #tpu.memory_space<vmem>>[vector<16xi32>, vector<16xi32>], vector<16xf32>,
          %gather3A_513 = tpu.vector_load_idx %arg6[%gather3A_511, %add3A_77] : memref<1024x65xf32, #tpu.memory_space<vmem>>[vector<16xi32>, vector<16xi32>], vector<16xf32>,
          %gather3A_514 = tpu.vector_load_idx %arg6[%gather3A_511, %add3A_80] : memref<1024x65xf32, #tpu.memory_space<vmem>>[vector<16xi32>, vector<16xi32>], vector<16xf32>,
          %gather3A_515 = tpu.vector_load_idx %arg6[%gather3A_511, %add3A_83] : memref<1024x65xf32, #tpu.memory_space<vmem>>[vector<16xi32>, vector<16xi32>], vector<16xf32>,
          %mul3A_516 = arith.constant 16 : i32
          %mul3A_517 = arith.muli %scan3A_100, %mul3A_516 : i32
          %add3A_518 = arith.constant 9 : i32
          %add3A_519 = arith.addi %mul3A_517, %add3A_518 : i32
          %swap3A_520 = arith.index_cast %add3A_519 : i32 to index
          %swap3A_521 = arith.constant 0 : index
          %swap3A_522 = tpu.vector_load %arg8[%swap3A_520, %swap3A_521] {strides = array<i32>} : memref<256x65xf32, #tpu.memory_space<vmem>>, vector<16xf32>,
          tpu.vector_store %arg8[%swap3A_520, %swap3A_521], %gather3A_512 {strides = array<i32>} : memref<256x65xf32, #tpu.memory_space<vmem>>, vector<16xf32>,
          %mul3A_523 = arith.constant 16 : i32
          %mul3A_524 = arith.muli %scan3A_100, %mul3A_523 : i32
          %add3A_525 = arith.constant 9 : i32
          %add3A_526 = arith.addi %mul3A_524, %add3A_525 : i32
          %swap3A_527 = arith.index_cast %add3A_526 : i32 to index
          %swap3A_528 = arith.constant 16 : index
          %swap3A_529 = tpu.vector_load %arg8[%swap3A_527, %swap3A_528] {strides = array<i32>} : memref<256x65xf32, #tpu.memory_space<vmem>>, vector<16xf32>,
          tpu.vector_store %arg8[%swap3A_527, %swap3A_528], %gather3A_513 {strides = array<i32>} : memref<256x65xf32, #tpu.memory_space<vmem>>, vector<16xf32>,
          %mul3A_530 = arith.constant 16 : i32
          %mul3A_531 = arith.muli %scan3A_100, %mul3A_530 : i32
          %add3A_532 = arith.constant 9 : i32
          %add3A_533 = arith.addi %mul3A_531, %add3A_532 : i32
          %swap3A_534 = arith.index_cast %add3A_533 : i32 to index
          %swap3A_535 = arith.constant 32 : index
          %swap3A_536 = tpu.vector_load %arg8[%swap3A_534, %swap3A_535] {strides = array<i32>} : memref<256x65xf32, #tpu.memory_space<vmem>>, vector<16xf32>,
          tpu.vector_store %arg8[%swap3A_534, %swap3A_535], %gather3A_514 {strides = array<i32>} : memref<256x65xf32, #tpu.memory_space<vmem>>, vector<16xf32>,
          %mul3A_537 = arith.constant 16 : i32
          %mul3A_538 = arith.muli %scan3A_100, %mul3A_537 : i32
          %add3A_539 = arith.constant 9 : i32
          %add3A_540 = arith.addi %mul3A_538, %add3A_539 : i32
          %swap3A_541 = arith.index_cast %add3A_540 : i32 to index
          %swap3A_542 = arith.constant 48 : index
          %swap3A_543 = tpu.vector_load %arg8[%swap3A_541, %swap3A_542] {strides = array<i32>} : memref<256x65xf32, #tpu.memory_space<vmem>>, vector<16xf32>,
          tpu.vector_store %arg8[%swap3A_541, %swap3A_542], %gather3A_515 {strides = array<i32>} : memref<256x65xf32, #tpu.memory_space<vmem>>, vector<16xf32>,
          %broadcast_in_dim3A_544 = arith.constant 10 : i32
          %broadcast_in_dim3A_545 = vector.broadcast %broadcast_in_dim3A_544 : i32 to vector<16xi32>
          %lt3A_546 = arith.constant 0 : i32
          %lt3A_547 = vector.broadcast %lt3A_546 : i32 to vector<16xi32>
          %lt3A_548 = arith.cmpi slt, %broadcast_in_dim3A_545, %lt3A_547 : vector<16xi32>
          %add3A_549 = arith.constant 16 : i32
          %add3A_550 = vector.broadcast %add3A_549 : i32 to vector<16xi32>
          %add3A_551 = arith.addi %broadcast_in_dim3A_545, %add3A_550 : vector<16xi32>
          %select_n3A_552 = arith.select %lt3A_548, %add3A_551, %broadcast_in_dim3A_545 : vector<16xi1>, vector<16xi32>
          %broadcast_in_dim3A_553 = vector.shape_cast %select_n3A_552 : vector<16xi32> to vector<16x1xi32>
          %gather3A_554 = vector.shape_cast %broadcast_in_dim3A_553 : vector<16x1xi32> to vector<16xi32>
          %gather3A_555 = tpu.dynamic_gather %get3A_106[%gather3A_554] in [0] : vector<16xi32>, vector<16xi32> -> vector<16xi32>
          %gather3A_556 = tpu.vector_load_idx %arg6[%gather3A_555, %add3A_74] : memref<1024x65xf32, #tpu.memory_space<vmem>>[vector<16xi32>, vector<16xi32>], vector<16xf32>,
          %gather3A_557 = tpu.vector_load_idx %arg6[%gather3A_555, %add3A_77] : memref<1024x65xf32, #tpu.memory_space<vmem>>[vector<16xi32>, vector<16xi32>], vector<16xf32>,
          %gather3A_558 = tpu.vector_load_idx %arg6[%gather3A_555, %add3A_80] : memref<1024x65xf32, #tpu.memory_space<vmem>>[vector<16xi32>, vector<16xi32>], vector<16xf32>,
          %gather3A_559 = tpu.vector_load_idx %arg6[%gather3A_555, %add3A_83] : memref<1024x65xf32, #tpu.memory_space<vmem>>[vector<16xi32>, vector<16xi32>], vector<16xf32>,
          %mul3A_560 = arith.constant 16 : i32
          %mul3A_561 = arith.muli %scan3A_100, %mul3A_560 : i32
          %add3A_562 = arith.constant 10 : i32
          %add3A_563 = arith.addi %mul3A_561, %add3A_562 : i32
          %swap3A_564 = arith.index_cast %add3A_563 : i32 to index
          %swap3A_565 = arith.constant 0 : index
          %swap3A_566 = tpu.vector_load %arg8[%swap3A_564, %swap3A_565] {strides = array<i32>} : memref<256x65xf32, #tpu.memory_space<vmem>>, vector<16xf32>,
          tpu.vector_store %arg8[%swap3A_564, %swap3A_565], %gather3A_556 {strides = array<i32>} : memref<256x65xf32, #tpu.memory_space<vmem>>, vector<16xf32>,
          %mul3A_567 = arith.constant 16 : i32
          %mul3A_568 = arith.muli %scan3A_100, %mul3A_567 : i32
          %add3A_569 = arith.constant 10 : i32
          %add3A_570 = arith.addi %mul3A_568, %add3A_569 : i32
          %swap3A_571 = arith.index_cast %add3A_570 : i32 to index
          %swap3A_572 = arith.constant 16 : index
          %swap3A_573 = tpu.vector_load %arg8[%swap3A_571, %swap3A_572] {strides = array<i32>} : memref<256x65xf32, #tpu.memory_space<vmem>>, vector<16xf32>,
          tpu.vector_store %arg8[%swap3A_571, %swap3A_572], %gather3A_557 {strides = array<i32>} : memref<256x65xf32, #tpu.memory_space<vmem>>, vector<16xf32>,
          %mul3A_574 = arith.constant 16 : i32
          %mul3A_575 = arith.muli %scan3A_100, %mul3A_574 : i32
          %add3A_576 = arith.constant 10 : i32
          %add3A_577 = arith.addi %mul3A_575, %add3A_576 : i32
          %swap3A_578 = arith.index_cast %add3A_577 : i32 to index
          %swap3A_579 = arith.constant 32 : index
          %swap3A_580 = tpu.vector_load %arg8[%swap3A_578, %swap3A_579] {strides = array<i32>} : memref<256x65xf32, #tpu.memory_space<vmem>>, vector<16xf32>,
          tpu.vector_store %arg8[%swap3A_578, %swap3A_579], %gather3A_558 {strides = array<i32>} : memref<256x65xf32, #tpu.memory_space<vmem>>, vector<16xf32>,
          %mul3A_581 = arith.constant 16 : i32
          %mul3A_582 = arith.muli %scan3A_100, %mul3A_581 : i32
          %add3A_583 = arith.constant 10 : i32
          %add3A_584 = arith.addi %mul3A_582, %add3A_583 : i32
          %swap3A_585 = arith.index_cast %add3A_584 : i32 to index
          %swap3A_586 = arith.constant 48 : index
          %swap3A_587 = tpu.vector_load %arg8[%swap3A_585, %swap3A_586] {strides = array<i32>} : memref<256x65xf32, #tpu.memory_space<vmem>>, vector<16xf32>,
          tpu.vector_store %arg8[%swap3A_585, %swap3A_586], %gather3A_559 {strides = array<i32>} : memref<256x65xf32, #tpu.memory_space<vmem>>, vector<16xf32>,
          %broadcast_in_dim3A_588 = arith.constant 11 : i32
          %broadcast_in_dim3A_589 = vector.broadcast %broadcast_in_dim3A_588 : i32 to vector<16xi32>
          %lt3A_590 = arith.constant 0 : i32
          %lt3A_591 = vector.broadcast %lt3A_590 : i32 to vector<16xi32>
          %lt3A_592 = arith.cmpi slt, %broadcast_in_dim3A_589, %lt3A_591 : vector<16xi32>
          %add3A_593 = arith.constant 16 : i32
          %add3A_594 = vector.broadcast %add3A_593 : i32 to vector<16xi32>
          %add3A_595 = arith.addi %broadcast_in_dim3A_589, %add3A_594 : vector<16xi32>
          %select_n3A_596 = arith.select %lt3A_592, %add3A_595, %broadcast_in_dim3A_589 : vector<16xi1>, vector<16xi32>
          %broadcast_in_dim3A_597 = vector.shape_cast %select_n3A_596 : vector<16xi32> to vector<16x1xi32>
          %gather3A_598 = vector.shape_cast %broadcast_in_dim3A_597 : vector<16x1xi32> to vector<16xi32>
          %gather3A_599 = tpu.dynamic_gather %get3A_106[%gather3A_598] in [0] : vector<16xi32>, vector<16xi32> -> vector<16xi32>
          %gather3A_600 = tpu.vector_load_idx %arg6[%gather3A_599, %add3A_74] : memref<1024x65xf32, #tpu.memory_space<vmem>>[vector<16xi32>, vector<16xi32>], vector<16xf32>,
          %gather3A_601 = tpu.vector_load_idx %arg6[%gather3A_599, %add3A_77] : memref<1024x65xf32, #tpu.memory_space<vmem>>[vector<16xi32>, vector<16xi32>], vector<16xf32>,
          %gather3A_602 = tpu.vector_load_idx %arg6[%gather3A_599, %add3A_80] : memref<1024x65xf32, #tpu.memory_space<vmem>>[vector<16xi32>, vector<16xi32>], vector<16xf32>,
          %gather3A_603 = tpu.vector_load_idx %arg6[%gather3A_599, %add3A_83] : memref<1024x65xf32, #tpu.memory_space<vmem>>[vector<16xi32>, vector<16xi32>], vector<16xf32>,
          %mul3A_604 = arith.constant 16 : i32
          %mul3A_605 = arith.muli %scan3A_100, %mul3A_604 : i32
          %add3A_606 = arith.constant 11 : i32
          %add3A_607 = arith.addi %mul3A_605, %add3A_606 : i32
          %swap3A_608 = arith.index_cast %add3A_607 : i32 to index
          %swap3A_609 = arith.constant 0 : index
          %swap3A_610 = tpu.vector_load %arg8[%swap3A_608, %swap3A_609] {strides = array<i32>} : memref<256x65xf32, #tpu.memory_space<vmem>>, vector<16xf32>,
          tpu.vector_store %arg8[%swap3A_608, %swap3A_609], %gather3A_600 {strides = array<i32>} : memref<256x65xf32, #tpu.memory_space<vmem>>, vector<16xf32>,
          %mul3A_611 = arith.constant 16 : i32
          %mul3A_612 = arith.muli %scan3A_100, %mul3A_611 : i32
          %add3A_613 = arith.constant 11 : i32
          %add3A_614 = arith.addi %mul3A_612, %add3A_613 : i32
          %swap3A_615 = arith.index_cast %add3A_614 : i32 to index
          %swap3A_616 = arith.constant 16 : index
          %swap3A_617 = tpu.vector_load %arg8[%swap3A_615, %swap3A_616] {strides = array<i32>} : memref<256x65xf32, #tpu.memory_space<vmem>>, vector<16xf32>,
          tpu.vector_store %arg8[%swap3A_615, %swap3A_616], %gather3A_601 {strides = array<i32>} : memref<256x65xf32, #tpu.memory_space<vmem>>, vector<16xf32>,
          %mul3A_618 = arith.constant 16 : i32
          %mul3A_619 = arith.muli %scan3A_100, %mul3A_618 : i32
          %add3A_620 = arith.constant 11 : i32
          %add3A_621 = arith.addi %mul3A_619, %add3A_620 : i32
          %swap3A_622 = arith.index_cast %add3A_621 : i32 to index
          %swap3A_623 = arith.constant 32 : index
          %swap3A_624 = tpu.vector_load %arg8[%swap3A_622, %swap3A_623] {strides = array<i32>} : memref<256x65xf32, #tpu.memory_space<vmem>>, vector<16xf32>,
          tpu.vector_store %arg8[%swap3A_622, %swap3A_623], %gather3A_602 {strides = array<i32>} : memref<256x65xf32, #tpu.memory_space<vmem>>, vector<16xf32>,
          %mul3A_625 = arith.constant 16 : i32
          %mul3A_626 = arith.muli %scan3A_100, %mul3A_625 : i32
          %add3A_627 = arith.constant 11 : i32
          %add3A_628 = arith.addi %mul3A_626, %add3A_627 : i32
          %swap3A_629 = arith.index_cast %add3A_628 : i32 to index
          %swap3A_630 = arith.constant 48 : index
          %swap3A_631 = tpu.vector_load %arg8[%swap3A_629, %swap3A_630] {strides = array<i32>} : memref<256x65xf32, #tpu.memory_space<vmem>>, vector<16xf32>,
          tpu.vector_store %arg8[%swap3A_629, %swap3A_630], %gather3A_603 {strides = array<i32>} : memref<256x65xf32, #tpu.memory_space<vmem>>, vector<16xf32>,
          %broadcast_in_dim3A_632 = arith.constant 12 : i32
          %broadcast_in_dim3A_633 = vector.broadcast %broadcast_in_dim3A_632 : i32 to vector<16xi32>
          %lt3A_634 = arith.constant 0 : i32
          %lt3A_635 = vector.broadcast %lt3A_634 : i32 to vector<16xi32>
          %lt3A_636 = arith.cmpi slt, %broadcast_in_dim3A_633, %lt3A_635 : vector<16xi32>
          %add3A_637 = arith.constant 16 : i32
          %add3A_638 = vector.broadcast %add3A_637 : i32 to vector<16xi32>
          %add3A_639 = arith.addi %broadcast_in_dim3A_633, %add3A_638 : vector<16xi32>
          %select_n3A_640 = arith.select %lt3A_636, %add3A_639, %broadcast_in_dim3A_633 : vector<16xi1>, vector<16xi32>
          %broadcast_in_dim3A_641 = vector.shape_cast %select_n3A_640 : vector<16xi32> to vector<16x1xi32>
          %gather3A_642 = vector.shape_cast %broadcast_in_dim3A_641 : vector<16x1xi32> to vector<16xi32>
          %gather3A_643 = tpu.dynamic_gather %get3A_106[%gather3A_642] in [0] : vector<16xi32>, vector<16xi32> -> vector<16xi32>
          %gather3A_644 = tpu.vector_load_idx %arg6[%gather3A_643, %add3A_74] : memref<1024x65xf32, #tpu.memory_space<vmem>>[vector<16xi32>, vector<16xi32>], vector<16xf32>,
          %gather3A_645 = tpu.vector_load_idx %arg6[%gather3A_643, %add3A_77] : memref<1024x65xf32, #tpu.memory_space<vmem>>[vector<16xi32>, vector<16xi32>], vector<16xf32>,
          %gather3A_646 = tpu.vector_load_idx %arg6[%gather3A_643, %add3A_80] : memref<1024x65xf32, #tpu.memory_space<vmem>>[vector<16xi32>, vector<16xi32>], vector<16xf32>,
          %gather3A_647 = tpu.vector_load_idx %arg6[%gather3A_643, %add3A_83] : memref<1024x65xf32, #tpu.memory_space<vmem>>[vector<16xi32>, vector<16xi32>], vector<16xf32>,
          %mul3A_648 = arith.constant 16 : i32
          %mul3A_649 = arith.muli %scan3A_100, %mul3A_648 : i32
          %add3A_650 = arith.constant 12 : i32
          %add3A_651 = arith.addi %mul3A_649, %add3A_650 : i32
          %swap3A_652 = arith.index_cast %add3A_651 : i32 to index
          %swap3A_653 = arith.constant 0 : index
          %swap3A_654 = tpu.vector_load %arg8[%swap3A_652, %swap3A_653] {strides = array<i32>} : memref<256x65xf32, #tpu.memory_space<vmem>>, vector<16xf32>,
          tpu.vector_store %arg8[%swap3A_652, %swap3A_653], %gather3A_644 {strides = array<i32>} : memref<256x65xf32, #tpu.memory_space<vmem>>, vector<16xf32>,
          %mul3A_655 = arith.constant 16 : i32
          %mul3A_656 = arith.muli %scan3A_100, %mul3A_655 : i32
          %add3A_657 = arith.constant 12 : i32
          %add3A_658 = arith.addi %mul3A_656, %add3A_657 : i32
          %swap3A_659 = arith.index_cast %add3A_658 : i32 to index
          %swap3A_660 = arith.constant 16 : index
          %swap3A_661 = tpu.vector_load %arg8[%swap3A_659, %swap3A_660] {strides = array<i32>} : memref<256x65xf32, #tpu.memory_space<vmem>>, vector<16xf32>,
          tpu.vector_store %arg8[%swap3A_659, %swap3A_660], %gather3A_645 {strides = array<i32>} : memref<256x65xf32, #tpu.memory_space<vmem>>, vector<16xf32>,
          %mul3A_662 = arith.constant 16 : i32
          %mul3A_663 = arith.muli %scan3A_100, %mul3A_662 : i32
          %add3A_664 = arith.constant 12 : i32
          %add3A_665 = arith.addi %mul3A_663, %add3A_664 : i32
          %swap3A_666 = arith.index_cast %add3A_665 : i32 to index
          %swap3A_667 = arith.constant 32 : index
          %swap3A_668 = tpu.vector_load %arg8[%swap3A_666, %swap3A_667] {strides = array<i32>} : memref<256x65xf32, #tpu.memory_space<vmem>>, vector<16xf32>,
          tpu.vector_store %arg8[%swap3A_666, %swap3A_667], %gather3A_646 {strides = array<i32>} : memref<256x65xf32, #tpu.memory_space<vmem>>, vector<16xf32>,
          %mul3A_669 = arith.constant 16 : i32
          %mul3A_670 = arith.muli %scan3A_100, %mul3A_669 : i32
          %add3A_671 = arith.constant 12 : i32
          %add3A_672 = arith.addi %mul3A_670, %add3A_671 : i32
          %swap3A_673 = arith.index_cast %add3A_672 : i32 to index
          %swap3A_674 = arith.constant 48 : index
          %swap3A_675 = tpu.vector_load %arg8[%swap3A_673, %swap3A_674] {strides = array<i32>} : memref<256x65xf32, #tpu.memory_space<vmem>>, vector<16xf32>,
          tpu.vector_store %arg8[%swap3A_673, %swap3A_674], %gather3A_647 {strides = array<i32>} : memref<256x65xf32, #tpu.memory_space<vmem>>, vector<16xf32>,
          %broadcast_in_dim3A_676 = arith.constant 13 : i32
          %broadcast_in_dim3A_677 = vector.broadcast %broadcast_in_dim3A_676 : i32 to vector<16xi32>
          %lt3A_678 = arith.constant 0 : i32
          %lt3A_679 = vector.broadcast %lt3A_678 : i32 to vector<16xi32>
          %lt3A_680 = arith.cmpi slt, %broadcast_in_dim3A_677, %lt3A_679 : vector<16xi32>
          %add3A_681 = arith.constant 16 : i32
          %add3A_682 = vector.broadcast %add3A_681 : i32 to vector<16xi32>
          %add3A_683 = arith.addi %broadcast_in_dim3A_677, %add3A_682 : vector<16xi32>
          %select_n3A_684 = arith.select %lt3A_680, %add3A_683, %broadcast_in_dim3A_677 : vector<16xi1>, vector<16xi32>
          %broadcast_in_dim3A_685 = vector.shape_cast %select_n3A_684 : vector<16xi32> to vector<16x1xi32>
          %gather3A_686 = vector.shape_cast %broadcast_in_dim3A_685 : vector<16x1xi32> to vector<16xi32>
          %gather3A_687 = tpu.dynamic_gather %get3A_106[%gather3A_686] in [0] : vector<16xi32>, vector<16xi32> -> vector<16xi32>
          %gather3A_688 = tpu.vector_load_idx %arg6[%gather3A_687, %add3A_74] : memref<1024x65xf32, #tpu.memory_space<vmem>>[vector<16xi32>, vector<16xi32>], vector<16xf32>,
          %gather3A_689 = tpu.vector_load_idx %arg6[%gather3A_687, %add3A_77] : memref<1024x65xf32, #tpu.memory_space<vmem>>[vector<16xi32>, vector<16xi32>], vector<16xf32>,
          %gather3A_690 = tpu.vector_load_idx %arg6[%gather3A_687, %add3A_80] : memref<1024x65xf32, #tpu.memory_space<vmem>>[vector<16xi32>, vector<16xi32>], vector<16xf32>,
          %gather3A_691 = tpu.vector_load_idx %arg6[%gather3A_687, %add3A_83] : memref<1024x65xf32, #tpu.memory_space<vmem>>[vector<16xi32>, vector<16xi32>], vector<16xf32>,
          %mul3A_692 = arith.constant 16 : i32
          %mul3A_693 = arith.muli %scan3A_100, %mul3A_692 : i32
          %add3A_694 = arith.constant 13 : i32
          %add3A_695 = arith.addi %mul3A_693, %add3A_694 : i32
          %swap3A_696 = arith.index_cast %add3A_695 : i32 to index
          %swap3A_697 = arith.constant 0 : index
          %swap3A_698 = tpu.vector_load %arg8[%swap3A_696, %swap3A_697] {strides = array<i32>} : memref<256x65xf32, #tpu.memory_space<vmem>>, vector<16xf32>,
          tpu.vector_store %arg8[%swap3A_696, %swap3A_697], %gather3A_688 {strides = array<i32>} : memref<256x65xf32, #tpu.memory_space<vmem>>, vector<16xf32>,
          %mul3A_699 = arith.constant 16 : i32
          %mul3A_700 = arith.muli %scan3A_100, %mul3A_699 : i32
          %add3A_701 = arith.constant 13 : i32
          %add3A_702 = arith.addi %mul3A_700, %add3A_701 : i32
          %swap3A_703 = arith.index_cast %add3A_702 : i32 to index
          %swap3A_704 = arith.constant 16 : index
          %swap3A_705 = tpu.vector_load %arg8[%swap3A_703, %swap3A_704] {strides = array<i32>} : memref<256x65xf32, #tpu.memory_space<vmem>>, vector<16xf32>,
          tpu.vector_store %arg8[%swap3A_703, %swap3A_704], %gather3A_689 {strides = array<i32>} : memref<256x65xf32, #tpu.memory_space<vmem>>, vector<16xf32>,
          %mul3A_706 = arith.constant 16 : i32
          %mul3A_707 = arith.muli %scan3A_100, %mul3A_706 : i32
          %add3A_708 = arith.constant 13 : i32
          %add3A_709 = arith.addi %mul3A_707, %add3A_708 : i32
          %swap3A_710 = arith.index_cast %add3A_709 : i32 to index
          %swap3A_711 = arith.constant 32 : index
          %swap3A_712 = tpu.vector_load %arg8[%swap3A_710, %swap3A_711] {strides = array<i32>} : memref<256x65xf32, #tpu.memory_space<vmem>>, vector<16xf32>,
          tpu.vector_store %arg8[%swap3A_710, %swap3A_711], %gather3A_690 {strides = array<i32>} : memref<256x65xf32, #tpu.memory_space<vmem>>, vector<16xf32>,
          %mul3A_713 = arith.constant 16 : i32
          %mul3A_714 = arith.muli %scan3A_100, %mul3A_713 : i32
          %add3A_715 = arith.constant 13 : i32
          %add3A_716 = arith.addi %mul3A_714, %add3A_715 : i32
          %swap3A_717 = arith.index_cast %add3A_716 : i32 to index
          %swap3A_718 = arith.constant 48 : index
          %swap3A_719 = tpu.vector_load %arg8[%swap3A_717, %swap3A_718] {strides = array<i32>} : memref<256x65xf32, #tpu.memory_space<vmem>>, vector<16xf32>,
          tpu.vector_store %arg8[%swap3A_717, %swap3A_718], %gather3A_691 {strides = array<i32>} : memref<256x65xf32, #tpu.memory_space<vmem>>, vector<16xf32>,
          %broadcast_in_dim3A_720 = arith.constant 14 : i32
          %broadcast_in_dim3A_721 = vector.broadcast %broadcast_in_dim3A_720 : i32 to vector<16xi32>
          %lt3A_722 = arith.constant 0 : i32
          %lt3A_723 = vector.broadcast %lt3A_722 : i32 to vector<16xi32>
          %lt3A_724 = arith.cmpi slt, %broadcast_in_dim3A_721, %lt3A_723 : vector<16xi32>
          %add3A_725 = arith.constant 16 : i32
          %add3A_726 = vector.broadcast %add3A_725 : i32 to vector<16xi32>
          %add3A_727 = arith.addi %broadcast_in_dim3A_721, %add3A_726 : vector<16xi32>
          %select_n3A_728 = arith.select %lt3A_724, %add3A_727, %broadcast_in_dim3A_721 : vector<16xi1>, vector<16xi32>
          %broadcast_in_dim3A_729 = vector.shape_cast %select_n3A_728 : vector<16xi32> to vector<16x1xi32>
          %gather3A_730 = vector.shape_cast %broadcast_in_dim3A_729 : vector<16x1xi32> to vector<16xi32>
          %gather3A_731 = tpu.dynamic_gather %get3A_106[%gather3A_730] in [0] : vector<16xi32>, vector<16xi32> -> vector<16xi32>
          %gather3A_732 = tpu.vector_load_idx %arg6[%gather3A_731, %add3A_74] : memref<1024x65xf32, #tpu.memory_space<vmem>>[vector<16xi32>, vector<16xi32>], vector<16xf32>,
          %gather3A_733 = tpu.vector_load_idx %arg6[%gather3A_731, %add3A_77] : memref<1024x65xf32, #tpu.memory_space<vmem>>[vector<16xi32>, vector<16xi32>], vector<16xf32>,
          %gather3A_734 = tpu.vector_load_idx %arg6[%gather3A_731, %add3A_80] : memref<1024x65xf32, #tpu.memory_space<vmem>>[vector<16xi32>, vector<16xi32>], vector<16xf32>,
          %gather3A_735 = tpu.vector_load_idx %arg6[%gather3A_731, %add3A_83] : memref<1024x65xf32, #tpu.memory_space<vmem>>[vector<16xi32>, vector<16xi32>], vector<16xf32>,
          %mul3A_736 = arith.constant 16 : i32
          %mul3A_737 = arith.muli %scan3A_100, %mul3A_736 : i32
          %add3A_738 = arith.constant 14 : i32
          %add3A_739 = arith.addi %mul3A_737, %add3A_738 : i32
          %swap3A_740 = arith.index_cast %add3A_739 : i32 to index
          %swap3A_741 = arith.constant 0 : index
          %swap3A_742 = tpu.vector_load %arg8[%swap3A_740, %swap3A_741] {strides = array<i32>} : memref<256x65xf32, #tpu.memory_space<vmem>>, vector<16xf32>,
          tpu.vector_store %arg8[%swap3A_740, %swap3A_741], %gather3A_732 {strides = array<i32>} : memref<256x65xf32, #tpu.memory_space<vmem>>, vector<16xf32>,
          %mul3A_743 = arith.constant 16 : i32
          %mul3A_744 = arith.muli %scan3A_100, %mul3A_743 : i32
          %add3A_745 = arith.constant 14 : i32
          %add3A_746 = arith.addi %mul3A_744, %add3A_745 : i32
          %swap3A_747 = arith.index_cast %add3A_746 : i32 to index
          %swap3A_748 = arith.constant 16 : index
          %swap3A_749 = tpu.vector_load %arg8[%swap3A_747, %swap3A_748] {strides = array<i32>} : memref<256x65xf32, #tpu.memory_space<vmem>>, vector<16xf32>,
          tpu.vector_store %arg8[%swap3A_747, %swap3A_748], %gather3A_733 {strides = array<i32>} : memref<256x65xf32, #tpu.memory_space<vmem>>, vector<16xf32>,
          %mul3A_750 = arith.constant 16 : i32
          %mul3A_751 = arith.muli %scan3A_100, %mul3A_750 : i32
          %add3A_752 = arith.constant 14 : i32
          %add3A_753 = arith.addi %mul3A_751, %add3A_752 : i32
          %swap3A_754 = arith.index_cast %add3A_753 : i32 to index
          %swap3A_755 = arith.constant 32 : index
          %swap3A_756 = tpu.vector_load %arg8[%swap3A_754, %swap3A_755] {strides = array<i32>} : memref<256x65xf32, #tpu.memory_space<vmem>>, vector<16xf32>,
          tpu.vector_store %arg8[%swap3A_754, %swap3A_755], %gather3A_734 {strides = array<i32>} : memref<256x65xf32, #tpu.memory_space<vmem>>, vector<16xf32>,
          %mul3A_757 = arith.constant 16 : i32
          %mul3A_758 = arith.muli %scan3A_100, %mul3A_757 : i32
          %add3A_759 = arith.constant 14 : i32
          %add3A_760 = arith.addi %mul3A_758, %add3A_759 : i32
          %swap3A_761 = arith.index_cast %add3A_760 : i32 to index
          %swap3A_762 = arith.constant 48 : index
          %swap3A_763 = tpu.vector_load %arg8[%swap3A_761, %swap3A_762] {strides = array<i32>} : memref<256x65xf32, #tpu.memory_space<vmem>>, vector<16xf32>,
          tpu.vector_store %arg8[%swap3A_761, %swap3A_762], %gather3A_735 {strides = array<i32>} : memref<256x65xf32, #tpu.memory_space<vmem>>, vector<16xf32>,
          %broadcast_in_dim3A_764 = arith.constant 15 : i32
          %broadcast_in_dim3A_765 = vector.broadcast %broadcast_in_dim3A_764 : i32 to vector<16xi32>
          %lt3A_766 = arith.constant 0 : i32
          %lt3A_767 = vector.broadcast %lt3A_766 : i32 to vector<16xi32>
          %lt3A_768 = arith.cmpi slt, %broadcast_in_dim3A_765, %lt3A_767 : vector<16xi32>
          %add3A_769 = arith.constant 16 : i32
          %add3A_770 = vector.broadcast %add3A_769 : i32 to vector<16xi32>
          %add3A_771 = arith.addi %broadcast_in_dim3A_765, %add3A_770 : vector<16xi32>
          %select_n3A_772 = arith.select %lt3A_768, %add3A_771, %broadcast_in_dim3A_765 : vector<16xi1>, vector<16xi32>
          %broadcast_in_dim3A_773 = vector.shape_cast %select_n3A_772 : vector<16xi32> to vector<16x1xi32>
          %gather3A_774 = vector.shape_cast %broadcast_in_dim3A_773 : vector<16x1xi32> to vector<16xi32>
          %gather3A_775 = tpu.dynamic_gather %get3A_106[%gather3A_774] in [0] : vector<16xi32>, vector<16xi32> -> vector<16xi32>
          %gather3A_776 = tpu.vector_load_idx %arg6[%gather3A_775, %add3A_74] : memref<1024x65xf32, #tpu.memory_space<vmem>>[vector<16xi32>, vector<16xi32>], vector<16xf32>,
          %gather3A_777 = tpu.vector_load_idx %arg6[%gather3A_775, %add3A_77] : memref<1024x65xf32, #tpu.memory_space<vmem>>[vector<16xi32>, vector<16xi32>], vector<16xf32>,
          %gather3A_778 = tpu.vector_load_idx %arg6[%gather3A_775, %add3A_80] : memref<1024x65xf32, #tpu.memory_space<vmem>>[vector<16xi32>, vector<16xi32>], vector<16xf32>,
          %gather3A_779 = tpu.vector_load_idx %arg6[%gather3A_775, %add3A_83] : memref<1024x65xf32, #tpu.memory_space<vmem>>[vector<16xi32>, vector<16xi32>], vector<16xf32>,
          %mul3A_780 = arith.constant 16 : i32
          %mul3A_781 = arith.muli %scan3A_100, %mul3A_780 : i32
          %add3A_782 = arith.constant 15 : i32
          %add3A_783 = arith.addi %mul3A_781, %add3A_782 : i32
          %swap3A_784 = arith.index_cast %add3A_783 : i32 to index
          %swap3A_785 = arith.constant 0 : index
          %swap3A_786 = tpu.vector_load %arg8[%swap3A_784, %swap3A_785] {strides = array<i32>} : memref<256x65xf32, #tpu.memory_space<vmem>>, vector<16xf32>,
          tpu.vector_store %arg8[%swap3A_784, %swap3A_785], %gather3A_776 {strides = array<i32>} : memref<256x65xf32, #tpu.memory_space<vmem>>, vector<16xf32>,
          %mul3A_787 = arith.constant 16 : i32
          %mul3A_788 = arith.muli %scan3A_100, %mul3A_787 : i32
          %add3A_789 = arith.constant 15 : i32
          %add3A_790 = arith.addi %mul3A_788, %add3A_789 : i32
          %swap3A_791 = arith.index_cast %add3A_790 : i32 to index
          %swap3A_792 = arith.constant 16 : index
          %swap3A_793 = tpu.vector_load %arg8[%swap3A_791, %swap3A_792] {strides = array<i32>} : memref<256x65xf32, #tpu.memory_space<vmem>>, vector<16xf32>,
          tpu.vector_store %arg8[%swap3A_791, %swap3A_792], %gather3A_777 {strides = array<i32>} : memref<256x65xf32, #tpu.memory_space<vmem>>, vector<16xf32>,
          %mul3A_794 = arith.constant 16 : i32
          %mul3A_795 = arith.muli %scan3A_100, %mul3A_794 : i32
          %add3A_796 = arith.constant 15 : i32
          %add3A_797 = arith.addi %mul3A_795, %add3A_796 : i32
          %swap3A_798 = arith.index_cast %add3A_797 : i32 to index
          %swap3A_799 = arith.constant 32 : index
          %swap3A_800 = tpu.vector_load %arg8[%swap3A_798, %swap3A_799] {strides = array<i32>} : memref<256x65xf32, #tpu.memory_space<vmem>>, vector<16xf32>,
          tpu.vector_store %arg8[%swap3A_798, %swap3A_799], %gather3A_778 {strides = array<i32>} : memref<256x65xf32, #tpu.memory_space<vmem>>, vector<16xf32>,
          %mul3A_801 = arith.constant 16 : i32
          %mul3A_802 = arith.muli %scan3A_100, %mul3A_801 : i32
          %add3A_803 = arith.constant 15 : i32
          %add3A_804 = arith.addi %mul3A_802, %add3A_803 : i32
          %swap3A_805 = arith.index_cast %add3A_804 : i32 to index
          %swap3A_806 = arith.constant 48 : index
          %swap3A_807 = tpu.vector_load %arg8[%swap3A_805, %swap3A_806] {strides = array<i32>} : memref<256x65xf32, #tpu.memory_space<vmem>>, vector<16xf32>,
          tpu.vector_store %arg8[%swap3A_805, %swap3A_806], %gather3A_779 {strides = array<i32>} : memref<256x65xf32, #tpu.memory_space<vmem>>, vector<16xf32>,
        }
        %scan3A_89 = arith.constant 16 : i32
        %mul3A_90 = arith.constant 256 : i32
        %mul3A_91 = arith.muli %scan3A_55, %mul3A_90 : i32
        %add3A_92 = arith.addi %mul3A_32, %mul3A_91 : i32
        %dma_start3A = arith.constant 0 : i32
        %dma_start3A_93 = arith.constant 0 : i32
        %dma_start3A_94 = tpu.memref_slice %arg8[%dma_start3A, %dma_start3A_93] : memref<256x65xf32, #tpu.memory_space<vmem>> -> memref<256x64xf32, #tpu.memory_space<vmem>>
        %dma_start3A_95 = tpu.memref_slice %arg4[%add3A_92, %mul3A_34] : memref<16384x256xf32, #tpu.memory_space<hbm>> -> memref<256x64xf32, #tpu.memory_space<hbm>>
        %dma_start3A_96 = tpu.memref_slice %arg4[%add3A_92, %mul3A_34] : memref<16384x256xf32, #tpu.memory_space<hbm>> -> memref<256x64xf32, #tpu.memory_space<hbm>>
        %dma_start3A_97 = arith.constant 0 : i32
        %dma_start3A_98 = arith.constant 0 : i32
        %dma_start3A_99 = tpu.memref_slice %arg8[%dma_start3A_97, %dma_start3A_98] : memref<256x65xf32, #tpu.memory_space<vmem>> -> memref<256x64xf32, #tpu.memory_space<vmem>>
        tpu.enqueue_dma source(%dma_start3A_99 : memref<256x64xf32, #tpu.memory_space<vmem>>) target(%dma_start3A_96 : memref<256x64xf32, #tpu.memory_space<hbm>>) target_semaphore(%arg10 : memref<!tpu.dma_semaphore, #tpu.memory_space<semaphore_mem>>)
      } else {
      }
    }
    %scan3A_39 = arith.constant 8 : i32
    %dma_wait3A = arith.constant 0 : i32
    %dma_wait3A_40 = arith.constant 0 : i32
    %dma_wait3A_41 = tpu.memref_slice %arg7[%dma_wait3A, %dma_wait3A_40] : memref<256x65xf32, #tpu.memory_space<vmem>> -> memref<256x64xf32, #tpu.memory_space<vmem>>
    %dma_wait3A_42 = tpu.memref_slice %arg4[%mul3A_32, %mul3A_34] : memref<16384x256xf32, #tpu.memory_space<hbm>> -> memref<256x64xf32, #tpu.memory_space<hbm>>
    %dma_wait3A_43 = tpu.memref_slice %arg4[%mul3A_32, %mul3A_34] : memref<16384x256xf32, #tpu.memory_space<hbm>> -> memref<256x64xf32, #tpu.memory_space<hbm>>
    %dma_wait3A_44 = arith.constant 0 : i32
    %dma_wait3A_45 = arith.constant 0 : i32
    %dma_wait3A_46 = tpu.memref_slice %arg7[%dma_wait3A_44, %dma_wait3A_45] : memref<256x65xf32, #tpu.memory_space<vmem>> -> memref<256x64xf32, #tpu.memory_space<vmem>>
    tpu.wait_dma2 semaphore(%arg9 : memref<!tpu.dma_semaphore, #tpu.memory_space<semaphore_mem>>) src(%dma_wait3A_46 : memref<256x64xf32, #tpu.memory_space<vmem>>) dst(%dma_wait3A_43 : memref<256x64xf32, #tpu.memory_space<hbm>>)
    %dma_wait3A_47 = arith.constant 0 : i32
    %dma_wait3A_48 = arith.constant 0 : i32
    %dma_wait3A_49 = tpu.memref_slice %arg8[%dma_wait3A_47, %dma_wait3A_48] : memref<256x65xf32, #tpu.memory_space<vmem>> -> memref<256x64xf32, #tpu.memory_space<vmem>>
    %dma_wait3A_50 = tpu.memref_slice %arg4[%mul3A_32, %mul3A_34] : memref<16384x256xf32, #tpu.memory_space<hbm>> -> memref<256x64xf32, #tpu.memory_space<hbm>>
    %dma_wait3A_51 = tpu.memref_slice %arg4[%mul3A_32, %mul3A_34] : memref<16384x256xf32, #tpu.memory_space<hbm>> -> memref<256x64xf32, #tpu.memory_space<hbm>>
    %dma_wait3A_52 = arith.constant 0 : i32
    %dma_wait3A_53 = arith.constant 0 : i32
    %dma_wait3A_54 = tpu.memref_slice %arg8[%dma_wait3A_52, %dma_wait3A_53] : memref<256x65xf32, #tpu.memory_space<vmem>> -> memref<256x64xf32, #tpu.memory_space<vmem>>
    tpu.wait_dma2 semaphore(%arg10 : memref<!tpu.dma_semaphore, #tpu.memory_space<semaphore_mem>>) src(%dma_wait3A_54 : memref<256x64xf32, #tpu.memory_space<vmem>>) dst(%dma_wait3A_51 : memref<256x64xf32, #tpu.memory_space<hbm>>)
    return
  }
}

module attributes {stable_mosaic.version = 14 : i64} {
  func.func @_assign_body(%arg0: i32, %arg1: memref<2048x256xf32, #tpu.memory_space<vmem>>, %arg2: memref<1024x256xf32, #tpu.memory_space<vmem>>, %arg3: memref<1x1024xf32, #tpu.memory_space<vmem>>, %arg4: memref<2048x1xi32, #tpu.memory_space<vmem>>) attributes {dimension_semantics = [#tpu.dimension_semantics<arbitrary>], iteration_bounds = array<i64: 8>, scalar_prefetch = 0 : i64, scratch_operands = 0 : i64, tpu.core_type = #tpu.core_type<tc>, window_params = [{transform_indices = @transform_0, window_bounds = array<i64: 2048, 256>}, {pipeline_mode = #tpu.pipeline_mode<synchronous>, transform_indices = @transform_1, window_bounds = array<i64: 1024, 256>}, {pipeline_mode = #tpu.pipeline_mode<synchronous>, transform_indices = @transform_2, window_bounds = array<i64: 1, 1024>}, {transform_indices = @transform_3, window_bounds = array<i64: 2048, 1>}]} {
    %get3A = arith.constant 0 : index
    %get3A_0 = arith.constant 0 : index
    %get3A_1 = vector.load %arg1[%get3A, %get3A_0] : memref<2048x256xf32, #tpu.memory_space<vmem>>, vector<2048x256xf32>
    %get3A_2 = arith.constant 0 : index
    %get3A_3 = arith.constant 0 : index
    %get3A_4 = vector.load %arg2[%get3A_2, %get3A_3] : memref<1024x256xf32, #tpu.memory_space<vmem>>, vector<1024x256xf32>
    %mul3A = arith.mulf %get3A_1, %get3A_1 : vector<2048x256xf32>
    %reduce_sum3A = arith.constant dense<0.000000e+00> : vector<2048xf32>
    %reduce_sum3A_5 = vector.multi_reduction <add>, %mul3A, %reduce_sum3A [1] : vector<2048x256xf32> to vector<2048xf32>
    %broadcast_in_dim3A = vector.shape_cast %reduce_sum3A_5 : vector<2048xf32> to vector<2048x1xf32>
    %sqrt3A = math.sqrt %broadcast_in_dim3A : vector<2048x1xf32>
    %max3A = arith.constant 9.99999996E-13 : f32
    %max3A_6 = vector.broadcast %max3A : f32 to vector<2048x1xf32>
    %max3A_7 = arith.maximumf %sqrt3A, %max3A_6 : vector<2048x1xf32>
    %div3A = vector.broadcast %max3A_7 : vector<2048x1xf32> to vector<2048x256xf32>
    %div3A_8 = arith.divf %get3A_1, %div3A : vector<2048x256xf32>
    %mul3A_9 = arith.mulf %div3A_8, %div3A_8 : vector<2048x256xf32>
    %reduce_sum3A_10 = arith.constant dense<0.000000e+00> : vector<2048xf32>
    %reduce_sum3A_11 = vector.multi_reduction <add>, %mul3A_9, %reduce_sum3A_10 [1] : vector<2048x256xf32> to vector<2048xf32>
    %broadcast_in_dim3A_12 = vector.shape_cast %reduce_sum3A_11 : vector<2048xf32> to vector<2048x1xf32>
    %dot_general3A = arith.constant dense<0.000000e+00> : vector<2048x1024xf32>
    %dot_general3A_13 = tpu.matmul %div3A_8, %get3A_4, %dot_general3A {dimension_numbers = #tpu.dot_dimension_numbers<[1], [1], [0], [0], [0, 0, 1, 0], [], []>, transpose_lhs_hint = false} : vector<2048x256xf32>, vector<1024x256xf32>, vector<2048x1024xf32> -> vector<2048x1024xf32>
    %get3A_14 = arith.constant 0 : index
    %get3A_15 = arith.constant 0 : index
    %get3A_16 = vector.load %arg3[%get3A_14, %get3A_15] : memref<1x1024xf32, #tpu.memory_space<vmem>>, vector<1x1024xf32>
    %add3A = vector.broadcast %broadcast_in_dim3A_12 : vector<2048x1xf32> to vector<2048x1024xf32>
    %add3A_17 = vector.broadcast %get3A_16 : vector<1x1024xf32> to vector<2048x1024xf32>
    %add3A_18 = arith.addf %add3A, %add3A_17 : vector<2048x1024xf32>
    %mul3A_19 = arith.constant 2.000000e+00 : f32
    %mul3A_20 = vector.broadcast %mul3A_19 : f32 to vector<2048x1024xf32>
    %mul3A_21 = arith.mulf %mul3A_20, %dot_general3A_13 : vector<2048x1024xf32>
    %sub3A = arith.subf %add3A_18, %mul3A_21 : vector<2048x1024xf32>
    %reduce_min3A = arith.constant dense<0x7F800000> : vector<2048xf32>
    %reduce_min3A_22 = vector.multi_reduction <minimumf>, %sub3A, %reduce_min3A [1] : vector<2048x1024xf32> to vector<2048xf32>
    %broadcast_in_dim3A_23 = vector.shape_cast %reduce_min3A_22 : vector<2048xf32> to vector<2048x1xf32>
    %iota3A = tpu.iota {dimensions = array<i32: 1>} : vector<2048x1024xi32>
    %eq3A = vector.broadcast %broadcast_in_dim3A_23 : vector<2048x1xf32> to vector<2048x1024xf32>
    %eq3A_24 = arith.cmpf oeq, %sub3A, %eq3A : vector<2048x1024xf32>
    %jit3A = arith.constant 1024 : i32
    %broadcast_in_dim3A_25 = vector.broadcast %jit3A : i32 to vector<2048x1024xi32>
    %select_n3A = arith.select %eq3A_24, %iota3A, %broadcast_in_dim3A_25 : vector<2048x1024xi1>, vector<2048x1024xi32>
    %reduce_min3A_26 = arith.constant dense<2147483647> : vector<2048xi32>
    %reduce_min3A_27 = vector.multi_reduction <minsi>, %select_n3A, %reduce_min3A_26 [1] : vector<2048x1024xi32> to vector<2048xi32>
    %broadcast_in_dim3A_28 = vector.shape_cast %reduce_min3A_27 : vector<2048xi32> to vector<2048x1xi32>
    %swap3A = arith.constant 0 : index
    %swap3A_29 = arith.constant 0 : index
    %swap3A_30 = vector.load %arg4[%swap3A, %swap3A_29] : memref<2048x1xi32, #tpu.memory_space<vmem>>, vector<2048x1xi32>
    tpu.vector_store %arg4[%swap3A, %swap3A_29], %broadcast_in_dim3A_28 {strides = array<i32>} : memref<2048x1xi32, #tpu.memory_space<vmem>>, vector<2048x1xi32>,
    return
  }
  func.func @transform_0(%arg0: i32) -> (i32, i32) {
    %c0_i32 = arith.constant 0 : i32
    %c0_i32_0 = arith.constant 0 : i32
    return %arg0, %c0_i32 : i32, i32
  }
  func.func @transform_1(%arg0: i32) -> (i32, i32) {
    %c0_i32 = arith.constant 0 : i32
    %c0_i32_0 = arith.constant 0 : i32
    %c0_i32_1 = arith.constant 0 : i32
    return %c0_i32, %c0_i32_0 : i32, i32
  }
  func.func @transform_2(%arg0: i32) -> (i32, i32) {
    %c0_i32 = arith.constant 0 : i32
    %c0_i32_0 = arith.constant 0 : i32
    %c0_i32_1 = arith.constant 0 : i32
    return %c0_i32, %c0_i32_0 : i32, i32
  }
  func.func @transform_3(%arg0: i32) -> (i32, i32) {
    %c0_i32 = arith.constant 0 : i32
    %c0_i32_0 = arith.constant 0 : i32
    return %arg0, %c0_i32 : i32, i32
  }
}

module attributes {stable_mosaic.version = 14 : i64} {
  func.func @_update_body(%arg0: i32, %arg1: memref<2048x1xi32, #tpu.memory_space<vmem>>, %arg2: memref<2048x256xf32, #tpu.memory_space<vmem>>, %arg3: memref<1024x1xf32, #tpu.memory_space<vmem>>, %arg4: memref<1024x256xf32, #tpu.memory_space<vmem>>, %arg5: memref<1024x256xf32, #tpu.memory_space<vmem>>, %arg6: memref<1024x256xf32, #tpu.memory_space<vmem>>, %arg7: memref<1024x1xf32, #tpu.memory_space<vmem>>) attributes {dimension_semantics = [#tpu.dimension_semantics<arbitrary>], iteration_bounds = array<i64: 8>, scalar_prefetch = 0 : i64, scratch_operands = 2 : i64, tpu.core_type = #tpu.core_type<tc>, window_params = [{transform_indices = @transform_0, window_bounds = array<i64: 2048, 1>}, {transform_indices = @transform_1, window_bounds = array<i64: 2048, 256>}, {pipeline_mode = #tpu.pipeline_mode<synchronous>, transform_indices = @transform_2, window_bounds = array<i64: 1024, 1>}, {pipeline_mode = #tpu.pipeline_mode<synchronous>, transform_indices = @transform_3, window_bounds = array<i64: 1024, 256>}, {pipeline_mode = #tpu.pipeline_mode<synchronous>, transform_indices = @transform_4, window_bounds = array<i64: 1024, 256>}]} {
    %iota3A = tpu.iota {dimensions = array<i32: 1>} : vector<2048x1024xi32>
    %get3A = arith.constant 0 : index
    %get3A_0 = arith.constant 0 : index
    %get3A_1 = vector.load %arg1[%get3A, %get3A_0] : memref<2048x1xi32, #tpu.memory_space<vmem>>, vector<2048x1xi32>
    %eq3A = vector.broadcast %get3A_1 : vector<2048x1xi32> to vector<2048x1024xi32>
    %eq3A_2 = arith.cmpi eq, %iota3A, %eq3A : vector<2048x1024xi32>
    %convert_element_type3A = arith.extui %eq3A_2 : vector<2048x1024xi1> to vector<2048x1024xi32>
    %convert_element_type3A_3 = arith.sitofp %convert_element_type3A : vector<2048x1024xi32> to vector<2048x1024xf32>
    %broadcast_in_dim3A = arith.constant 1.000000e+00 : f32
    %broadcast_in_dim3A_4 = vector.broadcast %broadcast_in_dim3A : f32 to vector<2048x1xf32>
    %get3A_5 = arith.constant 0 : index
    %get3A_6 = arith.constant 0 : index
    %get3A_7 = vector.load %arg2[%get3A_5, %get3A_6] : memref<2048x256xf32, #tpu.memory_space<vmem>>, vector<2048x256xf32>
    %dot_general3A = arith.constant dense<0.000000e+00> : vector<1024x256xf32>
    %dot_general3A_8 = tpu.matmul %convert_element_type3A_3, %get3A_7, %dot_general3A {dimension_numbers = #tpu.dot_dimension_numbers<[0], [0], [1], [1], [0, 1, 1, 1], [], []>, transpose_lhs_hint = false} : vector<2048x1024xf32>, vector<2048x256xf32>, vector<1024x256xf32> -> vector<1024x256xf32>
    %dot_general3A_9 = arith.constant dense<0.000000e+00> : vector<1024x1xf32>
    %dot_general3A_10 = tpu.matmul %convert_element_type3A_3, %broadcast_in_dim3A_4, %dot_general3A_9 {dimension_numbers = #tpu.dot_dimension_numbers<[0], [0], [1], [1], [0, 1, 1, 1], [], []>, transpose_lhs_hint = false} : vector<2048x1024xf32>, vector<2048x1xf32>, vector<1024x1xf32> -> vector<1024x1xf32>
    %eq3A_11 = arith.constant 0 : i32
    %eq3A_12 = arith.cmpi eq, %arg0, %eq3A_11 : i32
    %convert_element_type3A_13 = arith.extui %eq3A_12 : i1 to i32
    %cond3A = arith.constant 0 : i32
    %cond3A_14 = arith.cmpi ne, %convert_element_type3A_13, %cond3A : i32
    scf.if %cond3A_14 {
      %swap3A = arith.constant 0 : index
      %swap3A_24 = arith.constant 0 : index
      %swap3A_25 = vector.load %arg6[%swap3A, %swap3A_24] : memref<1024x256xf32, #tpu.memory_space<vmem>>, vector<1024x256xf32>
      tpu.vector_store %arg6[%swap3A, %swap3A_24], %dot_general3A_8 {strides = array<i32>} : memref<1024x256xf32, #tpu.memory_space<vmem>>, vector<1024x256xf32>,
      %swap3A_26 = arith.constant 0 : index
      %swap3A_27 = arith.constant 0 : index
      %swap3A_28 = vector.load %arg7[%swap3A_26, %swap3A_27] : memref<1024x1xf32, #tpu.memory_space<vmem>>, vector<1024x1xf32>
      tpu.vector_store %arg7[%swap3A_26, %swap3A_27], %dot_general3A_10 {strides = array<i32>} : memref<1024x1xf32, #tpu.memory_space<vmem>>, vector<1024x1xf32>,
    } else {
    }
    %gt3A = arith.constant 0 : i32
    %gt3A_15 = arith.cmpi sgt, %arg0, %gt3A : i32
    %convert_element_type3A_16 = arith.extui %gt3A_15 : i1 to i32
    %cond3A_17 = arith.constant 0 : i32
    %cond3A_18 = arith.cmpi ne, %convert_element_type3A_16, %cond3A_17 : i32
    scf.if %cond3A_18 {
      %get3A_24 = arith.constant 0 : index
      %get3A_25 = arith.constant 0 : index
      %get3A_26 = vector.load %arg6[%get3A_24, %get3A_25] : memref<1024x256xf32, #tpu.memory_space<vmem>>, vector<1024x256xf32>
      %add3A = arith.addf %get3A_26, %dot_general3A_8 : vector<1024x256xf32>
      %swap3A = arith.constant 0 : index
      %swap3A_27 = arith.constant 0 : index
      %swap3A_28 = vector.load %arg6[%swap3A, %swap3A_27] : memref<1024x256xf32, #tpu.memory_space<vmem>>, vector<1024x256xf32>
      tpu.vector_store %arg6[%swap3A, %swap3A_27], %add3A {strides = array<i32>} : memref<1024x256xf32, #tpu.memory_space<vmem>>, vector<1024x256xf32>,
      %get3A_29 = arith.constant 0 : index
      %get3A_30 = arith.constant 0 : index
      %get3A_31 = vector.load %arg7[%get3A_29, %get3A_30] : memref<1024x1xf32, #tpu.memory_space<vmem>>, vector<1024x1xf32>
      %add3A_32 = arith.addf %get3A_31, %dot_general3A_10 : vector<1024x1xf32>
      %swap3A_33 = arith.constant 0 : index
      %swap3A_34 = arith.constant 0 : index
      %swap3A_35 = vector.load %arg7[%swap3A_33, %swap3A_34] : memref<1024x1xf32, #tpu.memory_space<vmem>>, vector<1024x1xf32>
      tpu.vector_store %arg7[%swap3A_33, %swap3A_34], %add3A_32 {strides = array<i32>} : memref<1024x1xf32, #tpu.memory_space<vmem>>, vector<1024x1xf32>,
    } else {
    }
    %eq3A_19 = arith.constant 7 : i32
    %eq3A_20 = arith.cmpi eq, %arg0, %eq3A_19 : i32
    %convert_element_type3A_21 = arith.extui %eq3A_20 : i1 to i32
    %cond3A_22 = arith.constant 0 : i32
    %cond3A_23 = arith.cmpi ne, %convert_element_type3A_21, %cond3A_22 : i32
    scf.if %cond3A_23 {
      %get3A_24 = arith.constant 0 : index
      %get3A_25 = arith.constant 0 : index
      %get3A_26 = vector.load %arg3[%get3A_24, %get3A_25] : memref<1024x1xf32, #tpu.memory_space<vmem>>, vector<1024x1xf32>
      %mul3A = arith.constant 9.900000e-01 : f32
      %mul3A_27 = vector.broadcast %mul3A : f32 to vector<1024x1xf32>
      %mul3A_28 = arith.mulf %get3A_26, %mul3A_27 : vector<1024x1xf32>
      %get3A_29 = arith.constant 0 : index
      %get3A_30 = arith.constant 0 : index
      %get3A_31 = vector.load %arg7[%get3A_29, %get3A_30] : memref<1024x1xf32, #tpu.memory_space<vmem>>, vector<1024x1xf32>
      %mul3A_32 = arith.constant 0.00999999977 : f32
      %mul3A_33 = vector.broadcast %mul3A_32 : f32 to vector<1024x1xf32>
      %mul3A_34 = arith.mulf %mul3A_33, %get3A_31 : vector<1024x1xf32>
      %add3A = arith.addf %mul3A_28, %mul3A_34 : vector<1024x1xf32>
      %reduce_sum3A = vector.shape_cast %add3A : vector<1024x1xf32> to vector<1x1024x1xf32>
      %reduce_sum3A_35 = arith.constant dense<0.000000e+00> : vector<1xf32>
      %reduce_sum3A_36 = vector.multi_reduction <add>, %reduce_sum3A, %reduce_sum3A_35 [1, 2] : vector<1x1024x1xf32> to vector<1xf32>
      %reduce_sum3A_37 = vector.shape_cast %reduce_sum3A_36 : vector<1xf32> to vector<1x1x1xf32>
      %reduce_sum3A_38 = vector.extract %reduce_sum3A_37[0, 0, 0] : f32 from vector<1x1x1xf32>
      %add3A_39 = arith.constant 9.99999974E-6 : f32
      %add3A_40 = vector.broadcast %add3A_39 : f32 to vector<1024x1xf32>
      %add3A_41 = arith.addf %add3A, %add3A_40 : vector<1024x1xf32>
      %add3A_42 = arith.constant 1.024000e-02 : f32
      %add3A_43 = arith.addf %reduce_sum3A_38, %add3A_42 : f32
      %div3A = vector.broadcast %add3A_43 : f32 to vector<1024x1xf32>
      %div3A_44 = arith.divf %add3A_41, %div3A : vector<1024x1xf32>
      %mul3A_45 = vector.broadcast %reduce_sum3A_38 : f32 to vector<1024x1xf32>
      %mul3A_46 = arith.mulf %div3A_44, %mul3A_45 : vector<1024x1xf32>
      %get3A_47 = arith.constant 0 : index
      %get3A_48 = arith.constant 0 : index
      %get3A_49 = vector.load %arg4[%get3A_47, %get3A_48] : memref<1024x256xf32, #tpu.memory_space<vmem>>, vector<1024x256xf32>
      %mul3A_50 = arith.constant 9.900000e-01 : f32
      %mul3A_51 = vector.broadcast %mul3A_50 : f32 to vector<1024x256xf32>
      %mul3A_52 = arith.mulf %get3A_49, %mul3A_51 : vector<1024x256xf32>
      %get3A_53 = arith.constant 0 : index
      %get3A_54 = arith.constant 0 : index
      %get3A_55 = vector.load %arg6[%get3A_53, %get3A_54] : memref<1024x256xf32, #tpu.memory_space<vmem>>, vector<1024x256xf32>
      %mul3A_56 = arith.constant 0.00999999977 : f32
      %mul3A_57 = vector.broadcast %mul3A_56 : f32 to vector<1024x256xf32>
      %mul3A_58 = arith.mulf %mul3A_57, %get3A_55 : vector<1024x256xf32>
      %add3A_59 = arith.addf %mul3A_52, %mul3A_58 : vector<1024x256xf32>
      %div3A_60 = vector.broadcast %mul3A_46 : vector<1024x1xf32> to vector<1024x256xf32>
      %div3A_61 = arith.divf %add3A_59, %div3A_60 : vector<1024x256xf32>
      %swap3A = arith.constant 0 : index
      %swap3A_62 = arith.constant 0 : index
      %swap3A_63 = vector.load %arg5[%swap3A, %swap3A_62] : memref<1024x256xf32, #tpu.memory_space<vmem>>, vector<1024x256xf32>
      tpu.vector_store %arg5[%swap3A, %swap3A_62], %div3A_61 {strides = array<i32>} : memref<1024x256xf32, #tpu.memory_space<vmem>>, vector<1024x256xf32>,
    } else {
    }
    return
  }
  func.func @transform_0(%arg0: i32) -> (i32, i32) {
    %c0_i32 = arith.constant 0 : i32
    %c0_i32_0 = arith.constant 0 : i32
    return %arg0, %c0_i32 : i32, i32
  }
  func.func @transform_1(%arg0: i32) -> (i32, i32) {
    %c0_i32 = arith.constant 0 : i32
    %c0_i32_0 = arith.constant 0 : i32
    return %arg0, %c0_i32 : i32, i32
  }
  func.func @transform_2(%arg0: i32) -> (i32, i32) {
    %c0_i32 = arith.constant 0 : i32
    %c0_i32_0 = arith.constant 0 : i32
    %c0_i32_1 = arith.constant 0 : i32
    return %c0_i32, %c0_i32_0 : i32, i32
  }
  func.func @transform_3(%arg0: i32) -> (i32, i32) {
    %c0_i32 = arith.constant 0 : i32
    %c0_i32_0 = arith.constant 0 : i32
    %c0_i32_1 = arith.constant 0 : i32
    return %c0_i32, %c0_i32_0 : i32, i32
  }
  func.func @transform_4(%arg0: i32) -> (i32, i32) {
    %c0_i32 = arith.constant 0 : i32
    %c0_i32_0 = arith.constant 0 : i32
    %c0_i32_1 = arith.constant 0 : i32
    return %c0_i32, %c0_i32_0 : i32, i32
  }
}

</mosaic_0001>

<sc_bundles>
// kernel: kernel.5.cloned.1.call-start
scs
__scs_entry_jumppad:
0x0: {  	(pc) =	sbr.rel $0x88, $3  }
0x1: {  	(tag) =	ssettag $0x0;
	lr =	simm.s32 $0x1  }
0x2: {  	[smem:$0x3F9D] =	sst lr;
	_ =	strace $0xD0000000  }
0x3: {  	_ = 	snop  }
0x4: {  	_ = 	snop  }
0x5: {  	_ = 	snop  }
0x6: {  	_ = 	snop  }
0x7: {  	_ = 	snop  }
__scs_overlays_trampoline_lowered:
0x8: {  	[smem:$0x3FAC] =	sst s0  }
0x9: {  	[smem:$0x3FAD] =	sst s1  }
0xa: {  	[smem:$0x3FAE] =	sst s2  }
0xb: {  	[smem:$0x3FAF] =	sst s3  }
0xc: {  	[smem:$0x3FB0] =	sst s4  }
0xd: {  	[smem:$0x3FB1] =	sst s5  }
0xe: {  	[smem:$0x3FB2] =	sst s6  }
0xf: {  	[smem:$0x3FB3] =	sst s7  }
0x10: {  	[smem:$0x3FB4] =	sst s8  }
0x11: {  	[smem:$0x3FB5] =	sst s9;
	s0 =	simm.s32 @!p0 $0x0  }
0x12: {  	s1 =	sld [smem:$0x3F9B];
	s0 =	simm.s32 @p0 $0x1  }
0x13: {  	[smem:$0x3FB6] =	sst s0;
	s0 =	simm.s32 @!p1 $0x0  }
0x14: {  	s2 =	sld [smem:$0x3F9A];
	s0 =	simm.s32 @p1 $0x1  }
0x15: {  	[smem:$0x3FB7] =	sst s0;
	s0 =	simm.s32 @!p2 $0x0  }
0x16: {  	s3 =	sld [smem:$0x3FDB];
	s0 =	simm.s32 @p2 $0x1  }
0x17: {  	s4 =	simm.s32 $0x1BF5;
	[smem:$0x3FB9] =	sst s0  }
0x18: {  	s0 =	sld [smem:$0x3F9C];
	_ =	swait.ge [sflag:s4], $0x0  }
0x19: {  	s7 =	sld [smem:$0x3F9D]  }
0x1a: {  	s8 =	sadd.s32 $0xFFFFE003, lr  }
0x1b: {  	s9 =	sadd.s32 $0xFFFFFEF7, lr;
	s5 =	simm.s32 $0xFFFFFFFF;
	p2 =	slt.u32 s8, $0xFFFFF086  }
0x1c: {  	p1 =	slt.u32 s9, $0xF7A;
	s5 =	simm.s32 @!p2 $0x0  }
0x1d: {  	s5 =	simm.s32 @p1 $0x1;
	p0 =	seq.s32 s7, s2  }
0x1e: {  	s7 =	smul.u32 @!p0 $0xF7A, s2;
	p2 =	seq.s32 @!p0 s5, $0x0  }
0x1f: {  	s9 =	smul.u32 $0xF7A, s1;
	s8 =	simm.s32 @!p0 $0x1BF5;
	p2 =	por !p2, p0  }
0x20: {  	[sflag:s8] =	ssyncset.s32 @!p0 $0xFFFFF086;
	s6 =	sadd.s32 @!p0 s3, s7;
	s7 =	simm.s32 @!p0 $0x108  }
0x21: {  	s3 =	sadd.s32 s3, s9;
	s6 =	sadd.s32 @!p0 $0x88, s6;
	s7 =	simm.s32 @p2 $0x1082  }
0x22: {  	[simem:s7], [sflag:s8] =	dma.local @!p0 [hbm:s6], $0xF7A  }
0x23: {  	s9 =	sor.u32 $0xD0000000, s2;
	s6 =	simm.s32 $0x108;
	_ =	swait.ge @!p0 [sflag:s8], $0x0  }
0x24: {  	s3 =	sadd.s32 $0x88, s3;
	s6 =	simm.s32 @!p1 $0x1082;
	[sflag:s4] =	ssyncset.s32 $0xFFFFF086  }
0x25: {  	[simem:s6], [sflag:s4] =	dma.local [hbm:s3], $0xF7A  }
0x26: {  	[smem:$0x3F9D] =	sst s1;
	(tag) =	ssettag s2;
	_ =	strace s9  }
0x27: {  	s1 =	sld [smem:$0x3FAD]  }
0x28: {  	s2 =	sld [smem:$0x3FAE]  }
0x29: {  	s4 =	sld [smem:$0x3FB0]  }
0x2a: {  	p0 =	seq.s32 s5, $0x0;
	s5 =	sld [smem:$0x3FB1]  }
0x2b: {  	s6 =	sld [smem:$0x3FB2]  }
0x2c: {  	s7 =	sld [smem:$0x3FB3]  }
0x2d: {  	s3 =	simm.s32 $0x108;
	s8 =	sld [smem:$0x3FB4]  }
0x2e: {  	s3 =	simm.s32 @!p0 $0x1082;
	s9 =	sld [smem:$0x3FB5]  }
0x2f: {  	lr =	sadd.s32 s0, s3;
	s0 =	sld [smem:$0x3FAC]  }
0x30: {  	s3 =	sld [smem:$0x3FAF]  }
0x31: {  	[smem:$0x3FB8] =	sst s10  }
0x32: {  	s10 =	sld [smem:$0x3FB6];
	_ =	sdelay $0x3  }
0x33: {  	p0 =	seq.s32 s10, $0x1;
	s10 =	sld [smem:$0x3FB8];
	_ =	sdelay $0x3  }
0x34: {  	[smem:$0x3FB8] =	sst s10  }
0x35: {  	s10 =	sld [smem:$0x3FB7];
	_ =	sdelay $0x3  }
0x36: {  	p1 =	seq.s32 s10, $0x1;
	s10 =	sld [smem:$0x3FB8];
	_ =	sdelay $0x3  }
0x37: {  	[smem:$0x3FB8] =	sst s10  }
0x38: {  	s10 =	sld [smem:$0x3FB9]  }
0x39: {  	_ = 	snop;
	(pc) =	sbr.ind lr, $3  }
0x3a: {  	_ = 	snop  }
0x3b: {  	_ = 	snop  }
0x3c: {  	p2 =	seq.s32 s10, $0x1;
	s10 =	sld [smem:$0x3FB8]  }
0x3d: {  	_ =	shalt  }
0x3e: {  	_ =	shalt  }
0x3f: {  	_ =	shalt  }
0x40: {  	_ =	shalt  }
0x41: {  	_ =	shalt  }
0x42: {  	_ =	shalt  }
0x43: {  	_ =	shalt  }
0x44: {  	_ =	shalt  }
0x45: {  	_ =	shalt  }
0x46: {  	_ =	shalt  }
0x47: {  	_ =	shalt  }
0x48: {  	_ =	shalt  }
0x49: {  	_ =	shalt  }
0x4a: {  	_ =	shalt  }
0x4b: {  	_ =	shalt  }
0x4c: {  	_ =	shalt  }
0x4d: {  	_ =	shalt  }
0x4e: {  	_ =	shalt  }
0x4f: {  	_ =	shalt  }
0x50: {  	_ =	shalt  }
0x51: {  	_ =	shalt  }
0x52: {  	_ =	shalt  }
0x53: {  	_ =	shalt  }
0x54: {  	_ =	shalt  }
0x55: {  	_ =	shalt  }
0x56: {  	_ =	shalt  }
0x57: {  	_ =	shalt  }
0x58: {  	_ =	shalt  }
0x59: {  	_ =	shalt  }
0x5a: {  	_ =	shalt  }
0x5b: {  	_ =	shalt  }
0x5c: {  	_ =	shalt  }
0x5d: {  	_ =	shalt  }
0x5e: {  	_ =	shalt  }
0x5f: {  	_ =	shalt  }
0x60: {  	_ =	shalt  }
0x61: {  	_ =	shalt  }
0x62: {  	_ =	shalt  }
0x63: {  	_ =	shalt  }
0x64: {  	_ =	shalt  }
0x65: {  	_ =	shalt  }
0x66: {  	_ =	shalt  }
0x67: {  	_ =	shalt  }
0x68: {  	_ =	shalt  }
0x69: {  	_ =	shalt  }
0x6a: {  	_ =	shalt  }
0x6b: {  	_ =	shalt  }
0x6c: {  	_ =	shalt  }
0x6d: {  	_ =	shalt  }
0x6e: {  	_ =	shalt  }
0x6f: {  	_ =	shalt  }
0x70: {  	_ =	shalt  }
0x71: {  	_ =	shalt  }
0x72: {  	_ =	shalt  }
0x73: {  	_ =	shalt  }
0x74: {  	_ =	shalt  }
0x75: {  	_ =	shalt  }
0x76: {  	_ =	shalt  }
0x77: {  	_ =	shalt  }
0x78: {  	_ =	shalt  }
0x79: {  	_ =	shalt  }
0x7a: {  	_ =	shalt  }
0x7b: {  	_ =	shalt  }
0x7c: {  	_ =	shalt  }
0x7d: {  	_ =	shalt  }
0x7e: {  	_ =	shalt  }
0x7f: {  	_ =	shalt  }
0x80: {  	_ =	shalt  }
0x81: {  	_ =	shalt  }
0x82: {  	_ =	shalt  }
0x83: {  	_ =	shalt  }
0x84: {  	_ =	shalt  }
0x85: {  	_ =	shalt  }
0x86: {  	_ =	shalt  }
0x87: {  	_ =	shalt  }
.Lfunc_end0:
.L_simem_size_0:
called_computation_lowered:
.L_overlay_start_0:
0x88: {  	s2 =	sld [smem:$0x3FD9]  }
0x89: {  	s3 =	sld [smem:$0x3FFE];
	_ =	sdelay $0x1  }
0x8a: {  	s1 =	srdreg.scid  }
0x8b: {  	s0 =	sand.u32 $0x1, s1  }
0x8c: {  	s14 =	sshll.u32 s0, $0xA;
	s2 =	sadd.s32 s3, s2  }
0x8d: {  	s2 =	sadd.s32 s2, s14  }
0x8e: {  	[smem:$0x3FC4] =	sst s2  }
0x8f: {  	_ = 	snop  }
0x90: {  	s2 =	sld [smem:$0x3FD0];
	_ =	sdelay $0x2  }
0x91: {  	s15 =	simm.s32 $0xA;
	s4 =	simm.s32 $0x10  }
0x92: {  	[smem:s4], [sflag:s15] =	dma.local [hbm:s2], $0x1  }
0x93: {  	_ =	swait.eq [sflag:s15], $0x1  }
0x94: {  	[sflag:s15] =	ssyncset.done $0x0  }
0x95: {  	[sflag:s15] =	ssyncadd.s32 $0xFFFFFFFF  }
0x96: {  	s16 =	sld [smem:$0x10];
	(tm) =	ssettm $0x1  }
0x97: {  	s17 =	sld [smem:$0x3FFB];
	_ =	sdelay $0x3  }
0x98: {  	_ =	strace s17  }
0x99: {  	s3 =	sld [smem:$0x3FFC];
	_ =	sdelay $0x3  }
0x9a: {  	_ =	strace s3  }
0x9b: {  	s3 =	sld [smem:$0x3FFD];
	_ =	sdelay $0x3  }
0x9c: {  	_ =	strace s3  }
0x9d: {  	_ =	strace $0x8FFFFFFF  }
0x9e: {  	s18 =	sld [smem:$0x3FDB];
	_ =	sdelay $0x1  }
0x9f: {  	s19 =	simm.s32 $_scs_section_size  }
0xa0: {  	s5 =	simm.s32 $_size__tile_overlayer_lowered;
	s6 =	simm.s32 $_tile_overlayer_lowered  }
0xa1: {  	s22 =	simm.s32 $0x1BFF;
	s21 =	sshll.u32 s6, $0x1;
	s3 =	sadd.s32 s19, s18  }
0xa2: {  	s7 =	simm.s32 $0x0;
	s20 =	sshll.u32 s5, $0x1;
	s5 =	sadd.s32 s21, s3  }
0xa3: {  	[timem:s7], [sflag:s22] =	dma.local [hbm:s5], s20  }
0xa4: {  	_ =	swait.ge [sflag:s22], s20  }
0xa5: {  	s4 =	ssub.s32 $0x0, s20;
	[sflag:s22] =	ssyncset.done $0x0  }
0xa6: {  	[sflag:s22] =	ssyncadd.s32 s4;
	_ =	sdelay $0x1  }
0xa7: {  	s23 =	simm.s32 $0x1B8B  }
0xa8: {  	_ =	swait.ge [sflag:s23], $0x1  }
0xa9: {  	[sflag:s23] =	ssyncset.done $0x0  }
0xaa: {  	s25 =	simm.s32 $0x1B8E;
	s24 =	sld [smem:$0x3FFE];
	[sflag:s23] =	ssyncadd.s32 $0xFFFFFFFF  }
0xab: {  	s26 =	simm.s32 $execute0_lowered;
	[smem:$0x3FD2] =	sst s25  }
0xac: {  	s5 =	sshll.u32 s26, $0x1;
	_ =	strace $0x80000046;
	[dreg:$0x1] =	wrdreg $0xFFFFFFFF  }
0xad: {  	s28 =	simm.s32 $_size_execute0_lowered;
	s3 =	sadd.s32 s3, s5;
	[dreg:$0x0] =	wrdreg $0x0  }
0xae: {  	s5 =	sshll.u32 s28, $0x1;
	[dreg:$0x2] =	wrdreg s3  }
0xaf: {  	[dreg:$0x3] =	wrdreg s5  }
0xb0: {  	[dreg:$0x4] =	wrdreg $0xC0  }
0xb1: {  	_ =	task [dreg:s7], $0x5FFFF  }
0xb2: {  	[dreg:$0x1] =	wrdreg $0xFFFFFFFF  }
0xb3: {  	[dreg:$0x0] =	wrdreg $0x60  }
0xb4: {  	[dreg:$0x2] =	wrdreg s24  }
0xb5: {  	[dreg:$0x3] =	wrdreg s16  }
0xb6: {  	[dreg:$0x4] =	wrdreg $0x9  }
0xb7: {  	_ =	task.clear_ibuf [dreg:s7], $0x5FFFF;
	_ =	strace $0x90000046  }
0xb8: {  	s29 =	simm.s32 $0x9;
	_ =	strace $0x80000048  }
0xb9: {  	_ =	swait.ge [sflag:s29], $0x1  }
0xba: {  	[sflag:s29] =	ssyncadd.s32 $0xFFFFFFFF  }
0xbb: {  	_ =	strace $0x90000048  }
0xbc: {  	_ =	sfence  }
0xbd: {  	s30 =	sld [smem:$0x0];
	_ =	sdelay $0x2  }
0xbe: {  	s31 =	sshll.u32 s1, $0xD;
	s1 =	sshrl.u32 s1, $0x2  }
0xbf: {  	s3 =	sand.u32 $0x4000, s31;
	s1 =	sadd.s32 s1, s30  }
0xc0: {  	s0 =	sor.u32 s3, s0;
	s1 =	sshll.u32 s1, $0x11  }
0xc1: {  	s0 =	sor.u32 s1, s0  }
0xc2: {  	s0 =	sadd.s32 $0x8F2B, s0  }
0xc3: {  	[sflag:s0] =	ssyncadd.remote.s32 $0x1  }
0xc4: {  	_ =	sfence.sel $0xFFFF  }
0xc5: {  	[dreg:$0x0] =	wrdreg $0xFFFFFFFF;
	(pc) =	sbr.abs _section_cstart, $3  }
0xc6: {  	[dreg:$0x1] =	wrdreg $0xFFFFFFFF  }
0xc7: {  	_ =	task.clear_ibuf [dreg:s7], $0x2FFFF;
	_ =	strace $0x9FFFFFFF  }
0xc8: {  	(tm) =	ssettm $0x7FFFFFFF  }
0xc9: {  	_ =	shalt  }
tec
execute0_lowered:
.L_overlay_start_1:
0x0: {  	(tag) =	ssettag $0x1  }
0x1: {  	s4 =	rddreg [dreg:$0x0]  }
0x2: {  	s5 =	rddreg [dreg:$0x1]  }
0x3: {  	s0 =	rddreg [dreg:$0x2];
	s2 =	simm.s32 $0x0;
	s3 =	srdreg.scid  }
0x4: {  	s1 =	stileid.u32;
	s11 =	simm.s32 $0x2;
	s12 =	simm.s32 $0x0  }
0x5: {  	[smem:$0x7FF] =	sst s2;
	s3 =	sand.u32 $0x1, s3;
	s6 =	sshll.u32 s1, $0x9  }
0x6: {  	v0 =	vimm.s32 $0x0;
	v1 =	vlaneseq.u32;
	s30 =	sand.u32 $0x3, s1;
	_ =	strace $0x80000047;
	s7 =	ssub.s32 $0x2, s3  }
0x7: {  	v5 =	vimm.s32 $0x1;
	v6 =	vimm.s32 $0x2;
	v7 =	vimm.s32 $0x3;
	s8 =	sshll.u32 s3, $0xD;
	s6 =	sand.u32 $0x1800, s6;
	s3 =	sadd.s32 $0x800, s4  }
.Ltmp0:
0x8: {  	v8 =	vimm.s32 $0x4;
	v9 =	vimm.s32 $0x5;
	v10 =	vimm.s32 $0x6;
	s10 =	sshll.u32 s30, $0x6;
	s9 =	sshrl.u32 s7, $0x1;
	(pc) =	sbr.rel .LBB2_1-.Ltmp0, $4  }
0x9: {  	v11 =	vimm.s32 $0x7;
	v12 =	vimm.s32 $0x8;
	v13 =	vimm.s32 $0x9;
	s6 =	sor.u32 s8, s6;
	s8 =	sshll.u32 s30, $0x3;
	s7 =	ssub.s32 s7, s9  }
0xa: {  	v14 =	vimm.s32 $0xA;
	v15 =	vimm.s32 $0xB;
	v16 =	vimm.s32 $0xC;
	s31 =	sshrl.u32 s6, $0x3;
	s6 =	sshll.u32 s6, $0x8;
	s5 =	sadd.s32 s5, s8  }
0xb: {  	v17 =	vimm.s32 $0xD;
	v18 =	vimm.s32 $0xE;
	v19 =	vimm.s32 $0xF;
	s8 =	simm.s32 $0x3;
	s9 =	simm.s32 $0x800;
	s4 =	sadd.s32 s4, s31  }
0xc: {  	v2 =	vor.u32 $0x10, v1;
	v3 =	vor.u32 $0x20, v1;
	v4 =	vor.u32 $0x30, v1;
	s6 =	sor.u32 s10, s6;
	s7 =	smax.u32 s7, $0x1;
	s10 =	simm.s32 $0x1  }
.LBB2_16:
0xd: {  	s12 =	sadd.s32 $0x1, s12  }
0xe: {  	_ =	swait.ge [sflag:s10], $0x4000;
	p0 =	sne.s32 s12, s7  }
.Ltmp1:
0xf: {  	[sflag:s10] =	ssyncset.done $0x0;
	(pc) =	sbr.rel @!p0 .LBB2_17-.Ltmp1, $4  }
0x10: {  	[sflag:s10] =	ssyncadd.s32 $0xFFFFC000  }
0x11: {  	_ =	swait.ge [sflag:s11], $0x4000  }
0x12: {  	[sflag:s11] =	ssyncset.done $0x0  }
0x13: {  	[sflag:s11] =	ssyncadd.s32 $0xFFFFC000  }
.LBB2_1:
0x14: {  	[tilespmem:s2], [sflag:$0x3] =	stream.linear.gather [hbm4b:s4+s2], $0x800, $0x38;
	[tilespmem:$0x1B800] =	vst v63  }
0x15: {  	_ =	swait.ge [sflag:s8], $0x800  }
0x16: {  	s13 =	simm.s32 $0x20;
	s16 =	sadd.s32 $0x0, s5;
	[sflag:s8] =	ssyncset.done $0x0  }
0x17: {  	s14 =	simm.s32 $0x848;
	s15 =	simm.s32 $0x800;
	[sflag:s8] =	ssyncadd.s32 $0xFFFFF800  }
.LBB2_2:
0x18: {  	[tilespmem:s15], [sflag:$0x3] =	stream.linear.gather [hbm4b:s16+s2], $0x40, $0x38;
	[tilespmem:$0x1B800] =	vst v63  }
0x19: {  	s16 =	smov.u32 s13;
	s15 =	smov.u32 s14;
	p0 =	sne.s32 s13, $0x7FE0  }
.Ltmp2:
0x1a: {  	s13 =	sadd.s32 $0x20, s13;
	(pc) =	sbr.rel @p0 .LBB2_2-.Ltmp2, $2  }
0x1b: {  	_ =	sdelay $0x2  }
0x1c: {  	s14 =	sadd.s32 $0x48, s14;
	s16 =	sadd.s32 s16, s5  }
.Ltmp3:
0x1d: {  	(pc) =	sbr.rel .LBB2_4-.Ltmp3, $4  }
0x1e: {  	[tilespmem:s15], [sflag:$0x3] =	stream.linear.gather [hbm4b:s16+s2], $0x40, $0x38;
	[tilespmem:$0x1B800] =	vst v63  }
0x1f: {  	_ =	swait.ge [sflag:s8], $0x10000  }
0x20: {  	[sflag:s8] =	ssyncset.done $0x0  }
0x21: {  	s13 =	simm.s32 $0x0;
	s14 =	simm.s32 $0x0;
	[sflag:s8] =	ssyncadd.s32 $0xFFFF0000  }
.LBB2_9:
0x22: {  	[hbm4b:s19+s2] =	stream.linear.scatter [tilespmem:s16], [sflag:$0x1], $0x40, $0x38;
	[tilespmem:$0x1B800] =	vst v63  }
.LBB2_15:
0x23: {  	s14 =	sadd.s32 $0x1, s14  }
0x24: {  	p0 =	sne.s32 s14, $0x8  }
.Ltmp4:
0x25: {  	_ = 	snop;
	(pc) =	sbr.rel @!p0 .LBB2_16-.Ltmp4, $2  }
0x26: {  	_ =	sdelay $0x2  }
0x27: {  	s13 =	sadd.s32 $0x100, s13  }
.LBB2_4:
0x28: {  	s15 =	sand.u32 $0x1, s14  }
0x29: {  	p1 =	seq.s32 s15, $0x1  }
.Ltmp5:
0x2a: {  	_ = 	snop;
	(pc) =	sbr.rel @!p1 .LBB2_5-.Ltmp5, $2  }
0x2b: {  	_ =	sdelay $0x2  }
0x2c: {  	p0 =	slt.u32 s14, $0x2  }
0x2d: {  	s15 =	simm.s32 @!p0 $0x2;
	v20 =	vmov s13  }
0x2e: {  	_ =	swait.ge @!p0 [sflag:s15], $0x4000  }
0x2f: {  	[sflag:s15] =	ssyncset.done @!p0 $0x0  }
0x30: {  	s16 =	simm.s32 $0x17240;
	[sflag:s15] =	ssyncadd.s32 @!p0 $0xFFFFC000;
	s15 =	simm.s32 $0x0  }
.LBB2_11:
0x31: {  	s17 =	sshra.s32 s15, $0x2  }
0x32: {  	v21 =	vld.idx.msk [tilespmem:v20+s17+$0x0 ss:$0x1], $0xffff;
	_ =	sdelay $0x4  }
0x33: {  	v22 =	vperm.xlane v21, v0;
	_ =	sdelay $0x1  }
0x34: {  	v22 =	vmul.u32 $0x48, v22;
	_ =	sdelay $0x1  }
0x35: {  	v23 =	vadd.s32 v1, v22  }
0x36: {  	v24 =	vadd.s32 v2, v22  }
0x37: {  	v25 =	vadd.s32 v3, v22  }
0x38: {  	v22 =	vadd.s32 v4, v22;
	_ =	sdelay $0x1  }
0x39: {  	v26 =	vperm.xlane v21, v5;
	v23 =	vld.idx.msk [tilespmem:v23+s9+$0x0], $0xffff  }
0x3a: {  	v24 =	vld.idx.msk [tilespmem:v24+s9+$0x0], $0xffff  }
0x3b: {  	v26 =	vmul.u32 $0x48, v26;
	v25 =	vld.idx.msk [tilespmem:v25+s9+$0x0], $0xffff  }
0x3c: {  	v22 =	vld.idx.msk [tilespmem:v22+s9+$0x0], $0xffff  }
0x3d: {  	v27 =	vadd.s32 v1, v26  }
0x3e: {  	[tilespmem:s16+$0xFFFFFDC0] =	vst v23;
	v23 =	vadd.s32 v2, v26  }
0x3f: {  	v50 =	vadd.s32 v3, v26;
	[tilespmem:s16+$0xFFFFFDD0] =	vst v24  }
0x40: {  	v51 =	vadd.s32 v4, v26;
	[tilespmem:s16+$0xFFFFFDE0] =	vst v25  }
0x41: {  	[tilespmem:s16+$0xFFFFFDF0] =	vst v22  }
0x42: {  	v52 =	vperm.xlane v21, v6;
	v22 =	vld.idx.msk [tilespmem:v27+s9+$0x0], $0xffff  }
0x43: {  	v23 =	vld.idx.msk [tilespmem:v23+s9+$0x0], $0xffff  }
0x44: {  	v26 =	vmul.u32 $0x48, v52;
	v24 =	vld.idx.msk [tilespmem:v50+s9+$0x0], $0xffff  }
0x45: {  	v25 =	vld.idx.msk [tilespmem:v51+s9+$0x0], $0xffff  }
0x46: {  	v53 =	vadd.s32 v1, v26  }
0x47: {  	[tilespmem:s16+$0xFFFFFE08] =	vst v22;
	v22 =	vadd.s32 v2, v26  }
0x48: {  	[tilespmem:s16+$0xFFFFFE18] =	vst v23;
	v23 =	vadd.s32 v3, v26  }
0x49: {  	v54 =	vadd.s32 v4, v26;
	[tilespmem:s16+$0xFFFFFE28] =	vst v24  }
0x4a: {  	[tilespmem:s16+$0xFFFFFE38] =	vst v25  }
0x4b: {  	v55 =	vperm.xlane v21, v7;
	v25 =	vld.idx.msk [tilespmem:v53+s9+$0x0], $0xffff  }
0x4c: {  	v22 =	vld.idx.msk [tilespmem:v22+s9+$0x0], $0xffff  }
0x4d: {  	v26 =	vmul.u32 $0x48, v55;
	v23 =	vld.idx.msk [tilespmem:v23+s9+$0x0], $0xffff  }
0x4e: {  	v24 =	vld.idx.msk [tilespmem:v54+s9+$0x0], $0xffff  }
0x4f: {  	v56 =	vadd.s32 v1, v26  }
0x50: {  	v57 =	vadd.s32 v2, v26;
	[tilespmem:s16+$0xFFFFFE50] =	vst v25  }
0x51: {  	[tilespmem:s16+$0xFFFFFE60] =	vst v22;
	v22 =	vadd.s32 v3, v26  }
0x52: {  	[tilespmem:s16+$0xFFFFFE70] =	vst v23;
	v23 =	vadd.s32 v4, v26  }
0x53: {  	[tilespmem:s16+$0xFFFFFE80] =	vst v24  }
0x54: {  	v58 =	vperm.xlane v21, v8;
	v24 =	vld.idx.msk [tilespmem:v56+s9+$0x0], $0xffff  }
0x55: {  	v25 =	vld.idx.msk [tilespmem:v57+s9+$0x0], $0xffff  }
0x56: {  	v26 =	vmul.u32 $0x48, v58;
	v22 =	vld.idx.msk [tilespmem:v22+s9+$0x0], $0xffff  }
0x57: {  	v23 =	vld.idx.msk [tilespmem:v23+s9+$0x0], $0xffff  }
0x58: {  	v59 =	vadd.s32 v1, v26  }
0x59: {  	v60 =	vadd.s32 v2, v26;
	[tilespmem:s16+$0xFFFFFE98] =	vst v24  }
0x5a: {  	v61 =	vadd.s32 v3, v26;
	[tilespmem:s16+$0xFFFFFEA8] =	vst v25  }
0x5b: {  	[tilespmem:s16+$0xFFFFFEB8] =	vst v22;
	v22 =	vadd.s32 v4, v26  }
0x5c: {  	[tilespmem:s16+$0xFFFFFEC8] =	vst v23  }
0x5d: {  	v62 =	vperm.xlane v21, v9;
	v23 =	vld.idx.msk [tilespmem:v59+s9+$0x0], $0xffff  }
0x5e: {  	v24 =	vld.idx.msk [tilespmem:v60+s9+$0x0], $0xffff  }
0x5f: {  	v26 =	vmul.u32 $0x48, v62;
	v25 =	vld.idx.msk [tilespmem:v61+s9+$0x0], $0xffff  }
0x60: {  	v22 =	vld.idx.msk [tilespmem:v22+s9+$0x0], $0xffff  }
0x61: {  	v63 =	vadd.s32 v1, v26  }
0x62: {  	[tilespmem:s16+$0xFFFFFEE0] =	vst v23;
	v23 =	vadd.s32 v2, v26  }
0x63: {  	v29 =	vadd.s32 v3, v26;
	[tilespmem:s16+$0xFFFFFEF0] =	vst v24  }
0x64: {  	v30 =	vadd.s32 v4, v26;
	[tilespmem:s16+$0xFFFFFF00] =	vst v25  }
0x65: {  	[tilespmem:s16+$0xFFFFFF10] =	vst v22  }
0x66: {  	v31 =	vperm.xlane v21, v10;
	v22 =	vld.idx.msk [tilespmem:v63+s9+$0x0], $0xffff  }
0x67: {  	v23 =	vld.idx.msk [tilespmem:v23+s9+$0x0], $0xffff  }
0x68: {  	v26 =	vmul.u32 $0x48, v31;
	v24 =	vld.idx.msk [tilespmem:v29+s9+$0x0], $0xffff  }
0x69: {  	v25 =	vld.idx.msk [tilespmem:v30+s9+$0x0], $0xffff  }
0x6a: {  	v32 =	vadd.s32 v1, v26  }
0x6b: {  	[tilespmem:s16+$0xFFFFFF28] =	vst v22;
	v22 =	vadd.s32 v2, v26  }
0x6c: {  	[tilespmem:s16+$0xFFFFFF38] =	vst v23;
	v23 =	vadd.s32 v3, v26  }
0x6d: {  	v33 =	vadd.s32 v4, v26;
	[tilespmem:s16+$0xFFFFFF48] =	vst v24  }
0x6e: {  	[tilespmem:s16+$0xFFFFFF58] =	vst v25  }
0x6f: {  	v34 =	vperm.xlane v21, v11;
	v25 =	vld.idx.msk [tilespmem:v32+s9+$0x0], $0xffff  }
0x70: {  	v22 =	vld.idx.msk [tilespmem:v22+s9+$0x0], $0xffff  }
0x71: {  	v26 =	vmul.u32 $0x48, v34;
	v23 =	vld.idx.msk [tilespmem:v23+s9+$0x0], $0xffff  }
0x72: {  	v24 =	vld.idx.msk [tilespmem:v33+s9+$0x0], $0xffff  }
0x73: {  	v35 =	vadd.s32 v1, v26  }
0x74: {  	v36 =	vadd.s32 v2, v26;
	[tilespmem:s16+$0xFFFFFF70] =	vst v25  }
0x75: {  	[tilespmem:s16+$0xFFFFFF80] =	vst v22;
	v22 =	vadd.s32 v3, v26  }
0x76: {  	[tilespmem:s16+$0xFFFFFF90] =	vst v23;
	v23 =	vadd.s32 v4, v26  }
0x77: {  	[tilespmem:s16+$0xFFFFFFA0] =	vst v24  }
0x78: {  	v37 =	vperm.xlane v21, v12;
	v24 =	vld.idx.msk [tilespmem:v35+s9+$0x0], $0xffff  }
0x79: {  	v25 =	vld.idx.msk [tilespmem:v36+s9+$0x0], $0xffff  }
0x7a: {  	v26 =	vmul.u32 $0x48, v37;
	v22 =	vld.idx.msk [tilespmem:v22+s9+$0x0], $0xffff  }
0x7b: {  	v23 =	vld.idx.msk [tilespmem:v23+s9+$0x0], $0xffff  }
0x7c: {  	v38 =	vadd.s32 v1, v26  }
0x7d: {  	v39 =	vadd.s32 v2, v26;
	[tilespmem:s16+$0xFFFFFFB8] =	vst v24  }
0x7e: {  	v40 =	vadd.s32 v3, v26;
	[tilespmem:s16+$0xFFFFFFC8] =	vst v25  }
0x7f: {  	[tilespmem:s16+$0xFFFFFFD8] =	vst v22;
	v22 =	vadd.s32 v4, v26  }
0x80: {  	[tilespmem:s16+$0xFFFFFFE8] =	vst v23  }
0x81: {  	v41 =	vperm.xlane v21, v13;
	v23 =	vld.idx.msk [tilespmem:v38+s9+$0x0], $0xffff  }
0x82: {  	v24 =	vld.idx.msk [tilespmem:v39+s9+$0x0], $0xffff  }
0x83: {  	v26 =	vmul.u32 $0x48, v41;
	v25 =	vld.idx.msk [tilespmem:v40+s9+$0x0], $0xffff  }
0x84: {  	v22 =	vld.idx.msk [tilespmem:v22+s9+$0x0], $0xffff  }
0x85: {  	v42 =	vadd.s32 v1, v26  }
0x86: {  	[tilespmem:s16+$0x0] =	vst v23;
	v23 =	vadd.s32 v2, v26  }
0x87: {  	v43 =	vadd.s32 v3, v26;
	[tilespmem:s16+$0x10] =	vst v24  }
0x88: {  	v44 =	vadd.s32 v4, v26;
	[tilespmem:s16+$0x20] =	vst v25  }
0x89: {  	[tilespmem:s16+$0x30] =	vst v22  }
0x8a: {  	v45 =	vperm.xlane v21, v14;
	v22 =	vld.idx.msk [tilespmem:v42+s9+$0x0], $0xffff  }
0x8b: {  	v23 =	vld.idx.msk [tilespmem:v23+s9+$0x0], $0xffff  }
0x8c: {  	v26 =	vmul.u32 $0x48, v45;
	v24 =	vld.idx.msk [tilespmem:v43+s9+$0x0], $0xffff  }
0x8d: {  	v25 =	vld.idx.msk [tilespmem:v44+s9+$0x0], $0xffff  }
0x8e: {  	v46 =	vadd.s32 v1, v26  }
0x8f: {  	[tilespmem:s16+$0x48] =	vst v22;
	v22 =	vadd.s32 v2, v26  }
0x90: {  	[tilespmem:s16+$0x58] =	vst v23;
	v23 =	vadd.s32 v3, v26  }
0x91: {  	v47 =	vadd.s32 v4, v26;
	[tilespmem:s16+$0x68] =	vst v24  }
0x92: {  	[tilespmem:s16+$0x78] =	vst v25  }
0x93: {  	v48 =	vperm.xlane v21, v15;
	v25 =	vld.idx.msk [tilespmem:v46+s9+$0x0], $0xffff  }
0x94: {  	v22 =	vld.idx.msk [tilespmem:v22+s9+$0x0], $0xffff  }
0x95: {  	v26 =	vmul.u32 $0x48, v48;
	v23 =	vld.idx.msk [tilespmem:v23+s9+$0x0], $0xffff  }
0x96: {  	v24 =	vld.idx.msk [tilespmem:v47+s9+$0x0], $0xffff  }
0x97: {  	v49 =	vadd.s32 v1, v26  }
0x98: {  	v50 =	vadd.s32 v2, v26;
	[tilespmem:s16+$0x90] =	vst v25  }
0x99: {  	[tilespmem:s16+$0xA0] =	vst v22;
	v22 =	vadd.s32 v3, v26  }
0x9a: {  	[tilespmem:s16+$0xB0] =	vst v23;
	v23 =	vadd.s32 v4, v26  }
0x9b: {  	[tilespmem:s16+$0xC0] =	vst v24  }
0x9c: {  	v51 =	vperm.xlane v21, v16;
	v24 =	vld.idx.msk [tilespmem:v49+s9+$0x0], $0xffff  }
0x9d: {  	v25 =	vld.idx.msk [tilespmem:v50+s9+$0x0], $0xffff  }
0x9e: {  	v26 =	vmul.u32 $0x48, v51;
	v22 =	vld.idx.msk [tilespmem:v22+s9+$0x0], $0xffff  }
0x9f: {  	v23 =	vld.idx.msk [tilespmem:v23+s9+$0x0], $0xffff  }
0xa0: {  	v52 =	vadd.s32 v1, v26  }
0xa1: {  	v53 =	vadd.s32 v2, v26;
	[tilespmem:s16+$0xD8] =	vst v24  }
0xa2: {  	v54 =	vadd.s32 v3, v26;
	[tilespmem:s16+$0xE8] =	vst v25  }
0xa3: {  	[tilespmem:s16+$0xF8] =	vst v22;
	v22 =	vadd.s32 v4, v26  }
0xa4: {  	[tilespmem:s16+$0x108] =	vst v23  }
0xa5: {  	v55 =	vperm.xlane v21, v17;
	v23 =	vld.idx.msk [tilespmem:v52+s9+$0x0], $0xffff  }
0xa6: {  	v24 =	vld.idx.msk [tilespmem:v53+s9+$0x0], $0xffff  }
0xa7: {  	v26 =	vmul.u32 $0x48, v55;
	v25 =	vld.idx.msk [tilespmem:v54+s9+$0x0], $0xffff  }
0xa8: {  	v22 =	vld.idx.msk [tilespmem:v22+s9+$0x0], $0xffff  }
0xa9: {  	v56 =	vadd.s32 v1, v26  }
0xaa: {  	v57 =	vadd.s32 v3, v26;
	[tilespmem:s16+$0x120] =	vst v23  }
0xab: {  	v23 =	vadd.s32 v2, v26;
	[tilespmem:s16+$0x130] =	vst v24  }
0xac: {  	v58 =	vadd.s32 v4, v26;
	[tilespmem:s16+$0x140] =	vst v25  }
0xad: {  	[tilespmem:s16+$0x150] =	vst v22  }
0xae: {  	v59 =	vperm.xlane v21, v18;
	v22 =	vld.idx.msk [tilespmem:v56+s9+$0x0], $0xffff  }
0xaf: {  	v24 =	vld.idx.msk [tilespmem:v57+s9+$0x0], $0xffff  }
0xb0: {  	v26 =	vmul.u32 $0x48, v59;
	v23 =	vld.idx.msk [tilespmem:v23+s9+$0x0], $0xffff  }
0xb1: {  	v25 =	vld.idx.msk [tilespmem:v58+s9+$0x0], $0xffff  }
0xb2: {  	v60 =	vadd.s32 v1, v26  }
0xb3: {  	[tilespmem:s16+$0x168] =	vst v22;
	v22 =	vadd.s32 v2, v26  }
0xb4: {  	v61 =	vadd.s32 v4, v26;
	[tilespmem:s16+$0x188] =	vst v24  }
0xb5: {  	[tilespmem:s16+$0x178] =	vst v23;
	v23 =	vadd.s32 v3, v26  }
0xb6: {  	[tilespmem:s16+$0x198] =	vst v25  }
0xb7: {  	v21 =	vperm.xlane v21, v19;
	v25 =	vld.idx.msk [tilespmem:v60+s9+$0x0], $0xffff  }
0xb8: {  	v22 =	vld.idx.msk [tilespmem:v22+s9+$0x0], $0xffff  }
0xb9: {  	v21 =	vmul.u32 $0x48, v21;
	v24 =	vld.idx.msk [tilespmem:v61+s9+$0x0], $0xffff  }
0xba: {  	v23 =	vld.idx.msk [tilespmem:v23+s9+$0x0], $0xffff  }
0xbb: {  	v62 =	vadd.s32 v1, v21  }
0xbc: {  	v63 =	vadd.s32 v2, v21;
	[tilespmem:s16+$0x1B0] =	vst v25  }
0xbd: {  	[tilespmem:s16+$0x1C0] =	vst v22;
	v22 =	vadd.s32 v3, v21  }
0xbe: {  	v21 =	vadd.s32 v4, v21;
	[tilespmem:s16+$0x1E0] =	vst v24  }
0xbf: {  	[tilespmem:s16+$0x1D0] =	vst v23  }
0xc0: {  	v23 =	vld.idx.msk [tilespmem:v62+s9+$0x0], $0xffff  }
0xc1: {  	v24 =	vld.idx.msk [tilespmem:v63+s9+$0x0], $0xffff  }
0xc2: {  	v22 =	vld.idx.msk [tilespmem:v22+s9+$0x0], $0xffff  }
0xc3: {  	p0 =	sne.s32 s15, $0x3C0;
	v21 =	vld.idx.msk [tilespmem:v21+s9+$0x0], $0xffff  }
.Ltmp6:
0xc4: {  	_ = 	snop;
	(pc) =	sbr.rel @p0 .LBB2_11-.Ltmp6, $4  }
0xc5: {  	[tilespmem:s16+$0x1F8] =	vst v23  }
0xc6: {  	[tilespmem:s16+$0x208] =	vst v24  }
0xc7: {  	[tilespmem:s16+$0x218] =	vst v22  }
0xc8: {  	s15 =	sadd.s32 $0x40, s15;
	[tilespmem:s16+$0x228] =	vst v21;
	s16 =	sadd.s32 $0x480, s16  }
0xc9: {  	s15 =	sshll.u32 s14, $0x10  }
0xca: {  	s15 =	sadd.s32 s6, s15  }
0xcb: {  	s15 =	sshrl.u32 s15, $0x3  }
0xcc: {  	s16 =	simm.s32 $0x17000;
	s15 =	sadd.s32 s3, s15  }
0xcd: {  	s17 =	simm.s32 $0x20;
	s18 =	simm.s32 $0x17048;
	s19 =	sadd.s32 $0x0, s15  }
.LBB2_13:
0xce: {  	[hbm4b:s19+s2] =	stream.linear.scatter [tilespmem:s16], [sflag:$0x2], $0x40, $0x38;
	[tilespmem:$0x1B800] =	vst v63  }
0xcf: {  	s19 =	smov.u32 s17;
	s16 =	smov.u32 s18;
	p0 =	sne.s32 s17, $0x1FE0  }
.Ltmp7:
0xd0: {  	s17 =	sadd.s32 $0x20, s17;
	(pc) =	sbr.rel @p0 .LBB2_13-.Ltmp7, $2  }
0xd1: {  	_ =	sdelay $0x2  }
0xd2: {  	s18 =	sadd.s32 $0x48, s18;
	s19 =	sadd.s32 s19, s15  }
.Ltmp8:
0xd3: {  	(pc) =	sbr.rel .LBB2_15-.Ltmp8, $2  }
0xd4: {  	_ =	sdelay $0x2  }
0xd5: {  	[hbm4b:s19+s2] =	stream.linear.scatter [tilespmem:s16], [sflag:$0x2], $0x40, $0x38;
	[tilespmem:$0x1B800] =	vst v63  }
.LBB2_5:
0xd6: {  	s15 =	simm.s32 @!p0 $0x1;
	v20 =	vmov s13  }
0xd7: {  	_ =	swait.ge @!p0 [sflag:s15], $0x4000  }
0xd8: {  	[sflag:s15] =	ssyncset.done @!p0 $0x0  }
0xd9: {  	s16 =	simm.s32 $0x12A40;
	[sflag:s15] =	ssyncadd.s32 @!p0 $0xFFFFC000;
	s15 =	simm.s32 $0x0  }
.LBB2_6:
0xda: {  	s17 =	sshra.s32 s15, $0x2  }
0xdb: {  	v21 =	vld.idx.msk [tilespmem:v20+s17+$0x0 ss:$0x1], $0xffff;
	_ =	sdelay $0x4  }
0xdc: {  	v22 =	vperm.xlane v21, v0;
	_ =	sdelay $0x1  }
0xdd: {  	v22 =	vmul.u32 $0x48, v22;
	_ =	sdelay $0x1  }
0xde: {  	v23 =	vadd.s32 v1, v22  }
0xdf: {  	v24 =	vadd.s32 v2, v22  }
0xe0: {  	v25 =	vadd.s32 v3, v22  }
0xe1: {  	v22 =	vadd.s32 v4, v22;
	_ =	sdelay $0x1  }
0xe2: {  	v26 =	vperm.xlane v21, v5;
	v23 =	vld.idx.msk [tilespmem:v23+s9+$0x0], $0xffff  }
0xe3: {  	v24 =	vld.idx.msk [tilespmem:v24+s9+$0x0], $0xffff  }
0xe4: {  	v26 =	vmul.u32 $0x48, v26;
	v25 =	vld.idx.msk [tilespmem:v25+s9+$0x0], $0xffff  }
0xe5: {  	v22 =	vld.idx.msk [tilespmem:v22+s9+$0x0], $0xffff  }
0xe6: {  	v27 =	vadd.s32 v1, v26  }
0xe7: {  	[tilespmem:s16+$0xFFFFFDC0] =	vst v23;
	v23 =	vadd.s32 v2, v26  }
0xe8: {  	v50 =	vadd.s32 v3, v26;
	[tilespmem:s16+$0xFFFFFDD0] =	vst v24  }
0xe9: {  	v51 =	vadd.s32 v4, v26;
	[tilespmem:s16+$0xFFFFFDE0] =	vst v25  }
0xea: {  	[tilespmem:s16+$0xFFFFFDF0] =	vst v22  }
0xeb: {  	v52 =	vperm.xlane v21, v6;
	v22 =	vld.idx.msk [tilespmem:v27+s9+$0x0], $0xffff  }
0xec: {  	v23 =	vld.idx.msk [tilespmem:v23+s9+$0x0], $0xffff  }
0xed: {  	v26 =	vmul.u32 $0x48, v52;
	v24 =	vld.idx.msk [tilespmem:v50+s9+$0x0], $0xffff  }
0xee: {  	v25 =	vld.idx.msk [tilespmem:v51+s9+$0x0], $0xffff  }
0xef: {  	v53 =	vadd.s32 v1, v26  }
0xf0: {  	[tilespmem:s16+$0xFFFFFE08] =	vst v22;
	v22 =	vadd.s32 v2, v26  }
0xf1: {  	[tilespmem:s16+$0xFFFFFE18] =	vst v23;
	v23 =	vadd.s32 v3, v26  }
0xf2: {  	v54 =	vadd.s32 v4, v26;
	[tilespmem:s16+$0xFFFFFE28] =	vst v24  }
0xf3: {  	[tilespmem:s16+$0xFFFFFE38] =	vst v25  }
0xf4: {  	v55 =	vperm.xlane v21, v7;
	v25 =	vld.idx.msk [tilespmem:v53+s9+$0x0], $0xffff  }
0xf5: {  	v22 =	vld.idx.msk [tilespmem:v22+s9+$0x0], $0xffff  }
0xf6: {  	v26 =	vmul.u32 $0x48, v55;
	v23 =	vld.idx.msk [tilespmem:v23+s9+$0x0], $0xffff  }
0xf7: {  	v24 =	vld.idx.msk [tilespmem:v54+s9+$0x0], $0xffff  }
0xf8: {  	v56 =	vadd.s32 v1, v26  }
0xf9: {  	v57 =	vadd.s32 v2, v26;
	[tilespmem:s16+$0xFFFFFE50] =	vst v25  }
0xfa: {  	[tilespmem:s16+$0xFFFFFE60] =	vst v22;
	v22 =	vadd.s32 v3, v26  }
0xfb: {  	[tilespmem:s16+$0xFFFFFE70] =	vst v23;
	v23 =	vadd.s32 v4, v26  }
0xfc: {  	[tilespmem:s16+$0xFFFFFE80] =	vst v24  }
0xfd: {  	v58 =	vperm.xlane v21, v8;
	v24 =	vld.idx.msk [tilespmem:v56+s9+$0x0], $0xffff  }
0xfe: {  	v25 =	vld.idx.msk [tilespmem:v57+s9+$0x0], $0xffff  }
0xff: {  	v26 =	vmul.u32 $0x48, v58;
	v22 =	vld.idx.msk [tilespmem:v22+s9+$0x0], $0xffff  }
0x100: {  	v23 =	vld.idx.msk [tilespmem:v23+s9+$0x0], $0xffff  }
0x101: {  	v59 =	vadd.s32 v1, v26  }
0x102: {  	v60 =	vadd.s32 v2, v26;
	[tilespmem:s16+$0xFFFFFE98] =	vst v24  }
0x103: {  	v61 =	vadd.s32 v3, v26;
	[tilespmem:s16+$0xFFFFFEA8] =	vst v25  }
0x104: {  	[tilespmem:s16+$0xFFFFFEB8] =	vst v22;
	v22 =	vadd.s32 v4, v26  }
0x105: {  	[tilespmem:s16+$0xFFFFFEC8] =	vst v23  }
0x106: {  	v62 =	vperm.xlane v21, v9;
	v23 =	vld.idx.msk [tilespmem:v59+s9+$0x0], $0xffff  }
0x107: {  	v24 =	vld.idx.msk [tilespmem:v60+s9+$0x0], $0xffff  }
0x108: {  	v26 =	vmul.u32 $0x48, v62;
	v25 =	vld.idx.msk [tilespmem:v61+s9+$0x0], $0xffff  }
0x109: {  	v22 =	vld.idx.msk [tilespmem:v22+s9+$0x0], $0xffff  }
0x10a: {  	v63 =	vadd.s32 v1, v26  }
0x10b: {  	[tilespmem:s16+$0xFFFFFEE0] =	vst v23;
	v23 =	vadd.s32 v2, v26  }
0x10c: {  	v29 =	vadd.s32 v3, v26;
	[tilespmem:s16+$0xFFFFFEF0] =	vst v24  }
0x10d: {  	v30 =	vadd.s32 v4, v26;
	[tilespmem:s16+$0xFFFFFF00] =	vst v25  }
0x10e: {  	[tilespmem:s16+$0xFFFFFF10] =	vst v22  }
0x10f: {  	v31 =	vperm.xlane v21, v10;
	v22 =	vld.idx.msk [tilespmem:v63+s9+$0x0], $0xffff  }
0x110: {  	v23 =	vld.idx.msk [tilespmem:v23+s9+$0x0], $0xffff  }
0x111: {  	v26 =	vmul.u32 $0x48, v31;
	v24 =	vld.idx.msk [tilespmem:v29+s9+$0x0], $0xffff  }
0x112: {  	v25 =	vld.idx.msk [tilespmem:v30+s9+$0x0], $0xffff  }
0x113: {  	v32 =	vadd.s32 v1, v26  }
0x114: {  	[tilespmem:s16+$0xFFFFFF28] =	vst v22;
	v22 =	vadd.s32 v2, v26  }
0x115: {  	[tilespmem:s16+$0xFFFFFF38] =	vst v23;
	v23 =	vadd.s32 v3, v26  }
0x116: {  	v33 =	vadd.s32 v4, v26;
	[tilespmem:s16+$0xFFFFFF48] =	vst v24  }
0x117: {  	[tilespmem:s16+$0xFFFFFF58] =	vst v25  }
0x118: {  	v34 =	vperm.xlane v21, v11;
	v25 =	vld.idx.msk [tilespmem:v32+s9+$0x0], $0xffff  }
0x119: {  	v22 =	vld.idx.msk [tilespmem:v22+s9+$0x0], $0xffff  }
0x11a: {  	v26 =	vmul.u32 $0x48, v34;
	v23 =	vld.idx.msk [tilespmem:v23+s9+$0x0], $0xffff  }
0x11b: {  	v24 =	vld.idx.msk [tilespmem:v33+s9+$0x0], $0xffff  }
0x11c: {  	v35 =	vadd.s32 v1, v26  }
0x11d: {  	v36 =	vadd.s32 v2, v26;
	[tilespmem:s16+$0xFFFFFF70] =	vst v25  }
0x11e: {  	[tilespmem:s16+$0xFFFFFF80] =	vst v22;
	v22 =	vadd.s32 v3, v26  }
0x11f: {  	[tilespmem:s16+$0xFFFFFF90] =	vst v23;
	v23 =	vadd.s32 v4, v26  }
0x120: {  	[tilespmem:s16+$0xFFFFFFA0] =	vst v24  }
0x121: {  	v37 =	vperm.xlane v21, v12;
	v24 =	vld.idx.msk [tilespmem:v35+s9+$0x0], $0xffff  }
0x122: {  	v25 =	vld.idx.msk [tilespmem:v36+s9+$0x0], $0xffff  }
0x123: {  	v26 =	vmul.u32 $0x48, v37;
	v22 =	vld.idx.msk [tilespmem:v22+s9+$0x0], $0xffff  }
0x124: {  	v23 =	vld.idx.msk [tilespmem:v23+s9+$0x0], $0xffff  }
0x125: {  	v38 =	vadd.s32 v1, v26  }
0x126: {  	v39 =	vadd.s32 v2, v26;
	[tilespmem:s16+$0xFFFFFFB8] =	vst v24  }
0x127: {  	v40 =	vadd.s32 v3, v26;
	[tilespmem:s16+$0xFFFFFFC8] =	vst v25  }
0x128: {  	[tilespmem:s16+$0xFFFFFFD8] =	vst v22;
	v22 =	vadd.s32 v4, v26  }
0x129: {  	[tilespmem:s16+$0xFFFFFFE8] =	vst v23  }
0x12a: {  	v41 =	vperm.xlane v21, v13;
	v23 =	vld.idx.msk [tilespmem:v38+s9+$0x0], $0xffff  }
0x12b: {  	v24 =	vld.idx.msk [tilespmem:v39+s9+$0x0], $0xffff  }
0x12c: {  	v26 =	vmul.u32 $0x48, v41;
	v25 =	vld.idx.msk [tilespmem:v40+s9+$0x0], $0xffff  }
0x12d: {  	v22 =	vld.idx.msk [tilespmem:v22+s9+$0x0], $0xffff  }
0x12e: {  	v42 =	vadd.s32 v1, v26  }
0x12f: {  	[tilespmem:s16+$0x0] =	vst v23;
	v23 =	vadd.s32 v2, v26  }
0x130: {  	v43 =	vadd.s32 v3, v26;
	[tilespmem:s16+$0x10] =	vst v24  }
0x131: {  	v44 =	vadd.s32 v4, v26;
	[tilespmem:s16+$0x20] =	vst v25  }
0x132: {  	[tilespmem:s16+$0x30] =	vst v22  }
0x133: {  	v45 =	vperm.xlane v21, v14;
	v22 =	vld.idx.msk [tilespmem:v42+s9+$0x0], $0xffff  }
0x134: {  	v23 =	vld.idx.msk [tilespmem:v23+s9+$0x0], $0xffff  }
0x135: {  	v26 =	vmul.u32 $0x48, v45;
	v24 =	vld.idx.msk [tilespmem:v43+s9+$0x0], $0xffff  }
0x136: {  	v25 =	vld.idx.msk [tilespmem:v44+s9+$0x0], $0xffff  }
0x137: {  	v46 =	vadd.s32 v1, v26  }
0x138: {  	[tilespmem:s16+$0x48] =	vst v22;
	v22 =	vadd.s32 v2, v26  }
0x139: {  	[tilespmem:s16+$0x58] =	vst v23;
	v23 =	vadd.s32 v3, v26  }
0x13a: {  	v47 =	vadd.s32 v4, v26;
	[tilespmem:s16+$0x68] =	vst v24  }
0x13b: {  	[tilespmem:s16+$0x78] =	vst v25  }
0x13c: {  	v48 =	vperm.xlane v21, v15;
	v25 =	vld.idx.msk [tilespmem:v46+s9+$0x0], $0xffff  }
0x13d: {  	v22 =	vld.idx.msk [tilespmem:v22+s9+$0x0], $0xffff  }
0x13e: {  	v26 =	vmul.u32 $0x48, v48;
	v23 =	vld.idx.msk [tilespmem:v23+s9+$0x0], $0xffff  }
0x13f: {  	v24 =	vld.idx.msk [tilespmem:v47+s9+$0x0], $0xffff  }
0x140: {  	v49 =	vadd.s32 v1, v26  }
0x141: {  	v50 =	vadd.s32 v2, v26;
	[tilespmem:s16+$0x90] =	vst v25  }
0x142: {  	[tilespmem:s16+$0xA0] =	vst v22;
	v22 =	vadd.s32 v3, v26  }
0x143: {  	[tilespmem:s16+$0xB0] =	vst v23;
	v23 =	vadd.s32 v4, v26  }
0x144: {  	[tilespmem:s16+$0xC0] =	vst v24  }
0x145: {  	v51 =	vperm.xlane v21, v16;
	v24 =	vld.idx.msk [tilespmem:v49+s9+$0x0], $0xffff  }
0x146: {  	v25 =	vld.idx.msk [tilespmem:v50+s9+$0x0], $0xffff  }
0x147: {  	v26 =	vmul.u32 $0x48, v51;
	v22 =	vld.idx.msk [tilespmem:v22+s9+$0x0], $0xffff  }
0x148: {  	v23 =	vld.idx.msk [tilespmem:v23+s9+$0x0], $0xffff  }
0x149: {  	v52 =	vadd.s32 v1, v26  }
0x14a: {  	v53 =	vadd.s32 v2, v26;
	[tilespmem:s16+$0xD8] =	vst v24  }
0x14b: {  	v54 =	vadd.s32 v3, v26;
	[tilespmem:s16+$0xE8] =	vst v25  }
0x14c: {  	[tilespmem:s16+$0xF8] =	vst v22;
	v22 =	vadd.s32 v4, v26  }
0x14d: {  	[tilespmem:s16+$0x108] =	vst v23  }
0x14e: {  	v55 =	vperm.xlane v21, v17;
	v23 =	vld.idx.msk [tilespmem:v52+s9+$0x0], $0xffff  }
0x14f: {  	v24 =	vld.idx.msk [tilespmem:v53+s9+$0x0], $0xffff  }
0x150: {  	v26 =	vmul.u32 $0x48, v55;
	v25 =	vld.idx.msk [tilespmem:v54+s9+$0x0], $0xffff  }
0x151: {  	v22 =	vld.idx.msk [tilespmem:v22+s9+$0x0], $0xffff  }
0x152: {  	v56 =	vadd.s32 v1, v26  }
0x153: {  	v57 =	vadd.s32 v3, v26;
	[tilespmem:s16+$0x120] =	vst v23  }
0x154: {  	v23 =	vadd.s32 v2, v26;
	[tilespmem:s16+$0x130] =	vst v24  }
0x155: {  	v58 =	vadd.s32 v4, v26;
	[tilespmem:s16+$0x140] =	vst v25  }
0x156: {  	[tilespmem:s16+$0x150] =	vst v22  }
0x157: {  	v59 =	vperm.xlane v21, v18;
	v22 =	vld.idx.msk [tilespmem:v56+s9+$0x0], $0xffff  }
0x158: {  	v24 =	vld.idx.msk [tilespmem:v57+s9+$0x0], $0xffff  }
0x159: {  	v26 =	vmul.u32 $0x48, v59;
	v23 =	vld.idx.msk [tilespmem:v23+s9+$0x0], $0xffff  }
0x15a: {  	v25 =	vld.idx.msk [tilespmem:v58+s9+$0x0], $0xffff  }
0x15b: {  	v60 =	vadd.s32 v1, v26  }
0x15c: {  	[tilespmem:s16+$0x168] =	vst v22;
	v22 =	vadd.s32 v2, v26  }
0x15d: {  	v61 =	vadd.s32 v4, v26;
	[tilespmem:s16+$0x188] =	vst v24  }
0x15e: {  	[tilespmem:s16+$0x178] =	vst v23;
	v23 =	vadd.s32 v3, v26  }
0x15f: {  	[tilespmem:s16+$0x198] =	vst v25  }
0x160: {  	v21 =	vperm.xlane v21, v19;
	v25 =	vld.idx.msk [tilespmem:v60+s9+$0x0], $0xffff  }
0x161: {  	v22 =	vld.idx.msk [tilespmem:v22+s9+$0x0], $0xffff  }
0x162: {  	v21 =	vmul.u32 $0x48, v21;
	v24 =	vld.idx.msk [tilespmem:v61+s9+$0x0], $0xffff  }
0x163: {  	v23 =	vld.idx.msk [tilespmem:v23+s9+$0x0], $0xffff  }
0x164: {  	v62 =	vadd.s32 v1, v21  }
0x165: {  	v63 =	vadd.s32 v2, v21;
	[tilespmem:s16+$0x1B0] =	vst v25  }
0x166: {  	[tilespmem:s16+$0x1C0] =	vst v22;
	v22 =	vadd.s32 v3, v21  }
0x167: {  	v21 =	vadd.s32 v4, v21;
	[tilespmem:s16+$0x1E0] =	vst v24  }
0x168: {  	[tilespmem:s16+$0x1D0] =	vst v23  }
0x169: {  	v23 =	vld.idx.msk [tilespmem:v62+s9+$0x0], $0xffff  }
0x16a: {  	v24 =	vld.idx.msk [tilespmem:v63+s9+$0x0], $0xffff  }
0x16b: {  	v22 =	vld.idx.msk [tilespmem:v22+s9+$0x0], $0xffff  }
0x16c: {  	p0 =	sne.s32 s15, $0x3C0;
	v21 =	vld.idx.msk [tilespmem:v21+s9+$0x0], $0xffff  }
.Ltmp9:
0x16d: {  	_ = 	snop;
	(pc) =	sbr.rel @p0 .LBB2_6-.Ltmp9, $4  }
0x16e: {  	[tilespmem:s16+$0x1F8] =	vst v23  }
0x16f: {  	[tilespmem:s16+$0x208] =	vst v24  }
0x170: {  	[tilespmem:s16+$0x218] =	vst v22  }
0x171: {  	s15 =	sadd.s32 $0x40, s15;
	[tilespmem:s16+$0x228] =	vst v21;
	s16 =	sadd.s32 $0x480, s16  }
0x172: {  	s15 =	sshll.u32 s14, $0x10  }
0x173: {  	s15 =	sadd.s32 s6, s15  }
0x174: {  	s15 =	sshrl.u32 s15, $0x3  }
0x175: {  	s16 =	simm.s32 $0x12800;
	s15 =	sadd.s32 s3, s15  }
0x176: {  	s17 =	simm.s32 $0x20;
	s18 =	simm.s32 $0x12848;
	s19 =	sadd.s32 $0x0, s15  }
.LBB2_8:
0x177: {  	[hbm4b:s19+s2] =	stream.linear.scatter [tilespmem:s16], [sflag:$0x1], $0x40, $0x38;
	[tilespmem:$0x1B800] =	vst v63  }
0x178: {  	s19 =	smov.u32 s17;
	s16 =	smov.u32 s18;
	p0 =	seq.s32 s17, $0x1FE0  }
.Ltmp10:
0x179: {  	s17 =	sadd.s32 $0x20, s17;
	(pc) =	sbr.rel @!p0 .LBB2_8-.Ltmp10, $2  }
0x17a: {  	_ =	sdelay $0x2  }
0x17b: {  	s18 =	sadd.s32 $0x48, s18;
	s19 =	sadd.s32 s19, s15  }
.Ltmp11:
0x17c: {  	_ = 	snop;
	(pc) =	sbr.rel .LBB2_9-.Ltmp11, $1  }
0x17d: {  	_ =	sdelay $0x3  }
.LBB2_17:
0x17e: {  	_ =	sfence.sel $0x180000  }
0x17f: {  	[bflag:$0x0] =	sbarrier.arrive $0xFFFF  }
0x180: {  	p0 =	sne.s32 s1, $0x0;
	_ =	strace $0x90000047  }
0x181: {  	s0 =	sadd.s32 @!p0 $0x100000, s0;
	[bflag:$0x2] =	sbarrier.arrive $0xFFFF  }
0x182: {  	[sflag:s0] =	ssyncadd.tile.s32 @!p0 $0x1;
	_ =	shalt  }
.Lfunc_end2:
_tile_overlayer_lowered:
.L_overlay_start_2:
0x183: {  	(tag) =	ssettag $0x2  }
0x184: {  	s0 =	rddreg [dreg:$0x0];
	s2 =	stileid.u32  }
0x185: {  	s1 =	rddreg [dreg:$0x1];
	p0 =	sne.s32 s2, $0x0  }
0x186: {  	s3 =	rddreg [dreg:$0x2];
	[bflag:$0x3] =	sbarrier.arrive $0xFFFF;
	s2 =	simm.s32 @!p0 $0x1C03  }
0x187: {  	[timem:s3], [sflag:s2] =	dma.local @!p0 [hbm:s0], s1  }
0x188: {  	s0 =	simm.s32 @!p0 $0x3  }
0x189: {  	_ =	swait.ge @!p0 [sflag:s0], s1  }
0x18a: {  	s1 =	ssub.s32 @!p0 $0x0, s1;
	[sflag:s0] =	ssyncset.done @!p0 $0x0  }
0x18b: {  	[sflag:s0] =	ssyncadd.s32 @!p0 s1  }
0x18c: {  	[bflag:$0x3] =	sbarrier.arrive $0xFFFF  }
0x18d: {  	_ =	shalt  }

</sc_bundles>
